<compile_context>
chip_gen: v7x
topology: tpu7x:2x2x1
jax: 0.10.2.dev20260603
libtpu: 0.0.44.dev20260713+nightly
codegen_flags: <defaults>
</compile_context>

<pallas_src>
import jax
import jax.numpy as jnp
from jax import lax
from jax.experimental import pallas as pl
from jax.experimental.pallas import tpu as pltpu
from jax.experimental.pallas import tpu_sc as plsc

_N = 10000
_E = 320000
_G = 16

_NTILES = 16
_NCORES = 2
_NPAD = 10240
_EPW = _E // (_NCORES * _NTILES)
_CH = 128
_NP = 76
_CT = 16
_RPT = _NPAD // _NTILES
_RCH = 64
_NRC = _RPT // _RCH



def _fc1_body(x_ref, w_ref, b_ref, o_ref):
    o_ref[...] = jnp.maximum(
        jnp.dot(x_ref[...], w_ref[...], preferred_element_type=jnp.float32)
        + b_ref[...], 0.0)


def _fc1(xp, W1p, b1r):
    nb = 2048
    return pl.pallas_call(
        _fc1_body,
        grid=(_NPAD // nb,),
        in_specs=[
            pl.BlockSpec((nb, 8), lambda i: (i, 0)),
            pl.BlockSpec((8, 128), lambda i: (0, 0)),
            pl.BlockSpec((1, 128), lambda i: (0, 0)),
        ],
        out_specs=pl.BlockSpec((nb, 128), lambda i: (i, 0)),
        out_shape=jax.ShapeDtypeStruct((_NPAD, 128), jnp.float32),
    )(xp, W1p, b1r)



def _segsum_body(h_hbm, src_hbm, dst_hbm, z_hbm, out_hbm,
                 acc, sv0, sv1, sv2, sv3, dv0, dv1, dv2, dv3,
                 rv0, rv1, svt, dvt, rvt, obuf, isem, gsem, ssem):
    c = lax.axis_index("c")
    s = lax.axis_index("s")
    w = c * _NTILES + s
    rbase = s * _RPT
    src_v = [sv0, sv1, sv2, sv3]
    dst_v = [dv0, dv1, dv2, dv3]
    rows_v = [rv0, rv1]

    pltpu.sync_copy(z_hbm, obuf)

    def zk(k, carry):
        pltpu.sync_copy(obuf, acc.at[pl.ds(rbase + k * _RCH, _RCH)])
        return carry
    lax.fori_loop(0, _NRC, zk, 0)
    plsc.subcore_barrier()

    ebase = w * _EPW

    def issue_idx(j, bi):
        base = ebase + j * _CH
        pltpu.async_copy(src_hbm.at[pl.ds(base, _CH)], src_v[bi],
                         isem.at[bi])
        pltpu.async_copy(dst_hbm.at[pl.ds(base, _CH)], dst_v[bi],
                         isem.at[bi])

    def wait_idx(j, bi):
        base = ebase + j * _CH
        pltpu.make_async_copy(src_hbm.at[pl.ds(base, _CH)], src_v[bi],
                              isem.at[bi]).wait()
        pltpu.make_async_copy(dst_hbm.at[pl.ds(base, _CH)], dst_v[bi],
                              isem.at[bi]).wait()

    def issue_gather(bi, br):
        pltpu.async_copy(h_hbm.at[src_v[bi]], rows_v[br], gsem.at[br])

    def wait_gather(bi, br):
        pltpu.make_async_copy(h_hbm.at[src_v[bi]], rows_v[br],
                              gsem.at[br]).wait()

    def issue_scatter(bi, br):
        pltpu.async_copy(rows_v[br], acc.at[dst_v[bi]], ssem.at[br],
                         add=True)

    def wait_scatter(bi, br):
        pltpu.make_async_copy(rows_v[br], acc.at[dst_v[bi]],
                              ssem.at[br]).wait()

    issue_idx(0, 0)
    issue_idx(1, 1)
    issue_idx(2, 2)
    wait_idx(0, 0)
    issue_gather(0, 0)
    wait_gather(0, 0)
    issue_scatter(0, 0)
    issue_idx(3, 3)
    wait_idx(1, 1)
    issue_gather(1, 1)
    wait_gather(1, 1)
    issue_scatter(1, 1)
    wait_scatter(0, 0)
    issue_idx(4, 0)
    wait_idx(2, 2)
    issue_gather(2, 0)
    wait_gather(2, 0)
    issue_scatter(2, 0)
    wait_scatter(1, 1)
    issue_idx(5, 1)
    wait_idx(3, 3)
    issue_gather(3, 1)
    wait_gather(3, 1)
    issue_scatter(3, 1)
    wait_scatter(2, 0)
    issue_idx(6, 2)
    wait_idx(4, 0)
    issue_gather(0, 0)

    def group(jo, carry):
        for b in range(4):
            j = jo * 4 + b
            br = b % 2
            wait_gather(b, br)
            issue_scatter(b, br)
            wait_scatter((b - 1) % 4, br ^ 1)
            issue_idx(j + 3, (b - 1) % 4)
            wait_idx(j + 1, (b + 1) % 4)
            issue_gather((b + 1) % 4, br ^ 1)
        return carry
    lax.fori_loop(1, (_NP - 4) // 4, group, 0)

    wait_gather(0, 0)
    issue_scatter(0, 0)
    wait_scatter(3, 1)
    issue_idx(_NP - 1, 3)
    wait_idx(_NP - 3, 1)
    issue_gather(1, 1)
    wait_gather(1, 1)
    issue_scatter(1, 1)
    wait_scatter(0, 0)
    wait_idx(_NP - 2, 2)
    issue_gather(2, 0)
    wait_gather(2, 0)
    issue_scatter(2, 0)
    wait_scatter(1, 1)
    wait_idx(_NP - 1, 3)
    issue_gather(3, 1)
    wait_gather(3, 1)
    issue_scatter(3, 1)
    wait_scatter(2, 0)
    wait_scatter(3, 1)

    for base in (ebase + _NP * _CH, ebase + (_NP + 1) * _CH):
        pltpu.sync_copy(src_hbm.at[pl.ds(base, _CH)], sv0)
        pltpu.sync_copy(dst_hbm.at[pl.ds(base, _CH)], dv0)
        pltpu.async_copy(h_hbm.at[sv0], rv0, gsem.at[0]).wait()
        pltpu.sync_copy(rv0, acc.at[dv0], add=True)
    tb = ebase + (_NP + 2) * _CH
    pltpu.sync_copy(src_hbm.at[pl.ds(tb, _CT)], svt)
    pltpu.sync_copy(dst_hbm.at[pl.ds(tb, _CT)], dvt)
    pltpu.async_copy(h_hbm.at[svt], rvt, gsem.at[0]).wait()
    pltpu.sync_copy(rvt, acc.at[dvt], add=True)
    plsc.subcore_barrier()

    def ok(k, carry):
        r = rbase + k * _RCH
        pltpu.sync_copy(acc.at[pl.ds(r, _RCH)], obuf)
        pltpu.sync_copy(obuf, out_hbm.at[c, pl.ds(r, _RCH)])
        return carry
    lax.fori_loop(0, _NRC, ok, 0)


def _segsum(h, src, dst, zrows):
    mesh = plsc.VectorSubcoreMesh(core_axis_name="c", subcore_axis_name="s")
    ivec = pltpu.VMEM((_CH,), jnp.int32)
    rbuf = pltpu.VMEM((_CH, 128), jnp.float32)
    f = pl.kernel(
        _segsum_body,
        mesh=mesh,
        out_type=jax.ShapeDtypeStruct((_NCORES, _NPAD, 128), jnp.float32),
        scratch_types=[
            pltpu.VMEM_SHARED((_NPAD, 128), jnp.float32),
            ivec, ivec, ivec, ivec,
            ivec, ivec, ivec, ivec,
            rbuf, rbuf,
            pltpu.VMEM((_CT,), jnp.int32),
            pltpu.VMEM((_CT,), jnp.int32),
            pltpu.VMEM((_CT, 128), jnp.float32),
            pltpu.VMEM((_RCH, 128), jnp.float32),
            pltpu.SemaphoreType.DMA((4,)),
            pltpu.SemaphoreType.DMA((2,)),
            pltpu.SemaphoreType.DMA((2,)),
        ],
    )
    return f(h, src, dst, zrows)



def _tail_body(h_ref, s0_ref, s1_ref, bb_ref, wr_ref, wn_ref, bc_ref,
               w2_ref, b2_ref, wmu_ref, bmu_ref, wlv_ref, blv_ref,
               mu_ref, lv_ref, acc_ref):
    i = pl.program_id(0)
    nsteps = pl.num_programs(0)

    @pl.when(i == 0)
    def _():
        acc_ref[...] = jnp.full((_G, 128), -jnp.inf, jnp.float32)

    h = h_ref[...]
    sagg = s0_ref[0] + s1_ref[0]
    h2 = (jnp.dot(h, wr_ref[...], preferred_element_type=jnp.float32)
          + jnp.dot(sagg, wn_ref[...], preferred_element_type=jnp.float32)
          + bc_ref[...])
    h3 = jnp.maximum(
        jnp.dot(h2, w2_ref[...], preferred_element_type=jnp.float32)
        + b2_ref[...], 0.0)

    bb = bb_ref[...]
    glo = bb[0, 0]
    ghi = bb[bb.shape[0] - 1, 0]

    def gstep(g, carry):
        red = jnp.max(jnp.where(bb == g, h3, -jnp.inf), axis=0,
                      keepdims=True)
        cur = acc_ref[pl.ds(g, 1), :]
        acc_ref[pl.ds(g, 1), :] = jnp.maximum(cur, red)
        return carry
    lax.fori_loop(glo, ghi + 1, gstep, 0)

    @pl.when(i == nsteps - 1)
    def _():
        pooled = acc_ref[...]
        mu_ref[...] = (jnp.dot(pooled, wmu_ref[...],
                               preferred_element_type=jnp.float32)
                       + bmu_ref[...])
        lv_ref[...] = (jnp.dot(pooled, wlv_ref[...],
                               preferred_element_type=jnp.float32)
                       + blv_ref[...])


def _tail(h, partials, bb, Wroot, Wnbr, bcr, W2, b2r, Wmu, bmur, Wlv, blvr):
    nb = 2000
    full = lambda r, c: pl.BlockSpec((r, c), lambda i: (0, 0))
    return pl.pallas_call(
        _tail_body,
        grid=(_N // nb,),
        in_specs=[
            pl.BlockSpec((nb, 128), lambda i: (i, 0)),
            pl.BlockSpec((1, nb, 128), lambda i: (0, i, 0)),
            pl.BlockSpec((1, nb, 128), lambda i: (1, i, 0)),
            pl.BlockSpec((nb, 128), lambda i: (i, 0)),
            full(128, 256),
            full(128, 256),
            full(1, 256),
            full(256, 128),
            full(1, 128),
            full(128, 128),
            full(1, 128),
            full(128, 128),
            full(1, 128),
        ],
        out_specs=[full(_G, 128), full(_G, 128)],
        out_shape=[jax.ShapeDtypeStruct((_G, 128), jnp.float32),
                   jax.ShapeDtypeStruct((_G, 128), jnp.float32)],
        scratch_shapes=[pltpu.VMEM((_G, 128), jnp.float32)],
    )(h, partials, partials, bb, Wroot, Wnbr, bcr, W2, b2r, Wmu, bmur,
      Wlv, blvr)


def kernel(x, edge_index, batch, W1, b1, Wroot, Wnbr, bconv, W2, b2,
           Wmu, bmu, Wlv, blv):
    src = edge_index[0]
    dst = edge_index[1]
    xp = jnp.pad(x, ((0, _NPAD - _N), (0, 5)))
    W1p = jnp.pad(W1, ((0, 5), (0, 0)))
    h = _fc1(xp, W1p, b1.reshape(1, 128))
    zrows = jnp.zeros((_RCH, 128), jnp.float32)
    bb = jnp.broadcast_to(batch[:, None], (_N, 128))
    partials = _segsum(h, src, dst, zrows)
    mu, lv = _tail(h, partials, bb, Wroot, Wnbr,
                   bconv.reshape(1, 256), W2, b2.reshape(1, 128),
                   Wmu, bmu.reshape(1, 128), Wlv, blv.reshape(1, 128))
    return (mu, lv)

# --- scband reference (transcript-rebuilt; emitter-appended) ---
"""Pipeline reference for scband-point-cloud-encoder-64338610094101 (READ-ONLY COPY).

The authoritative reference and input builder live on the scoring server;
editing this copy changes nothing except your own understanding.
"""

import jax, jax.numpy as jnp
import numpy as np

N = 10000
E = 320000
G = 16
LATENT = 128


def setup_inputs(seed: int = 0) -> dict:
    key = jax.random.key(seed)
    ks = jax.random.split(key, 16)
    x = jax.random.normal(ks[0], (N, 3), dtype=jnp.float32)
    edge_index = jax.random.randint(ks[1], (2, E), 0, N, dtype=jnp.int32)
    batch = jnp.sort(jax.random.randint(ks[2], (N,), 0, G, dtype=jnp.int32))
    def lin(k, fan_in, fan_out):
        s = 1.0 / np.sqrt(fan_in)
        kw, kb = jax.random.split(k)
        W = jax.random.uniform(kw, (fan_in, fan_out), jnp.float32, -s, s)
        b = jax.random.uniform(kb, (fan_out,), jnp.float32, -s, s)
        return W, b
    W1, b1 = lin(ks[3], 3, 128)
    Wroot, _ = lin(ks[4], 128, 256)
    Wnbr, bconv = lin(ks[5], 128, 256)
    W2, b2 = lin(ks[6], 256, 128)
    Wmu, bmu = lin(ks[7], 128, LATENT)
    Wlv, blv = lin(ks[8], 128, LATENT)
    return {"x": x, "edge_index": edge_index, "batch": batch,
            "W1": W1, "b1": b1, "Wroot": Wroot, "Wnbr": Wnbr, "bconv": bconv,
            "W2": W2, "b2": b2, "Wmu": Wmu, "bmu": bmu, "Wlv": Wlv, "blv": blv}


def reference(x, edge_index, batch, W1, b1, Wroot, Wnbr, bconv, W2, b2, Wmu, bmu, Wlv, blv):
    # fc1 + relu
    h = jax.nn.relu(x @ W1 + b1)
    # NNConv-style message passing (sum aggregation, root weight):
    # out_i = W_root h_i + sum_{j->i} W_nbr h_j + b
    src = edge_index[0]
    dst = edge_index[1]
    msg = jnp.take(h, src, axis=0) @ Wnbr
    agg = jax.ops.segment_sum(msg, dst, num_segments=h.shape[0])
    h2 = h @ Wroot + agg + bconv
    # fc2 + relu
    h3 = jax.nn.relu(h2 @ W2 + b2)
    # global_max_pool over graph ids
    pooled = jax.ops.segment_max(h3, batch, num_segments=G)
    mu = pooled @ Wmu + bmu
    logvar = pooled @ Wlv + blv
    return (mu, logvar)

if __name__ == "__main__":
    import jax
    _d = setup_inputs()
    print(jax.jit(kernel)(*tuple(_d.values())))

</pallas_src>

<mosaic_0001>
#map = affine_map<(d0, d1) -> (0, 0)>
#map1 = affine_map<(d0, d1) -> (0)>
#map2 = affine_map<(d0, d1) -> (0, 0, 0)>
module attributes {stable_mosaic.version = 14 : i64} {
  func.func @_segsum_body(%arg0: i32, %arg1: i32, %arg2: memref<10240x128xf32, #tpu.memory_space<hbm>>, %arg3: memref<320000xi32, #tpu.memory_space<hbm>>, %arg4: memref<320000xi32, #tpu.memory_space<hbm>>, %arg5: memref<64x128xf32, #tpu.memory_space<hbm>>, %arg6: memref<2x10240x128xf32, #tpu.memory_space<hbm>>, %arg7: memref<10240x128xf32, #tpu.memory_space<vmem_shared>>, %arg8: memref<128xi32, #tpu.memory_space<vmem>>, %arg9: memref<128xi32, #tpu.memory_space<vmem>>, %arg10: memref<128xi32, #tpu.memory_space<vmem>>, %arg11: memref<128xi32, #tpu.memory_space<vmem>>, %arg12: memref<128xi32, #tpu.memory_space<vmem>>, %arg13: memref<128xi32, #tpu.memory_space<vmem>>, %arg14: memref<128xi32, #tpu.memory_space<vmem>>, %arg15: memref<128xi32, #tpu.memory_space<vmem>>, %arg16: memref<128x128xf32, #tpu.memory_space<vmem>>, %arg17: memref<128x128xf32, #tpu.memory_space<vmem>>, %arg18: memref<16xi32, #tpu.memory_space<vmem>>, %arg19: memref<16xi32, #tpu.memory_space<vmem>>, %arg20: memref<16x128xf32, #tpu.memory_space<vmem>>, %arg21: memref<64x128xf32, #tpu.memory_space<vmem>>, %arg22: memref<4x!tpu.dma_semaphore, #tpu.memory_space<semaphore_mem>>, %arg23: memref<2x!tpu.dma_semaphore, #tpu.memory_space<semaphore_mem>>, %arg24: memref<2x!tpu.dma_semaphore, #tpu.memory_space<semaphore_mem>>) attributes {dimension_semantics = [#tpu.dimension_semantics<core_parallel>, #tpu.dimension_semantics<subcore_parallel>], iteration_bounds = array<i64: 2, 16>, scalar_prefetch = 0 : i64, scratch_operands = 18 : i64, tpu.core_type = #tpu.core_type<sc_vector_subcore>, window_params = [{transform_indices = #map}, {transform_indices = #map1}, {transform_indices = #map1}, {transform_indices = #map}, {transform_indices = #map2}]} {
    %mul3A = arith.constant 16 : i32
    %mul3A_0 = arith.muli %arg0, %mul3A : i32
    %add3A = arith.addi %mul3A_0, %arg1 : i32
    %mul3A_1 = arith.constant 640 : i32
    %mul3A_2 = arith.muli %arg1, %mul3A_1 : i32
    "tpu.region"() ({
      %run_scoped3A = tpu.sem_alloc : memref<!tpu.dma_semaphore, #tpu.memory_space<semaphore_mem>>
      tpu.enqueue_dma source(%arg5 : memref<64x128xf32, #tpu.memory_space<hbm>>) target(%arg21 : memref<64x128xf32, #tpu.memory_space<vmem>>) target_semaphore(%run_scoped3A : memref<!tpu.dma_semaphore, #tpu.memory_space<semaphore_mem>>)
      tpu.wait_dma2 semaphore(%run_scoped3A : memref<!tpu.dma_semaphore, #tpu.memory_space<semaphore_mem>>) src(%arg5 : memref<64x128xf32, #tpu.memory_space<hbm>>) dst(%arg21 : memref<64x128xf32, #tpu.memory_space<vmem>>)
      tpu.yield
    }) : () -> ()
    %scan3A = arith.constant 0 : i32
    %scan3A_3 = arith.constant 0 : i32
    %scan3A_4 = arith.constant 10 : i32
    %scan3A_5 = arith.addi %scan3A_3, %scan3A_4 : i32
    %scan3A_6 = arith.constant 1 : i32
    scf.for %scan3A_447 = %scan3A_3 to %scan3A_5 step %scan3A_6  : i32 {
      %mul3A_448 = arith.constant 64 : i32
      %mul3A_449 = arith.muli %scan3A_447, %mul3A_448 : i32
      %add3A_450 = arith.addi %mul3A_2, %mul3A_449 : i32
      "tpu.region"() ({
        %run_scoped3A = tpu.sem_alloc : memref<!tpu.dma_semaphore, #tpu.memory_space<semaphore_mem>>
        %dma_start3A_451 = arith.constant 0 : i32
        %dma_start3A_452 = tpu.memref_slice %arg7[%add3A_450, %dma_start3A_451] : memref<10240x128xf32, #tpu.memory_space<vmem_shared>> -> memref<64x128xf32, #tpu.memory_space<vmem_shared>>
        %dma_start3A_453 = arith.constant 0 : i32
        %dma_start3A_454 = tpu.memref_slice %arg7[%add3A_450, %dma_start3A_453] : memref<10240x128xf32, #tpu.memory_space<vmem_shared>> -> memref<64x128xf32, #tpu.memory_space<vmem_shared>>
        tpu.enqueue_dma source(%arg21 : memref<64x128xf32, #tpu.memory_space<vmem>>) target(%dma_start3A_454 : memref<64x128xf32, #tpu.memory_space<vmem_shared>>) target_semaphore(%run_scoped3A : memref<!tpu.dma_semaphore, #tpu.memory_space<semaphore_mem>>)
        %dma_wait3A_455 = arith.constant 0 : i32
        %dma_wait3A_456 = tpu.memref_slice %arg7[%add3A_450, %dma_wait3A_455] : memref<10240x128xf32, #tpu.memory_space<vmem_shared>> -> memref<64x128xf32, #tpu.memory_space<vmem_shared>>
        %dma_wait3A_457 = arith.constant 0 : i32
        %dma_wait3A_458 = tpu.memref_slice %arg7[%add3A_450, %dma_wait3A_457] : memref<10240x128xf32, #tpu.memory_space<vmem_shared>> -> memref<64x128xf32, #tpu.memory_space<vmem_shared>>
        tpu.wait_dma2 semaphore(%run_scoped3A : memref<!tpu.dma_semaphore, #tpu.memory_space<semaphore_mem>>) src(%arg21 : memref<64x128xf32, #tpu.memory_space<vmem>>) dst(%dma_wait3A_458 : memref<64x128xf32, #tpu.memory_space<vmem_shared>>)
        tpu.yield
      }) : () -> ()
    }
    %scan3A_7 = arith.constant 10 : i32
    %barrier3A = arith.constant 0 : index
    tpu.barrier barrier_id(%barrier3A)
    %mul3A_8 = arith.constant 10000 : i32
    %mul3A_9 = arith.muli %add3A, %mul3A_8 : i32
    %add3A_10 = arith.constant 0 : i32
    %add3A_11 = arith.addi %mul3A_9, %add3A_10 : i32
    %dma_start3A = arith.constant 0 : i32
    %dma_start3A_12 = tpu.memref_slice %arg3[%add3A_11] : memref<320000xi32, #tpu.memory_space<hbm>> -> memref<128xi32, #tpu.memory_space<hbm>>
    %dma_start3A_13 = tpu.memref_slice %arg22[%dma_start3A] : memref<4x!tpu.dma_semaphore, #tpu.memory_space<semaphore_mem>> -> memref<1x!tpu.dma_semaphore, #tpu.memory_space<semaphore_mem>>
    %dma_start3A_14 = tpu.memref_squeeze %dma_start3A_13 : memref<1x!tpu.dma_semaphore, #tpu.memory_space<semaphore_mem>> -> memref<!tpu.dma_semaphore, #tpu.memory_space<semaphore_mem>>
    %dma_start3A_15 = tpu.memref_slice %arg3[%add3A_11] : memref<320000xi32, #tpu.memory_space<hbm>> -> memref<128xi32, #tpu.memory_space<hbm>>
    tpu.enqueue_dma source(%dma_start3A_15 : memref<128xi32, #tpu.memory_space<hbm>>) target(%arg8 : memref<128xi32, #tpu.memory_space<vmem>>) target_semaphore(%dma_start3A_14 : memref<!tpu.dma_semaphore, #tpu.memory_space<semaphore_mem>>)
    %dma_start3A_16 = arith.constant 0 : i32
    %dma_start3A_17 = tpu.memref_slice %arg4[%add3A_11] : memref<320000xi32, #tpu.memory_space<hbm>> -> memref<128xi32, #tpu.memory_space<hbm>>
    %dma_start3A_18 = tpu.memref_slice %arg22[%dma_start3A_16] : memref<4x!tpu.dma_semaphore, #tpu.memory_space<semaphore_mem>> -> memref<1x!tpu.dma_semaphore, #tpu.memory_space<semaphore_mem>>
    %dma_start3A_19 = tpu.memref_squeeze %dma_start3A_18 : memref<1x!tpu.dma_semaphore, #tpu.memory_space<semaphore_mem>> -> memref<!tpu.dma_semaphore, #tpu.memory_space<semaphore_mem>>
    %dma_start3A_20 = tpu.memref_slice %arg4[%add3A_11] : memref<320000xi32, #tpu.memory_space<hbm>> -> memref<128xi32, #tpu.memory_space<hbm>>
    tpu.enqueue_dma source(%dma_start3A_20 : memref<128xi32, #tpu.memory_space<hbm>>) target(%arg12 : memref<128xi32, #tpu.memory_space<vmem>>) target_semaphore(%dma_start3A_19 : memref<!tpu.dma_semaphore, #tpu.memory_space<semaphore_mem>>)
    %add3A_21 = arith.constant 128 : i32
    %add3A_22 = arith.addi %mul3A_9, %add3A_21 : i32
    %dma_start3A_23 = arith.constant 1 : i32
    %dma_start3A_24 = tpu.memref_slice %arg3[%add3A_22] : memref<320000xi32, #tpu.memory_space<hbm>> -> memref<128xi32, #tpu.memory_space<hbm>>
    %dma_start3A_25 = tpu.memref_slice %arg22[%dma_start3A_23] : memref<4x!tpu.dma_semaphore, #tpu.memory_space<semaphore_mem>> -> memref<1x!tpu.dma_semaphore, #tpu.memory_space<semaphore_mem>>
    %dma_start3A_26 = tpu.memref_squeeze %dma_start3A_25 : memref<1x!tpu.dma_semaphore, #tpu.memory_space<semaphore_mem>> -> memref<!tpu.dma_semaphore, #tpu.memory_space<semaphore_mem>>
    %dma_start3A_27 = tpu.memref_slice %arg3[%add3A_22] : memref<320000xi32, #tpu.memory_space<hbm>> -> memref<128xi32, #tpu.memory_space<hbm>>
    tpu.enqueue_dma source(%dma_start3A_27 : memref<128xi32, #tpu.memory_space<hbm>>) target(%arg9 : memref<128xi32, #tpu.memory_space<vmem>>) target_semaphore(%dma_start3A_26 : memref<!tpu.dma_semaphore, #tpu.memory_space<semaphore_mem>>)
    %dma_start3A_28 = arith.constant 1 : i32
    %dma_start3A_29 = tpu.memref_slice %arg4[%add3A_22] : memref<320000xi32, #tpu.memory_space<hbm>> -> memref<128xi32, #tpu.memory_space<hbm>>
    %dma_start3A_30 = tpu.memref_slice %arg22[%dma_start3A_28] : memref<4x!tpu.dma_semaphore, #tpu.memory_space<semaphore_mem>> -> memref<1x!tpu.dma_semaphore, #tpu.memory_space<semaphore_mem>>
    %dma_start3A_31 = tpu.memref_squeeze %dma_start3A_30 : memref<1x!tpu.dma_semaphore, #tpu.memory_space<semaphore_mem>> -> memref<!tpu.dma_semaphore, #tpu.memory_space<semaphore_mem>>
    %dma_start3A_32 = tpu.memref_slice %arg4[%add3A_22] : memref<320000xi32, #tpu.memory_space<hbm>> -> memref<128xi32, #tpu.memory_space<hbm>>
    tpu.enqueue_dma source(%dma_start3A_32 : memref<128xi32, #tpu.memory_space<hbm>>) target(%arg13 : memref<128xi32, #tpu.memory_space<vmem>>) target_semaphore(%dma_start3A_31 : memref<!tpu.dma_semaphore, #tpu.memory_space<semaphore_mem>>)
    %add3A_33 = arith.constant 256 : i32
    %add3A_34 = arith.addi %mul3A_9, %add3A_33 : i32
    %dma_start3A_35 = arith.constant 2 : i32
    %dma_start3A_36 = tpu.memref_slice %arg3[%add3A_34] : memref<320000xi32, #tpu.memory_space<hbm>> -> memref<128xi32, #tpu.memory_space<hbm>>
    %dma_start3A_37 = tpu.memref_slice %arg22[%dma_start3A_35] : memref<4x!tpu.dma_semaphore, #tpu.memory_space<semaphore_mem>> -> memref<1x!tpu.dma_semaphore, #tpu.memory_space<semaphore_mem>>
    %dma_start3A_38 = tpu.memref_squeeze %dma_start3A_37 : memref<1x!tpu.dma_semaphore, #tpu.memory_space<semaphore_mem>> -> memref<!tpu.dma_semaphore, #tpu.memory_space<semaphore_mem>>
    %dma_start3A_39 = tpu.memref_slice %arg3[%add3A_34] : memref<320000xi32, #tpu.memory_space<hbm>> -> memref<128xi32, #tpu.memory_space<hbm>>
    tpu.enqueue_dma source(%dma_start3A_39 : memref<128xi32, #tpu.memory_space<hbm>>) target(%arg10 : memref<128xi32, #tpu.memory_space<vmem>>) target_semaphore(%dma_start3A_38 : memref<!tpu.dma_semaphore, #tpu.memory_space<semaphore_mem>>)
    %dma_start3A_40 = arith.constant 2 : i32
    %dma_start3A_41 = tpu.memref_slice %arg4[%add3A_34] : memref<320000xi32, #tpu.memory_space<hbm>> -> memref<128xi32, #tpu.memory_space<hbm>>
    %dma_start3A_42 = tpu.memref_slice %arg22[%dma_start3A_40] : memref<4x!tpu.dma_semaphore, #tpu.memory_space<semaphore_mem>> -> memref<1x!tpu.dma_semaphore, #tpu.memory_space<semaphore_mem>>
    %dma_start3A_43 = tpu.memref_squeeze %dma_start3A_42 : memref<1x!tpu.dma_semaphore, #tpu.memory_space<semaphore_mem>> -> memref<!tpu.dma_semaphore, #tpu.memory_space<semaphore_mem>>
    %dma_start3A_44 = tpu.memref_slice %arg4[%add3A_34] : memref<320000xi32, #tpu.memory_space<hbm>> -> memref<128xi32, #tpu.memory_space<hbm>>
    tpu.enqueue_dma source(%dma_start3A_44 : memref<128xi32, #tpu.memory_space<hbm>>) target(%arg14 : memref<128xi32, #tpu.memory_space<vmem>>) target_semaphore(%dma_start3A_43 : memref<!tpu.dma_semaphore, #tpu.memory_space<semaphore_mem>>)
    %add3A_45 = arith.constant 0 : i32
    %add3A_46 = arith.addi %mul3A_9, %add3A_45 : i32
    %dma_wait3A = arith.constant 0 : i32
    %dma_wait3A_47 = tpu.memref_slice %arg3[%add3A_46] : memref<320000xi32, #tpu.memory_space<hbm>> -> memref<128xi32, #tpu.memory_space<hbm>>
    %dma_wait3A_48 = tpu.memref_slice %arg22[%dma_wait3A] : memref<4x!tpu.dma_semaphore, #tpu.memory_space<semaphore_mem>> -> memref<1x!tpu.dma_semaphore, #tpu.memory_space<semaphore_mem>>
    %dma_wait3A_49 = tpu.memref_squeeze %dma_wait3A_48 : memref<1x!tpu.dma_semaphore, #tpu.memory_space<semaphore_mem>> -> memref<!tpu.dma_semaphore, #tpu.memory_space<semaphore_mem>>
    %dma_wait3A_50 = tpu.memref_slice %arg3[%add3A_46] : memref<320000xi32, #tpu.memory_space<hbm>> -> memref<128xi32, #tpu.memory_space<hbm>>
    tpu.wait_dma2 semaphore(%dma_wait3A_49 : memref<!tpu.dma_semaphore, #tpu.memory_space<semaphore_mem>>) src(%dma_wait3A_50 : memref<128xi32, #tpu.memory_space<hbm>>) dst(%arg8 : memref<128xi32, #tpu.memory_space<vmem>>)
    %dma_wait3A_51 = arith.constant 0 : i32
    %dma_wait3A_52 = tpu.memref_slice %arg4[%add3A_46] : memref<320000xi32, #tpu.memory_space<hbm>> -> memref<128xi32, #tpu.memory_space<hbm>>
    %dma_wait3A_53 = tpu.memref_slice %arg22[%dma_wait3A_51] : memref<4x!tpu.dma_semaphore, #tpu.memory_space<semaphore_mem>> -> memref<1x!tpu.dma_semaphore, #tpu.memory_space<semaphore_mem>>
    %dma_wait3A_54 = tpu.memref_squeeze %dma_wait3A_53 : memref<1x!tpu.dma_semaphore, #tpu.memory_space<semaphore_mem>> -> memref<!tpu.dma_semaphore, #tpu.memory_space<semaphore_mem>>
    %dma_wait3A_55 = tpu.memref_slice %arg4[%add3A_46] : memref<320000xi32, #tpu.memory_space<hbm>> -> memref<128xi32, #tpu.memory_space<hbm>>
    tpu.wait_dma2 semaphore(%dma_wait3A_54 : memref<!tpu.dma_semaphore, #tpu.memory_space<semaphore_mem>>) src(%dma_wait3A_55 : memref<128xi32, #tpu.memory_space<hbm>>) dst(%arg12 : memref<128xi32, #tpu.memory_space<vmem>>)
    %dma_start3A_56 = arith.constant 0 : i32
    %dma_start3A_57 = arith.constant 0 : i32
    %dma_start3A_58 = arith.constant 0 : i32
    %dma_start3A_59 = tpu.memref_slice %arg2[%dma_start3A_57, %dma_start3A_58] : memref<10240x128xf32, #tpu.memory_space<hbm>> -> memref<10240x128xf32, #tpu.memory_space<hbm>>
    %dma_start3A_60 = tpu.memref_slice %arg23[%dma_start3A_56] : memref<2x!tpu.dma_semaphore, #tpu.memory_space<semaphore_mem>> -> memref<1x!tpu.dma_semaphore, #tpu.memory_space<semaphore_mem>>
    %dma_start3A_61 = tpu.memref_squeeze %dma_start3A_60 : memref<1x!tpu.dma_semaphore, #tpu.memory_space<semaphore_mem>> -> memref<!tpu.dma_semaphore, #tpu.memory_space<semaphore_mem>>
    tpu.enqueue_indirect_dma source(%dma_start3A_59 : memref<10240x128xf32, #tpu.memory_space<hbm>>) target(%arg16 : memref<128x128xf32, #tpu.memory_space<vmem>>) offsets(%arg8 : memref<128xi32, #tpu.memory_space<vmem>>) semaphore(%dma_start3A_61 : memref<!tpu.dma_semaphore, #tpu.memory_space<semaphore_mem>>)
    %dma_wait3A_62 = arith.constant 0 : i32
    %dma_wait3A_63 = arith.constant 0 : i32
    %dma_wait3A_64 = arith.constant 0 : i32
    %dma_wait3A_65 = tpu.memref_slice %arg2[%dma_wait3A_63, %dma_wait3A_64] : memref<10240x128xf32, #tpu.memory_space<hbm>> -> memref<10240x128xf32, #tpu.memory_space<hbm>>
    %dma_wait3A_66 = tpu.memref_slice %arg23[%dma_wait3A_62] : memref<2x!tpu.dma_semaphore, #tpu.memory_space<semaphore_mem>> -> memref<1x!tpu.dma_semaphore, #tpu.memory_space<semaphore_mem>>
    %dma_wait3A_67 = tpu.memref_squeeze %dma_wait3A_66 : memref<1x!tpu.dma_semaphore, #tpu.memory_space<semaphore_mem>> -> memref<!tpu.dma_semaphore, #tpu.memory_space<semaphore_mem>>
    tpu.wait_indirect_dma semaphore(%dma_wait3A_67 : memref<!tpu.dma_semaphore, #tpu.memory_space<semaphore_mem>>) src(%dma_wait3A_65 : memref<10240x128xf32, #tpu.memory_space<hbm>>) dst(%arg16 : memref<128x128xf32, #tpu.memory_space<vmem>>)
    %dma_start3A_68 = arith.constant 0 : i32
    %dma_start3A_69 = arith.constant 0 : i32
    %dma_start3A_70 = arith.constant 0 : i32
    %dma_start3A_71 = tpu.memref_slice %arg7[%dma_start3A_69, %dma_start3A_70] : memref<10240x128xf32, #tpu.memory_space<vmem_shared>> -> memref<10240x128xf32, #tpu.memory_space<vmem_shared>>
    %dma_start3A_72 = tpu.memref_slice %arg24[%dma_start3A_68] : memref<2x!tpu.dma_semaphore, #tpu.memory_space<semaphore_mem>> -> memref<1x!tpu.dma_semaphore, #tpu.memory_space<semaphore_mem>>
    %dma_start3A_73 = tpu.memref_squeeze %dma_start3A_72 : memref<1x!tpu.dma_semaphore, #tpu.memory_space<semaphore_mem>> -> memref<!tpu.dma_semaphore, #tpu.memory_space<semaphore_mem>>
    tpu.enqueue_indirect_dma source(%arg16 : memref<128x128xf32, #tpu.memory_space<vmem>>) target(%dma_start3A_71 : memref<10240x128xf32, #tpu.memory_space<vmem_shared>>) offsets(%arg12 : memref<128xi32, #tpu.memory_space<vmem>>) semaphore(%dma_start3A_73 : memref<!tpu.dma_semaphore, #tpu.memory_space<semaphore_mem>>) {add = true}
    %add3A_74 = arith.constant 384 : i32
    %add3A_75 = arith.addi %mul3A_9, %add3A_74 : i32
    %dma_start3A_76 = arith.constant 3 : i32
    %dma_start3A_77 = tpu.memref_slice %arg3[%add3A_75] : memref<320000xi32, #tpu.memory_space<hbm>> -> memref<128xi32, #tpu.memory_space<hbm>>
    %dma_start3A_78 = tpu.memref_slice %arg22[%dma_start3A_76] : memref<4x!tpu.dma_semaphore, #tpu.memory_space<semaphore_mem>> -> memref<1x!tpu.dma_semaphore, #tpu.memory_space<semaphore_mem>>
    %dma_start3A_79 = tpu.memref_squeeze %dma_start3A_78 : memref<1x!tpu.dma_semaphore, #tpu.memory_space<semaphore_mem>> -> memref<!tpu.dma_semaphore, #tpu.memory_space<semaphore_mem>>
    %dma_start3A_80 = tpu.memref_slice %arg3[%add3A_75] : memref<320000xi32, #tpu.memory_space<hbm>> -> memref<128xi32, #tpu.memory_space<hbm>>
    tpu.enqueue_dma source(%dma_start3A_80 : memref<128xi32, #tpu.memory_space<hbm>>) target(%arg11 : memref<128xi32, #tpu.memory_space<vmem>>) target_semaphore(%dma_start3A_79 : memref<!tpu.dma_semaphore, #tpu.memory_space<semaphore_mem>>)
    %dma_start3A_81 = arith.constant 3 : i32
    %dma_start3A_82 = tpu.memref_slice %arg4[%add3A_75] : memref<320000xi32, #tpu.memory_space<hbm>> -> memref<128xi32, #tpu.memory_space<hbm>>
    %dma_start3A_83 = tpu.memref_slice %arg22[%dma_start3A_81] : memref<4x!tpu.dma_semaphore, #tpu.memory_space<semaphore_mem>> -> memref<1x!tpu.dma_semaphore, #tpu.memory_space<semaphore_mem>>
    %dma_start3A_84 = tpu.memref_squeeze %dma_start3A_83 : memref<1x!tpu.dma_semaphore, #tpu.memory_space<semaphore_mem>> -> memref<!tpu.dma_semaphore, #tpu.memory_space<semaphore_mem>>
    %dma_start3A_85 = tpu.memref_slice %arg4[%add3A_75] : memref<320000xi32, #tpu.memory_space<hbm>> -> memref<128xi32, #tpu.memory_space<hbm>>
    tpu.enqueue_dma source(%dma_start3A_85 : memref<128xi32, #tpu.memory_space<hbm>>) target(%arg15 : memref<128xi32, #tpu.memory_space<vmem>>) target_semaphore(%dma_start3A_84 : memref<!tpu.dma_semaphore, #tpu.memory_space<semaphore_mem>>)
    %add3A_86 = arith.constant 128 : i32
    %add3A_87 = arith.addi %mul3A_9, %add3A_86 : i32
    %dma_wait3A_88 = arith.constant 1 : i32
    %dma_wait3A_89 = tpu.memref_slice %arg3[%add3A_87] : memref<320000xi32, #tpu.memory_space<hbm>> -> memref<128xi32, #tpu.memory_space<hbm>>
    %dma_wait3A_90 = tpu.memref_slice %arg22[%dma_wait3A_88] : memref<4x!tpu.dma_semaphore, #tpu.memory_space<semaphore_mem>> -> memref<1x!tpu.dma_semaphore, #tpu.memory_space<semaphore_mem>>
    %dma_wait3A_91 = tpu.memref_squeeze %dma_wait3A_90 : memref<1x!tpu.dma_semaphore, #tpu.memory_space<semaphore_mem>> -> memref<!tpu.dma_semaphore, #tpu.memory_space<semaphore_mem>>
    %dma_wait3A_92 = tpu.memref_slice %arg3[%add3A_87] : memref<320000xi32, #tpu.memory_space<hbm>> -> memref<128xi32, #tpu.memory_space<hbm>>
    tpu.wait_dma2 semaphore(%dma_wait3A_91 : memref<!tpu.dma_semaphore, #tpu.memory_space<semaphore_mem>>) src(%dma_wait3A_92 : memref<128xi32, #tpu.memory_space<hbm>>) dst(%arg9 : memref<128xi32, #tpu.memory_space<vmem>>)
    %dma_wait3A_93 = arith.constant 1 : i32
    %dma_wait3A_94 = tpu.memref_slice %arg4[%add3A_87] : memref<320000xi32, #tpu.memory_space<hbm>> -> memref<128xi32, #tpu.memory_space<hbm>>
    %dma_wait3A_95 = tpu.memref_slice %arg22[%dma_wait3A_93] : memref<4x!tpu.dma_semaphore, #tpu.memory_space<semaphore_mem>> -> memref<1x!tpu.dma_semaphore, #tpu.memory_space<semaphore_mem>>
    %dma_wait3A_96 = tpu.memref_squeeze %dma_wait3A_95 : memref<1x!tpu.dma_semaphore, #tpu.memory_space<semaphore_mem>> -> memref<!tpu.dma_semaphore, #tpu.memory_space<semaphore_mem>>
    %dma_wait3A_97 = tpu.memref_slice %arg4[%add3A_87] : memref<320000xi32, #tpu.memory_space<hbm>> -> memref<128xi32, #tpu.memory_space<hbm>>
    tpu.wait_dma2 semaphore(%dma_wait3A_96 : memref<!tpu.dma_semaphore, #tpu.memory_space<semaphore_mem>>) src(%dma_wait3A_97 : memref<128xi32, #tpu.memory_space<hbm>>) dst(%arg13 : memref<128xi32, #tpu.memory_space<vmem>>)
    %dma_start3A_98 = arith.constant 1 : i32
    %dma_start3A_99 = arith.constant 0 : i32
    %dma_start3A_100 = arith.constant 0 : i32
    %dma_start3A_101 = tpu.memref_slice %arg2[%dma_start3A_99, %dma_start3A_100] : memref<10240x128xf32, #tpu.memory_space<hbm>> -> memref<10240x128xf32, #tpu.memory_space<hbm>>
    %dma_start3A_102 = tpu.memref_slice %arg23[%dma_start3A_98] : memref<2x!tpu.dma_semaphore, #tpu.memory_space<semaphore_mem>> -> memref<1x!tpu.dma_semaphore, #tpu.memory_space<semaphore_mem>>
    %dma_start3A_103 = tpu.memref_squeeze %dma_start3A_102 : memref<1x!tpu.dma_semaphore, #tpu.memory_space<semaphore_mem>> -> memref<!tpu.dma_semaphore, #tpu.memory_space<semaphore_mem>>
    tpu.enqueue_indirect_dma source(%dma_start3A_101 : memref<10240x128xf32, #tpu.memory_space<hbm>>) target(%arg17 : memref<128x128xf32, #tpu.memory_space<vmem>>) offsets(%arg9 : memref<128xi32, #tpu.memory_space<vmem>>) semaphore(%dma_start3A_103 : memref<!tpu.dma_semaphore, #tpu.memory_space<semaphore_mem>>)
    %dma_wait3A_104 = arith.constant 1 : i32
    %dma_wait3A_105 = arith.constant 0 : i32
    %dma_wait3A_106 = arith.constant 0 : i32
    %dma_wait3A_107 = tpu.memref_slice %arg2[%dma_wait3A_105, %dma_wait3A_106] : memref<10240x128xf32, #tpu.memory_space<hbm>> -> memref<10240x128xf32, #tpu.memory_space<hbm>>
    %dma_wait3A_108 = tpu.memref_slice %arg23[%dma_wait3A_104] : memref<2x!tpu.dma_semaphore, #tpu.memory_space<semaphore_mem>> -> memref<1x!tpu.dma_semaphore, #tpu.memory_space<semaphore_mem>>
    %dma_wait3A_109 = tpu.memref_squeeze %dma_wait3A_108 : memref<1x!tpu.dma_semaphore, #tpu.memory_space<semaphore_mem>> -> memref<!tpu.dma_semaphore, #tpu.memory_space<semaphore_mem>>
    tpu.wait_indirect_dma semaphore(%dma_wait3A_109 : memref<!tpu.dma_semaphore, #tpu.memory_space<semaphore_mem>>) src(%dma_wait3A_107 : memref<10240x128xf32, #tpu.memory_space<hbm>>) dst(%arg17 : memref<128x128xf32, #tpu.memory_space<vmem>>)
    %dma_start3A_110 = arith.constant 1 : i32
    %dma_start3A_111 = arith.constant 0 : i32
    %dma_start3A_112 = arith.constant 0 : i32
    %dma_start3A_113 = tpu.memref_slice %arg7[%dma_start3A_111, %dma_start3A_112] : memref<10240x128xf32, #tpu.memory_space<vmem_shared>> -> memref<10240x128xf32, #tpu.memory_space<vmem_shared>>
    %dma_start3A_114 = tpu.memref_slice %arg24[%dma_start3A_110] : memref<2x!tpu.dma_semaphore, #tpu.memory_space<semaphore_mem>> -> memref<1x!tpu.dma_semaphore, #tpu.memory_space<semaphore_mem>>
    %dma_start3A_115 = tpu.memref_squeeze %dma_start3A_114 : memref<1x!tpu.dma_semaphore, #tpu.memory_space<semaphore_mem>> -> memref<!tpu.dma_semaphore, #tpu.memory_space<semaphore_mem>>
    tpu.enqueue_indirect_dma source(%arg17 : memref<128x128xf32, #tpu.memory_space<vmem>>) target(%dma_start3A_113 : memref<10240x128xf32, #tpu.memory_space<vmem_shared>>) offsets(%arg13 : memref<128xi32, #tpu.memory_space<vmem>>) semaphore(%dma_start3A_115 : memref<!tpu.dma_semaphore, #tpu.memory_space<semaphore_mem>>) {add = true}
    %dma_wait3A_116 = arith.constant 0 : i32
    %dma_wait3A_117 = arith.constant 0 : i32
    %dma_wait3A_118 = arith.constant 0 : i32
    %dma_wait3A_119 = tpu.memref_slice %arg7[%dma_wait3A_117, %dma_wait3A_118] : memref<10240x128xf32, #tpu.memory_space<vmem_shared>> -> memref<10240x128xf32, #tpu.memory_space<vmem_shared>>
    %dma_wait3A_120 = tpu.memref_slice %arg24[%dma_wait3A_116] : memref<2x!tpu.dma_semaphore, #tpu.memory_space<semaphore_mem>> -> memref<1x!tpu.dma_semaphore, #tpu.memory_space<semaphore_mem>>
    %dma_wait3A_121 = tpu.memref_squeeze %dma_wait3A_120 : memref<1x!tpu.dma_semaphore, #tpu.memory_space<semaphore_mem>> -> memref<!tpu.dma_semaphore, #tpu.memory_space<semaphore_mem>>
    tpu.wait_indirect_dma semaphore(%dma_wait3A_121 : memref<!tpu.dma_semaphore, #tpu.memory_space<semaphore_mem>>) src(%arg16 : memref<128x128xf32, #tpu.memory_space<vmem>>) dst(%dma_wait3A_119 : memref<10240x128xf32, #tpu.memory_space<vmem_shared>>)
    %add3A_122 = arith.constant 512 : i32
    %add3A_123 = arith.addi %mul3A_9, %add3A_122 : i32
    %dma_start3A_124 = arith.constant 0 : i32
    %dma_start3A_125 = tpu.memref_slice %arg3[%add3A_123] : memref<320000xi32, #tpu.memory_space<hbm>> -> memref<128xi32, #tpu.memory_space<hbm>>
    %dma_start3A_126 = tpu.memref_slice %arg22[%dma_start3A_124] : memref<4x!tpu.dma_semaphore, #tpu.memory_space<semaphore_mem>> -> memref<1x!tpu.dma_semaphore, #tpu.memory_space<semaphore_mem>>
    %dma_start3A_127 = tpu.memref_squeeze %dma_start3A_126 : memref<1x!tpu.dma_semaphore, #tpu.memory_space<semaphore_mem>> -> memref<!tpu.dma_semaphore, #tpu.memory_space<semaphore_mem>>
    %dma_start3A_128 = tpu.memref_slice %arg3[%add3A_123] : memref<320000xi32, #tpu.memory_space<hbm>> -> memref<128xi32, #tpu.memory_space<hbm>>
    tpu.enqueue_dma source(%dma_start3A_128 : memref<128xi32, #tpu.memory_space<hbm>>) target(%arg8 : memref<128xi32, #tpu.memory_space<vmem>>) target_semaphore(%dma_start3A_127 : memref<!tpu.dma_semaphore, #tpu.memory_space<semaphore_mem>>)
    %dma_start3A_129 = arith.constant 0 : i32
    %dma_start3A_130 = tpu.memref_slice %arg4[%add3A_123] : memref<320000xi32, #tpu.memory_space<hbm>> -> memref<128xi32, #tpu.memory_space<hbm>>
    %dma_start3A_131 = tpu.memref_slice %arg22[%dma_start3A_129] : memref<4x!tpu.dma_semaphore, #tpu.memory_space<semaphore_mem>> -> memref<1x!tpu.dma_semaphore, #tpu.memory_space<semaphore_mem>>
    %dma_start3A_132 = tpu.memref_squeeze %dma_start3A_131 : memref<1x!tpu.dma_semaphore, #tpu.memory_space<semaphore_mem>> -> memref<!tpu.dma_semaphore, #tpu.memory_space<semaphore_mem>>
    %dma_start3A_133 = tpu.memref_slice %arg4[%add3A_123] : memref<320000xi32, #tpu.memory_space<hbm>> -> memref<128xi32, #tpu.memory_space<hbm>>
    tpu.enqueue_dma source(%dma_start3A_133 : memref<128xi32, #tpu.memory_space<hbm>>) target(%arg12 : memref<128xi32, #tpu.memory_space<vmem>>) target_semaphore(%dma_start3A_132 : memref<!tpu.dma_semaphore, #tpu.memory_space<semaphore_mem>>)
    %add3A_134 = arith.constant 256 : i32
    %add3A_135 = arith.addi %mul3A_9, %add3A_134 : i32
    %dma_wait3A_136 = arith.constant 2 : i32
    %dma_wait3A_137 = tpu.memref_slice %arg3[%add3A_135] : memref<320000xi32, #tpu.memory_space<hbm>> -> memref<128xi32, #tpu.memory_space<hbm>>
    %dma_wait3A_138 = tpu.memref_slice %arg22[%dma_wait3A_136] : memref<4x!tpu.dma_semaphore, #tpu.memory_space<semaphore_mem>> -> memref<1x!tpu.dma_semaphore, #tpu.memory_space<semaphore_mem>>
    %dma_wait3A_139 = tpu.memref_squeeze %dma_wait3A_138 : memref<1x!tpu.dma_semaphore, #tpu.memory_space<semaphore_mem>> -> memref<!tpu.dma_semaphore, #tpu.memory_space<semaphore_mem>>
    %dma_wait3A_140 = tpu.memref_slice %arg3[%add3A_135] : memref<320000xi32, #tpu.memory_space<hbm>> -> memref<128xi32, #tpu.memory_space<hbm>>
    tpu.wait_dma2 semaphore(%dma_wait3A_139 : memref<!tpu.dma_semaphore, #tpu.memory_space<semaphore_mem>>) src(%dma_wait3A_140 : memref<128xi32, #tpu.memory_space<hbm>>) dst(%arg10 : memref<128xi32, #tpu.memory_space<vmem>>)
    %dma_wait3A_141 = arith.constant 2 : i32
    %dma_wait3A_142 = tpu.memref_slice %arg4[%add3A_135] : memref<320000xi32, #tpu.memory_space<hbm>> -> memref<128xi32, #tpu.memory_space<hbm>>
    %dma_wait3A_143 = tpu.memref_slice %arg22[%dma_wait3A_141] : memref<4x!tpu.dma_semaphore, #tpu.memory_space<semaphore_mem>> -> memref<1x!tpu.dma_semaphore, #tpu.memory_space<semaphore_mem>>
    %dma_wait3A_144 = tpu.memref_squeeze %dma_wait3A_143 : memref<1x!tpu.dma_semaphore, #tpu.memory_space<semaphore_mem>> -> memref<!tpu.dma_semaphore, #tpu.memory_space<semaphore_mem>>
    %dma_wait3A_145 = tpu.memref_slice %arg4[%add3A_135] : memref<320000xi32, #tpu.memory_space<hbm>> -> memref<128xi32, #tpu.memory_space<hbm>>
    tpu.wait_dma2 semaphore(%dma_wait3A_144 : memref<!tpu.dma_semaphore, #tpu.memory_space<semaphore_mem>>) src(%dma_wait3A_145 : memref<128xi32, #tpu.memory_space<hbm>>) dst(%arg14 : memref<128xi32, #tpu.memory_space<vmem>>)
    %dma_start3A_146 = arith.constant 0 : i32
    %dma_start3A_147 = arith.constant 0 : i32
    %dma_start3A_148 = arith.constant 0 : i32
    %dma_start3A_149 = tpu.memref_slice %arg2[%dma_start3A_147, %dma_start3A_148] : memref<10240x128xf32, #tpu.memory_space<hbm>> -> memref<10240x128xf32, #tpu.memory_space<hbm>>
    %dma_start3A_150 = tpu.memref_slice %arg23[%dma_start3A_146] : memref<2x!tpu.dma_semaphore, #tpu.memory_space<semaphore_mem>> -> memref<1x!tpu.dma_semaphore, #tpu.memory_space<semaphore_mem>>
    %dma_start3A_151 = tpu.memref_squeeze %dma_start3A_150 : memref<1x!tpu.dma_semaphore, #tpu.memory_space<semaphore_mem>> -> memref<!tpu.dma_semaphore, #tpu.memory_space<semaphore_mem>>
    tpu.enqueue_indirect_dma source(%dma_start3A_149 : memref<10240x128xf32, #tpu.memory_space<hbm>>) target(%arg16 : memref<128x128xf32, #tpu.memory_space<vmem>>) offsets(%arg10 : memref<128xi32, #tpu.memory_space<vmem>>) semaphore(%dma_start3A_151 : memref<!tpu.dma_semaphore, #tpu.memory_space<semaphore_mem>>)
    %dma_wait3A_152 = arith.constant 0 : i32
    %dma_wait3A_153 = arith.constant 0 : i32
    %dma_wait3A_154 = arith.constant 0 : i32
    %dma_wait3A_155 = tpu.memref_slice %arg2[%dma_wait3A_153, %dma_wait3A_154] : memref<10240x128xf32, #tpu.memory_space<hbm>> -> memref<10240x128xf32, #tpu.memory_space<hbm>>
    %dma_wait3A_156 = tpu.memref_slice %arg23[%dma_wait3A_152] : memref<2x!tpu.dma_semaphore, #tpu.memory_space<semaphore_mem>> -> memref<1x!tpu.dma_semaphore, #tpu.memory_space<semaphore_mem>>
    %dma_wait3A_157 = tpu.memref_squeeze %dma_wait3A_156 : memref<1x!tpu.dma_semaphore, #tpu.memory_space<semaphore_mem>> -> memref<!tpu.dma_semaphore, #tpu.memory_space<semaphore_mem>>
    tpu.wait_indirect_dma semaphore(%dma_wait3A_157 : memref<!tpu.dma_semaphore, #tpu.memory_space<semaphore_mem>>) src(%dma_wait3A_155 : memref<10240x128xf32, #tpu.memory_space<hbm>>) dst(%arg16 : memref<128x128xf32, #tpu.memory_space<vmem>>)
    %dma_start3A_158 = arith.constant 0 : i32
    %dma_start3A_159 = arith.constant 0 : i32
    %dma_start3A_160 = arith.constant 0 : i32
    %dma_start3A_161 = tpu.memref_slice %arg7[%dma_start3A_159, %dma_start3A_160] : memref<10240x128xf32, #tpu.memory_space<vmem_shared>> -> memref<10240x128xf32, #tpu.memory_space<vmem_shared>>
    %dma_start3A_162 = tpu.memref_slice %arg24[%dma_start3A_158] : memref<2x!tpu.dma_semaphore, #tpu.memory_space<semaphore_mem>> -> memref<1x!tpu.dma_semaphore, #tpu.memory_space<semaphore_mem>>
    %dma_start3A_163 = tpu.memref_squeeze %dma_start3A_162 : memref<1x!tpu.dma_semaphore, #tpu.memory_space<semaphore_mem>> -> memref<!tpu.dma_semaphore, #tpu.memory_space<semaphore_mem>>
    tpu.enqueue_indirect_dma source(%arg16 : memref<128x128xf32, #tpu.memory_space<vmem>>) target(%dma_start3A_161 : memref<10240x128xf32, #tpu.memory_space<vmem_shared>>) offsets(%arg14 : memref<128xi32, #tpu.memory_space<vmem>>) semaphore(%dma_start3A_163 : memref<!tpu.dma_semaphore, #tpu.memory_space<semaphore_mem>>) {add = true}
    %dma_wait3A_164 = arith.constant 1 : i32
    %dma_wait3A_165 = arith.constant 0 : i32
    %dma_wait3A_166 = arith.constant 0 : i32
    %dma_wait3A_167 = tpu.memref_slice %arg7[%dma_wait3A_165, %dma_wait3A_166] : memref<10240x128xf32, #tpu.memory_space<vmem_shared>> -> memref<10240x128xf32, #tpu.memory_space<vmem_shared>>
    %dma_wait3A_168 = tpu.memref_slice %arg24[%dma_wait3A_164] : memref<2x!tpu.dma_semaphore, #tpu.memory_space<semaphore_mem>> -> memref<1x!tpu.dma_semaphore, #tpu.memory_space<semaphore_mem>>
    %dma_wait3A_169 = tpu.memref_squeeze %dma_wait3A_168 : memref<1x!tpu.dma_semaphore, #tpu.memory_space<semaphore_mem>> -> memref<!tpu.dma_semaphore, #tpu.memory_space<semaphore_mem>>
    tpu.wait_indirect_dma semaphore(%dma_wait3A_169 : memref<!tpu.dma_semaphore, #tpu.memory_space<semaphore_mem>>) src(%arg17 : memref<128x128xf32, #tpu.memory_space<vmem>>) dst(%dma_wait3A_167 : memref<10240x128xf32, #tpu.memory_space<vmem_shared>>)
    %add3A_170 = arith.constant 640 : i32
    %add3A_171 = arith.addi %mul3A_9, %add3A_170 : i32
    %dma_start3A_172 = arith.constant 1 : i32
    %dma_start3A_173 = tpu.memref_slice %arg3[%add3A_171] : memref<320000xi32, #tpu.memory_space<hbm>> -> memref<128xi32, #tpu.memory_space<hbm>>
    %dma_start3A_174 = tpu.memref_slice %arg22[%dma_start3A_172] : memref<4x!tpu.dma_semaphore, #tpu.memory_space<semaphore_mem>> -> memref<1x!tpu.dma_semaphore, #tpu.memory_space<semaphore_mem>>
    %dma_start3A_175 = tpu.memref_squeeze %dma_start3A_174 : memref<1x!tpu.dma_semaphore, #tpu.memory_space<semaphore_mem>> -> memref<!tpu.dma_semaphore, #tpu.memory_space<semaphore_mem>>
    %dma_start3A_176 = tpu.memref_slice %arg3[%add3A_171] : memref<320000xi32, #tpu.memory_space<hbm>> -> memref<128xi32, #tpu.memory_space<hbm>>
    tpu.enqueue_dma source(%dma_start3A_176 : memref<128xi32, #tpu.memory_space<hbm>>) target(%arg9 : memref<128xi32, #tpu.memory_space<vmem>>) target_semaphore(%dma_start3A_175 : memref<!tpu.dma_semaphore, #tpu.memory_space<semaphore_mem>>)
    %dma_start3A_177 = arith.constant 1 : i32
    %dma_start3A_178 = tpu.memref_slice %arg4[%add3A_171] : memref<320000xi32, #tpu.memory_space<hbm>> -> memref<128xi32, #tpu.memory_space<hbm>>
    %dma_start3A_179 = tpu.memref_slice %arg22[%dma_start3A_177] : memref<4x!tpu.dma_semaphore, #tpu.memory_space<semaphore_mem>> -> memref<1x!tpu.dma_semaphore, #tpu.memory_space<semaphore_mem>>
    %dma_start3A_180 = tpu.memref_squeeze %dma_start3A_179 : memref<1x!tpu.dma_semaphore, #tpu.memory_space<semaphore_mem>> -> memref<!tpu.dma_semaphore, #tpu.memory_space<semaphore_mem>>
    %dma_start3A_181 = tpu.memref_slice %arg4[%add3A_171] : memref<320000xi32, #tpu.memory_space<hbm>> -> memref<128xi32, #tpu.memory_space<hbm>>
    tpu.enqueue_dma source(%dma_start3A_181 : memref<128xi32, #tpu.memory_space<hbm>>) target(%arg13 : memref<128xi32, #tpu.memory_space<vmem>>) target_semaphore(%dma_start3A_180 : memref<!tpu.dma_semaphore, #tpu.memory_space<semaphore_mem>>)
    %add3A_182 = arith.constant 384 : i32
    %add3A_183 = arith.addi %mul3A_9, %add3A_182 : i32
    %dma_wait3A_184 = arith.constant 3 : i32
    %dma_wait3A_185 = tpu.memref_slice %arg3[%add3A_183] : memref<320000xi32, #tpu.memory_space<hbm>> -> memref<128xi32, #tpu.memory_space<hbm>>
    %dma_wait3A_186 = tpu.memref_slice %arg22[%dma_wait3A_184] : memref<4x!tpu.dma_semaphore, #tpu.memory_space<semaphore_mem>> -> memref<1x!tpu.dma_semaphore, #tpu.memory_space<semaphore_mem>>
    %dma_wait3A_187 = tpu.memref_squeeze %dma_wait3A_186 : memref<1x!tpu.dma_semaphore, #tpu.memory_space<semaphore_mem>> -> memref<!tpu.dma_semaphore, #tpu.memory_space<semaphore_mem>>
    %dma_wait3A_188 = tpu.memref_slice %arg3[%add3A_183] : memref<320000xi32, #tpu.memory_space<hbm>> -> memref<128xi32, #tpu.memory_space<hbm>>
    tpu.wait_dma2 semaphore(%dma_wait3A_187 : memref<!tpu.dma_semaphore, #tpu.memory_space<semaphore_mem>>) src(%dma_wait3A_188 : memref<128xi32, #tpu.memory_space<hbm>>) dst(%arg11 : memref<128xi32, #tpu.memory_space<vmem>>)
    %dma_wait3A_189 = arith.constant 3 : i32
    %dma_wait3A_190 = tpu.memref_slice %arg4[%add3A_183] : memref<320000xi32, #tpu.memory_space<hbm>> -> memref<128xi32, #tpu.memory_space<hbm>>
    %dma_wait3A_191 = tpu.memref_slice %arg22[%dma_wait3A_189] : memref<4x!tpu.dma_semaphore, #tpu.memory_space<semaphore_mem>> -> memref<1x!tpu.dma_semaphore, #tpu.memory_space<semaphore_mem>>
    %dma_wait3A_192 = tpu.memref_squeeze %dma_wait3A_191 : memref<1x!tpu.dma_semaphore, #tpu.memory_space<semaphore_mem>> -> memref<!tpu.dma_semaphore, #tpu.memory_space<semaphore_mem>>
    %dma_wait3A_193 = tpu.memref_slice %arg4[%add3A_183] : memref<320000xi32, #tpu.memory_space<hbm>> -> memref<128xi32, #tpu.memory_space<hbm>>
    tpu.wait_dma2 semaphore(%dma_wait3A_192 : memref<!tpu.dma_semaphore, #tpu.memory_space<semaphore_mem>>) src(%dma_wait3A_193 : memref<128xi32, #tpu.memory_space<hbm>>) dst(%arg15 : memref<128xi32, #tpu.memory_space<vmem>>)
    %dma_start3A_194 = arith.constant 1 : i32
    %dma_start3A_195 = arith.constant 0 : i32
    %dma_start3A_196 = arith.constant 0 : i32
    %dma_start3A_197 = tpu.memref_slice %arg2[%dma_start3A_195, %dma_start3A_196] : memref<10240x128xf32, #tpu.memory_space<hbm>> -> memref<10240x128xf32, #tpu.memory_space<hbm>>
    %dma_start3A_198 = tpu.memref_slice %arg23[%dma_start3A_194] : memref<2x!tpu.dma_semaphore, #tpu.memory_space<semaphore_mem>> -> memref<1x!tpu.dma_semaphore, #tpu.memory_space<semaphore_mem>>
    %dma_start3A_199 = tpu.memref_squeeze %dma_start3A_198 : memref<1x!tpu.dma_semaphore, #tpu.memory_space<semaphore_mem>> -> memref<!tpu.dma_semaphore, #tpu.memory_space<semaphore_mem>>
    tpu.enqueue_indirect_dma source(%dma_start3A_197 : memref<10240x128xf32, #tpu.memory_space<hbm>>) target(%arg17 : memref<128x128xf32, #tpu.memory_space<vmem>>) offsets(%arg11 : memref<128xi32, #tpu.memory_space<vmem>>) semaphore(%dma_start3A_199 : memref<!tpu.dma_semaphore, #tpu.memory_space<semaphore_mem>>)
    %dma_wait3A_200 = arith.constant 1 : i32
    %dma_wait3A_201 = arith.constant 0 : i32
    %dma_wait3A_202 = arith.constant 0 : i32
    %dma_wait3A_203 = tpu.memref_slice %arg2[%dma_wait3A_201, %dma_wait3A_202] : memref<10240x128xf32, #tpu.memory_space<hbm>> -> memref<10240x128xf32, #tpu.memory_space<hbm>>
    %dma_wait3A_204 = tpu.memref_slice %arg23[%dma_wait3A_200] : memref<2x!tpu.dma_semaphore, #tpu.memory_space<semaphore_mem>> -> memref<1x!tpu.dma_semaphore, #tpu.memory_space<semaphore_mem>>
    %dma_wait3A_205 = tpu.memref_squeeze %dma_wait3A_204 : memref<1x!tpu.dma_semaphore, #tpu.memory_space<semaphore_mem>> -> memref<!tpu.dma_semaphore, #tpu.memory_space<semaphore_mem>>
    tpu.wait_indirect_dma semaphore(%dma_wait3A_205 : memref<!tpu.dma_semaphore, #tpu.memory_space<semaphore_mem>>) src(%dma_wait3A_203 : memref<10240x128xf32, #tpu.memory_space<hbm>>) dst(%arg17 : memref<128x128xf32, #tpu.memory_space<vmem>>)
    %dma_start3A_206 = arith.constant 1 : i32
    %dma_start3A_207 = arith.constant 0 : i32
    %dma_start3A_208 = arith.constant 0 : i32
    %dma_start3A_209 = tpu.memref_slice %arg7[%dma_start3A_207, %dma_start3A_208] : memref<10240x128xf32, #tpu.memory_space<vmem_shared>> -> memref<10240x128xf32, #tpu.memory_space<vmem_shared>>
    %dma_start3A_210 = tpu.memref_slice %arg24[%dma_start3A_206] : memref<2x!tpu.dma_semaphore, #tpu.memory_space<semaphore_mem>> -> memref<1x!tpu.dma_semaphore, #tpu.memory_space<semaphore_mem>>
    %dma_start3A_211 = tpu.memref_squeeze %dma_start3A_210 : memref<1x!tpu.dma_semaphore, #tpu.memory_space<semaphore_mem>> -> memref<!tpu.dma_semaphore, #tpu.memory_space<semaphore_mem>>
    tpu.enqueue_indirect_dma source(%arg17 : memref<128x128xf32, #tpu.memory_space<vmem>>) target(%dma_start3A_209 : memref<10240x128xf32, #tpu.memory_space<vmem_shared>>) offsets(%arg15 : memref<128xi32, #tpu.memory_space<vmem>>) semaphore(%dma_start3A_211 : memref<!tpu.dma_semaphore, #tpu.memory_space<semaphore_mem>>) {add = true}
    %dma_wait3A_212 = arith.constant 0 : i32
    %dma_wait3A_213 = arith.constant 0 : i32
    %dma_wait3A_214 = arith.constant 0 : i32
    %dma_wait3A_215 = tpu.memref_slice %arg7[%dma_wait3A_213, %dma_wait3A_214] : memref<10240x128xf32, #tpu.memory_space<vmem_shared>> -> memref<10240x128xf32, #tpu.memory_space<vmem_shared>>
    %dma_wait3A_216 = tpu.memref_slice %arg24[%dma_wait3A_212] : memref<2x!tpu.dma_semaphore, #tpu.memory_space<semaphore_mem>> -> memref<1x!tpu.dma_semaphore, #tpu.memory_space<semaphore_mem>>
    %dma_wait3A_217 = tpu.memref_squeeze %dma_wait3A_216 : memref<1x!tpu.dma_semaphore, #tpu.memory_space<semaphore_mem>> -> memref<!tpu.dma_semaphore, #tpu.memory_space<semaphore_mem>>
    tpu.wait_indirect_dma semaphore(%dma_wait3A_217 : memref<!tpu.dma_semaphore, #tpu.memory_space<semaphore_mem>>) src(%arg16 : memref<128x128xf32, #tpu.memory_space<vmem>>) dst(%dma_wait3A_215 : memref<10240x128xf32, #tpu.memory_space<vmem_shared>>)
    %add3A_218 = arith.constant 768 : i32
    %add3A_219 = arith.addi %mul3A_9, %add3A_218 : i32
    %dma_start3A_220 = arith.constant 2 : i32
    %dma_start3A_221 = tpu.memref_slice %arg3[%add3A_219] : memref<320000xi32, #tpu.memory_space<hbm>> -> memref<128xi32, #tpu.memory_space<hbm>>
    %dma_start3A_222 = tpu.memref_slice %arg22[%dma_start3A_220] : memref<4x!tpu.dma_semaphore, #tpu.memory_space<semaphore_mem>> -> memref<1x!tpu.dma_semaphore, #tpu.memory_space<semaphore_mem>>
    %dma_start3A_223 = tpu.memref_squeeze %dma_start3A_222 : memref<1x!tpu.dma_semaphore, #tpu.memory_space<semaphore_mem>> -> memref<!tpu.dma_semaphore, #tpu.memory_space<semaphore_mem>>
    %dma_start3A_224 = tpu.memref_slice %arg3[%add3A_219] : memref<320000xi32, #tpu.memory_space<hbm>> -> memref<128xi32, #tpu.memory_space<hbm>>
    tpu.enqueue_dma source(%dma_start3A_224 : memref<128xi32, #tpu.memory_space<hbm>>) target(%arg10 : memref<128xi32, #tpu.memory_space<vmem>>) target_semaphore(%dma_start3A_223 : memref<!tpu.dma_semaphore, #tpu.memory_space<semaphore_mem>>)
    %dma_start3A_225 = arith.constant 2 : i32
    %dma_start3A_226 = tpu.memref_slice %arg4[%add3A_219] : memref<320000xi32, #tpu.memory_space<hbm>> -> memref<128xi32, #tpu.memory_space<hbm>>
    %dma_start3A_227 = tpu.memref_slice %arg22[%dma_start3A_225] : memref<4x!tpu.dma_semaphore, #tpu.memory_space<semaphore_mem>> -> memref<1x!tpu.dma_semaphore, #tpu.memory_space<semaphore_mem>>
    %dma_start3A_228 = tpu.memref_squeeze %dma_start3A_227 : memref<1x!tpu.dma_semaphore, #tpu.memory_space<semaphore_mem>> -> memref<!tpu.dma_semaphore, #tpu.memory_space<semaphore_mem>>
    %dma_start3A_229 = tpu.memref_slice %arg4[%add3A_219] : memref<320000xi32, #tpu.memory_space<hbm>> -> memref<128xi32, #tpu.memory_space<hbm>>
    tpu.enqueue_dma source(%dma_start3A_229 : memref<128xi32, #tpu.memory_space<hbm>>) target(%arg14 : memref<128xi32, #tpu.memory_space<vmem>>) target_semaphore(%dma_start3A_228 : memref<!tpu.dma_semaphore, #tpu.memory_space<semaphore_mem>>)
    %add3A_230 = arith.constant 512 : i32
    %add3A_231 = arith.addi %mul3A_9, %add3A_230 : i32
    %dma_wait3A_232 = arith.constant 0 : i32
    %dma_wait3A_233 = tpu.memref_slice %arg3[%add3A_231] : memref<320000xi32, #tpu.memory_space<hbm>> -> memref<128xi32, #tpu.memory_space<hbm>>
    %dma_wait3A_234 = tpu.memref_slice %arg22[%dma_wait3A_232] : memref<4x!tpu.dma_semaphore, #tpu.memory_space<semaphore_mem>> -> memref<1x!tpu.dma_semaphore, #tpu.memory_space<semaphore_mem>>
    %dma_wait3A_235 = tpu.memref_squeeze %dma_wait3A_234 : memref<1x!tpu.dma_semaphore, #tpu.memory_space<semaphore_mem>> -> memref<!tpu.dma_semaphore, #tpu.memory_space<semaphore_mem>>
    %dma_wait3A_236 = tpu.memref_slice %arg3[%add3A_231] : memref<320000xi32, #tpu.memory_space<hbm>> -> memref<128xi32, #tpu.memory_space<hbm>>
    tpu.wait_dma2 semaphore(%dma_wait3A_235 : memref<!tpu.dma_semaphore, #tpu.memory_space<semaphore_mem>>) src(%dma_wait3A_236 : memref<128xi32, #tpu.memory_space<hbm>>) dst(%arg8 : memref<128xi32, #tpu.memory_space<vmem>>)
    %dma_wait3A_237 = arith.constant 0 : i32
    %dma_wait3A_238 = tpu.memref_slice %arg4[%add3A_231] : memref<320000xi32, #tpu.memory_space<hbm>> -> memref<128xi32, #tpu.memory_space<hbm>>
    %dma_wait3A_239 = tpu.memref_slice %arg22[%dma_wait3A_237] : memref<4x!tpu.dma_semaphore, #tpu.memory_space<semaphore_mem>> -> memref<1x!tpu.dma_semaphore, #tpu.memory_space<semaphore_mem>>
    %dma_wait3A_240 = tpu.memref_squeeze %dma_wait3A_239 : memref<1x!tpu.dma_semaphore, #tpu.memory_space<semaphore_mem>> -> memref<!tpu.dma_semaphore, #tpu.memory_space<semaphore_mem>>
    %dma_wait3A_241 = tpu.memref_slice %arg4[%add3A_231] : memref<320000xi32, #tpu.memory_space<hbm>> -> memref<128xi32, #tpu.memory_space<hbm>>
    tpu.wait_dma2 semaphore(%dma_wait3A_240 : memref<!tpu.dma_semaphore, #tpu.memory_space<semaphore_mem>>) src(%dma_wait3A_241 : memref<128xi32, #tpu.memory_space<hbm>>) dst(%arg12 : memref<128xi32, #tpu.memory_space<vmem>>)
    %dma_start3A_242 = arith.constant 0 : i32
    %dma_start3A_243 = arith.constant 0 : i32
    %dma_start3A_244 = arith.constant 0 : i32
    %dma_start3A_245 = tpu.memref_slice %arg2[%dma_start3A_243, %dma_start3A_244] : memref<10240x128xf32, #tpu.memory_space<hbm>> -> memref<10240x128xf32, #tpu.memory_space<hbm>>
    %dma_start3A_246 = tpu.memref_slice %arg23[%dma_start3A_242] : memref<2x!tpu.dma_semaphore, #tpu.memory_space<semaphore_mem>> -> memref<1x!tpu.dma_semaphore, #tpu.memory_space<semaphore_mem>>
    %dma_start3A_247 = tpu.memref_squeeze %dma_start3A_246 : memref<1x!tpu.dma_semaphore, #tpu.memory_space<semaphore_mem>> -> memref<!tpu.dma_semaphore, #tpu.memory_space<semaphore_mem>>
    tpu.enqueue_indirect_dma source(%dma_start3A_245 : memref<10240x128xf32, #tpu.memory_space<hbm>>) target(%arg16 : memref<128x128xf32, #tpu.memory_space<vmem>>) offsets(%arg8 : memref<128xi32, #tpu.memory_space<vmem>>) semaphore(%dma_start3A_247 : memref<!tpu.dma_semaphore, #tpu.memory_space<semaphore_mem>>)
    %scan3A_248 = arith.constant 0 : i32
    %scan3A_249 = arith.constant 1 : i32
    %scan3A_250 = arith.constant 17 : i32
    %scan3A_251 = arith.addi %scan3A_249, %scan3A_250 : i32
    %scan3A_252 = arith.constant 1 : i32
    scf.for %scan3A_447 = %scan3A_249 to %scan3A_251 step %scan3A_252  : i32 {
      %mul3A_448 = arith.constant 4 : i32
      %mul3A_449 = arith.muli %scan3A_447, %mul3A_448 : i32
      %add3A_450 = arith.constant 0 : i32
      %add3A_451 = arith.addi %mul3A_449, %add3A_450 : i32
      %dma_wait3A_452 = arith.constant 0 : i32
      %dma_wait3A_453 = arith.constant 0 : i32
      %dma_wait3A_454 = arith.constant 0 : i32
      %dma_wait3A_455 = tpu.memref_slice %arg2[%dma_wait3A_453, %dma_wait3A_454] : memref<10240x128xf32, #tpu.memory_space<hbm>> -> memref<10240x128xf32, #tpu.memory_space<hbm>>
      %dma_wait3A_456 = tpu.memref_slice %arg23[%dma_wait3A_452] : memref<2x!tpu.dma_semaphore, #tpu.memory_space<semaphore_mem>> -> memref<1x!tpu.dma_semaphore, #tpu.memory_space<semaphore_mem>>
      %dma_wait3A_457 = tpu.memref_squeeze %dma_wait3A_456 : memref<1x!tpu.dma_semaphore, #tpu.memory_space<semaphore_mem>> -> memref<!tpu.dma_semaphore, #tpu.memory_space<semaphore_mem>>
      tpu.wait_indirect_dma semaphore(%dma_wait3A_457 : memref<!tpu.dma_semaphore, #tpu.memory_space<semaphore_mem>>) src(%dma_wait3A_455 : memref<10240x128xf32, #tpu.memory_space<hbm>>) dst(%arg16 : memref<128x128xf32, #tpu.memory_space<vmem>>)
      %dma_start3A_458 = arith.constant 0 : i32
      %dma_start3A_459 = arith.constant 0 : i32
      %dma_start3A_460 = arith.constant 0 : i32
      %dma_start3A_461 = tpu.memref_slice %arg7[%dma_start3A_459, %dma_start3A_460] : memref<10240x128xf32, #tpu.memory_space<vmem_shared>> -> memref<10240x128xf32, #tpu.memory_space<vmem_shared>>
      %dma_start3A_462 = tpu.memref_slice %arg24[%dma_start3A_458] : memref<2x!tpu.dma_semaphore, #tpu.memory_space<semaphore_mem>> -> memref<1x!tpu.dma_semaphore, #tpu.memory_space<semaphore_mem>>
      %dma_start3A_463 = tpu.memref_squeeze %dma_start3A_462 : memref<1x!tpu.dma_semaphore, #tpu.memory_space<semaphore_mem>> -> memref<!tpu.dma_semaphore, #tpu.memory_space<semaphore_mem>>
      tpu.enqueue_indirect_dma source(%arg16 : memref<128x128xf32, #tpu.memory_space<vmem>>) target(%dma_start3A_461 : memref<10240x128xf32, #tpu.memory_space<vmem_shared>>) offsets(%arg12 : memref<128xi32, #tpu.memory_space<vmem>>) semaphore(%dma_start3A_463 : memref<!tpu.dma_semaphore, #tpu.memory_space<semaphore_mem>>) {add = true}
      %dma_wait3A_464 = arith.constant 1 : i32
      %dma_wait3A_465 = arith.constant 0 : i32
      %dma_wait3A_466 = arith.constant 0 : i32
      %dma_wait3A_467 = tpu.memref_slice %arg7[%dma_wait3A_465, %dma_wait3A_466] : memref<10240x128xf32, #tpu.memory_space<vmem_shared>> -> memref<10240x128xf32, #tpu.memory_space<vmem_shared>>
      %dma_wait3A_468 = tpu.memref_slice %arg24[%dma_wait3A_464] : memref<2x!tpu.dma_semaphore, #tpu.memory_space<semaphore_mem>> -> memref<1x!tpu.dma_semaphore, #tpu.memory_space<semaphore_mem>>
      %dma_wait3A_469 = tpu.memref_squeeze %dma_wait3A_468 : memref<1x!tpu.dma_semaphore, #tpu.memory_space<semaphore_mem>> -> memref<!tpu.dma_semaphore, #tpu.memory_space<semaphore_mem>>
      tpu.wait_indirect_dma semaphore(%dma_wait3A_469 : memref<!tpu.dma_semaphore, #tpu.memory_space<semaphore_mem>>) src(%arg17 : memref<128x128xf32, #tpu.memory_space<vmem>>) dst(%dma_wait3A_467 : memref<10240x128xf32, #tpu.memory_space<vmem_shared>>)
      %add3A_470 = arith.constant 3 : i32
      %add3A_471 = arith.addi %add3A_451, %add3A_470 : i32
      %mul3A_472 = arith.constant 128 : i32
      %mul3A_473 = arith.muli %add3A_471, %mul3A_472 : i32
      %add3A_474 = arith.addi %mul3A_9, %mul3A_473 : i32
      %dma_start3A_475 = arith.constant 3 : i32
      %dma_start3A_476 = tpu.memref_slice %arg3[%add3A_474] : memref<320000xi32, #tpu.memory_space<hbm>> -> memref<128xi32, #tpu.memory_space<hbm>>
      %dma_start3A_477 = tpu.memref_slice %arg22[%dma_start3A_475] : memref<4x!tpu.dma_semaphore, #tpu.memory_space<semaphore_mem>> -> memref<1x!tpu.dma_semaphore, #tpu.memory_space<semaphore_mem>>
      %dma_start3A_478 = tpu.memref_squeeze %dma_start3A_477 : memref<1x!tpu.dma_semaphore, #tpu.memory_space<semaphore_mem>> -> memref<!tpu.dma_semaphore, #tpu.memory_space<semaphore_mem>>
      %dma_start3A_479 = tpu.memref_slice %arg3[%add3A_474] : memref<320000xi32, #tpu.memory_space<hbm>> -> memref<128xi32, #tpu.memory_space<hbm>>
      tpu.enqueue_dma source(%dma_start3A_479 : memref<128xi32, #tpu.memory_space<hbm>>) target(%arg11 : memref<128xi32, #tpu.memory_space<vmem>>) target_semaphore(%dma_start3A_478 : memref<!tpu.dma_semaphore, #tpu.memory_space<semaphore_mem>>)
      %dma_start3A_480 = arith.constant 3 : i32
      %dma_start3A_481 = tpu.memref_slice %arg4[%add3A_474] : memref<320000xi32, #tpu.memory_space<hbm>> -> memref<128xi32, #tpu.memory_space<hbm>>
      %dma_start3A_482 = tpu.memref_slice %arg22[%dma_start3A_480] : memref<4x!tpu.dma_semaphore, #tpu.memory_space<semaphore_mem>> -> memref<1x!tpu.dma_semaphore, #tpu.memory_space<semaphore_mem>>
      %dma_start3A_483 = tpu.memref_squeeze %dma_start3A_482 : memref<1x!tpu.dma_semaphore, #tpu.memory_space<semaphore_mem>> -> memref<!tpu.dma_semaphore, #tpu.memory_space<semaphore_mem>>
      %dma_start3A_484 = tpu.memref_slice %arg4[%add3A_474] : memref<320000xi32, #tpu.memory_space<hbm>> -> memref<128xi32, #tpu.memory_space<hbm>>
      tpu.enqueue_dma source(%dma_start3A_484 : memref<128xi32, #tpu.memory_space<hbm>>) target(%arg15 : memref<128xi32, #tpu.memory_space<vmem>>) target_semaphore(%dma_start3A_483 : memref<!tpu.dma_semaphore, #tpu.memory_space<semaphore_mem>>)
      %add3A_485 = arith.constant 1 : i32
      %add3A_486 = arith.addi %add3A_451, %add3A_485 : i32
      %mul3A_487 = arith.constant 128 : i32
      %mul3A_488 = arith.muli %add3A_486, %mul3A_487 : i32
      %add3A_489 = arith.addi %mul3A_9, %mul3A_488 : i32
      %dma_wait3A_490 = arith.constant 1 : i32
      %dma_wait3A_491 = tpu.memref_slice %arg3[%add3A_489] : memref<320000xi32, #tpu.memory_space<hbm>> -> memref<128xi32, #tpu.memory_space<hbm>>
      %dma_wait3A_492 = tpu.memref_slice %arg22[%dma_wait3A_490] : memref<4x!tpu.dma_semaphore, #tpu.memory_space<semaphore_mem>> -> memref<1x!tpu.dma_semaphore, #tpu.memory_space<semaphore_mem>>
      %dma_wait3A_493 = tpu.memref_squeeze %dma_wait3A_492 : memref<1x!tpu.dma_semaphore, #tpu.memory_space<semaphore_mem>> -> memref<!tpu.dma_semaphore, #tpu.memory_space<semaphore_mem>>
      %dma_wait3A_494 = tpu.memref_slice %arg3[%add3A_489] : memref<320000xi32, #tpu.memory_space<hbm>> -> memref<128xi32, #tpu.memory_space<hbm>>
      tpu.wait_dma2 semaphore(%dma_wait3A_493 : memref<!tpu.dma_semaphore, #tpu.memory_space<semaphore_mem>>) src(%dma_wait3A_494 : memref<128xi32, #tpu.memory_space<hbm>>) dst(%arg9 : memref<128xi32, #tpu.memory_space<vmem>>)
      %dma_wait3A_495 = arith.constant 1 : i32
      %dma_wait3A_496 = tpu.memref_slice %arg4[%add3A_489] : memref<320000xi32, #tpu.memory_space<hbm>> -> memref<128xi32, #tpu.memory_space<hbm>>
      %dma_wait3A_497 = tpu.memref_slice %arg22[%dma_wait3A_495] : memref<4x!tpu.dma_semaphore, #tpu.memory_space<semaphore_mem>> -> memref<1x!tpu.dma_semaphore, #tpu.memory_space<semaphore_mem>>
      %dma_wait3A_498 = tpu.memref_squeeze %dma_wait3A_497 : memref<1x!tpu.dma_semaphore, #tpu.memory_space<semaphore_mem>> -> memref<!tpu.dma_semaphore, #tpu.memory_space<semaphore_mem>>
      %dma_wait3A_499 = tpu.memref_slice %arg4[%add3A_489] : memref<320000xi32, #tpu.memory_space<hbm>> -> memref<128xi32, #tpu.memory_space<hbm>>
      tpu.wait_dma2 semaphore(%dma_wait3A_498 : memref<!tpu.dma_semaphore, #tpu.memory_space<semaphore_mem>>) src(%dma_wait3A_499 : memref<128xi32, #tpu.memory_space<hbm>>) dst(%arg13 : memref<128xi32, #tpu.memory_space<vmem>>)
      %dma_start3A_500 = arith.constant 1 : i32
      %dma_start3A_501 = arith.constant 0 : i32
      %dma_start3A_502 = arith.constant 0 : i32
      %dma_start3A_503 = tpu.memref_slice %arg2[%dma_start3A_501, %dma_start3A_502] : memref<10240x128xf32, #tpu.memory_space<hbm>> -> memref<10240x128xf32, #tpu.memory_space<hbm>>
      %dma_start3A_504 = tpu.memref_slice %arg23[%dma_start3A_500] : memref<2x!tpu.dma_semaphore, #tpu.memory_space<semaphore_mem>> -> memref<1x!tpu.dma_semaphore, #tpu.memory_space<semaphore_mem>>
      %dma_start3A_505 = tpu.memref_squeeze %dma_start3A_504 : memref<1x!tpu.dma_semaphore, #tpu.memory_space<semaphore_mem>> -> memref<!tpu.dma_semaphore, #tpu.memory_space<semaphore_mem>>
      tpu.enqueue_indirect_dma source(%dma_start3A_503 : memref<10240x128xf32, #tpu.memory_space<hbm>>) target(%arg17 : memref<128x128xf32, #tpu.memory_space<vmem>>) offsets(%arg9 : memref<128xi32, #tpu.memory_space<vmem>>) semaphore(%dma_start3A_505 : memref<!tpu.dma_semaphore, #tpu.memory_space<semaphore_mem>>)
      %mul3A_506 = arith.constant 4 : i32
      %mul3A_507 = arith.muli %scan3A_447, %mul3A_506 : i32
      %add3A_508 = arith.constant 1 : i32
      %add3A_509 = arith.addi %mul3A_507, %add3A_508 : i32
      %dma_wait3A_510 = arith.constant 1 : i32
      %dma_wait3A_511 = arith.constant 0 : i32
      %dma_wait3A_512 = arith.constant 0 : i32
      %dma_wait3A_513 = tpu.memref_slice %arg2[%dma_wait3A_511, %dma_wait3A_512] : memref<10240x128xf32, #tpu.memory_space<hbm>> -> memref<10240x128xf32, #tpu.memory_space<hbm>>
      %dma_wait3A_514 = tpu.memref_slice %arg23[%dma_wait3A_510] : memref<2x!tpu.dma_semaphore, #tpu.memory_space<semaphore_mem>> -> memref<1x!tpu.dma_semaphore, #tpu.memory_space<semaphore_mem>>
      %dma_wait3A_515 = tpu.memref_squeeze %dma_wait3A_514 : memref<1x!tpu.dma_semaphore, #tpu.memory_space<semaphore_mem>> -> memref<!tpu.dma_semaphore, #tpu.memory_space<semaphore_mem>>
      tpu.wait_indirect_dma semaphore(%dma_wait3A_515 : memref<!tpu.dma_semaphore, #tpu.memory_space<semaphore_mem>>) src(%dma_wait3A_513 : memref<10240x128xf32, #tpu.memory_space<hbm>>) dst(%arg17 : memref<128x128xf32, #tpu.memory_space<vmem>>)
      %dma_start3A_516 = arith.constant 1 : i32
      %dma_start3A_517 = arith.constant 0 : i32
      %dma_start3A_518 = arith.constant 0 : i32
      %dma_start3A_519 = tpu.memref_slice %arg7[%dma_start3A_517, %dma_start3A_518] : memref<10240x128xf32, #tpu.memory_space<vmem_shared>> -> memref<10240x128xf32, #tpu.memory_space<vmem_shared>>
      %dma_start3A_520 = tpu.memref_slice %arg24[%dma_start3A_516] : memref<2x!tpu.dma_semaphore, #tpu.memory_space<semaphore_mem>> -> memref<1x!tpu.dma_semaphore, #tpu.memory_space<semaphore_mem>>
      %dma_start3A_521 = tpu.memref_squeeze %dma_start3A_520 : memref<1x!tpu.dma_semaphore, #tpu.memory_space<semaphore_mem>> -> memref<!tpu.dma_semaphore, #tpu.memory_space<semaphore_mem>>
      tpu.enqueue_indirect_dma source(%arg17 : memref<128x128xf32, #tpu.memory_space<vmem>>) target(%dma_start3A_519 : memref<10240x128xf32, #tpu.memory_space<vmem_shared>>) offsets(%arg13 : memref<128xi32, #tpu.memory_space<vmem>>) semaphore(%dma_start3A_521 : memref<!tpu.dma_semaphore, #tpu.memory_space<semaphore_mem>>) {add = true}
      %dma_wait3A_522 = arith.constant 0 : i32
      %dma_wait3A_523 = arith.constant 0 : i32
      %dma_wait3A_524 = arith.constant 0 : i32
      %dma_wait3A_525 = tpu.memref_slice %arg7[%dma_wait3A_523, %dma_wait3A_524] : memref<10240x128xf32, #tpu.memory_space<vmem_shared>> -> memref<10240x128xf32, #tpu.memory_space<vmem_shared>>
      %dma_wait3A_526 = tpu.memref_slice %arg24[%dma_wait3A_522] : memref<2x!tpu.dma_semaphore, #tpu.memory_space<semaphore_mem>> -> memref<1x!tpu.dma_semaphore, #tpu.memory_space<semaphore_mem>>
      %dma_wait3A_527 = tpu.memref_squeeze %dma_wait3A_526 : memref<1x!tpu.dma_semaphore, #tpu.memory_space<semaphore_mem>> -> memref<!tpu.dma_semaphore, #tpu.memory_space<semaphore_mem>>
      tpu.wait_indirect_dma semaphore(%dma_wait3A_527 : memref<!tpu.dma_semaphore, #tpu.memory_space<semaphore_mem>>) src(%arg16 : memref<128x128xf32, #tpu.memory_space<vmem>>) dst(%dma_wait3A_525 : memref<10240x128xf32, #tpu.memory_space<vmem_shared>>)
      %add3A_528 = arith.constant 3 : i32
      %add3A_529 = arith.addi %add3A_509, %add3A_528 : i32
      %mul3A_530 = arith.constant 128 : i32
      %mul3A_531 = arith.muli %add3A_529, %mul3A_530 : i32
      %add3A_532 = arith.addi %mul3A_9, %mul3A_531 : i32
      %dma_start3A_533 = arith.constant 0 : i32
      %dma_start3A_534 = tpu.memref_slice %arg3[%add3A_532] : memref<320000xi32, #tpu.memory_space<hbm>> -> memref<128xi32, #tpu.memory_space<hbm>>
      %dma_start3A_535 = tpu.memref_slice %arg22[%dma_start3A_533] : memref<4x!tpu.dma_semaphore, #tpu.memory_space<semaphore_mem>> -> memref<1x!tpu.dma_semaphore, #tpu.memory_space<semaphore_mem>>
      %dma_start3A_536 = tpu.memref_squeeze %dma_start3A_535 : memref<1x!tpu.dma_semaphore, #tpu.memory_space<semaphore_mem>> -> memref<!tpu.dma_semaphore, #tpu.memory_space<semaphore_mem>>
      %dma_start3A_537 = tpu.memref_slice %arg3[%add3A_532] : memref<320000xi32, #tpu.memory_space<hbm>> -> memref<128xi32, #tpu.memory_space<hbm>>
      tpu.enqueue_dma source(%dma_start3A_537 : memref<128xi32, #tpu.memory_space<hbm>>) target(%arg8 : memref<128xi32, #tpu.memory_space<vmem>>) target_semaphore(%dma_start3A_536 : memref<!tpu.dma_semaphore, #tpu.memory_space<semaphore_mem>>)
      %dma_start3A_538 = arith.constant 0 : i32
      %dma_start3A_539 = tpu.memref_slice %arg4[%add3A_532] : memref<320000xi32, #tpu.memory_space<hbm>> -> memref<128xi32, #tpu.memory_space<hbm>>
      %dma_start3A_540 = tpu.memref_slice %arg22[%dma_start3A_538] : memref<4x!tpu.dma_semaphore, #tpu.memory_space<semaphore_mem>> -> memref<1x!tpu.dma_semaphore, #tpu.memory_space<semaphore_mem>>
      %dma_start3A_541 = tpu.memref_squeeze %dma_start3A_540 : memref<1x!tpu.dma_semaphore, #tpu.memory_space<semaphore_mem>> -> memref<!tpu.dma_semaphore, #tpu.memory_space<semaphore_mem>>
      %dma_start3A_542 = tpu.memref_slice %arg4[%add3A_532] : memref<320000xi32, #tpu.memory_space<hbm>> -> memref<128xi32, #tpu.memory_space<hbm>>
      tpu.enqueue_dma source(%dma_start3A_542 : memref<128xi32, #tpu.memory_space<hbm>>) target(%arg12 : memref<128xi32, #tpu.memory_space<vmem>>) target_semaphore(%dma_start3A_541 : memref<!tpu.dma_semaphore, #tpu.memory_space<semaphore_mem>>)
      %add3A_543 = arith.constant 1 : i32
      %add3A_544 = arith.addi %add3A_509, %add3A_543 : i32
      %mul3A_545 = arith.constant 128 : i32
      %mul3A_546 = arith.muli %add3A_544, %mul3A_545 : i32
      %add3A_547 = arith.addi %mul3A_9, %mul3A_546 : i32
      %dma_wait3A_548 = arith.constant 2 : i32
      %dma_wait3A_549 = tpu.memref_slice %arg3[%add3A_547] : memref<320000xi32, #tpu.memory_space<hbm>> -> memref<128xi32, #tpu.memory_space<hbm>>
      %dma_wait3A_550 = tpu.memref_slice %arg22[%dma_wait3A_548] : memref<4x!tpu.dma_semaphore, #tpu.memory_space<semaphore_mem>> -> memref<1x!tpu.dma_semaphore, #tpu.memory_space<semaphore_mem>>
      %dma_wait3A_551 = tpu.memref_squeeze %dma_wait3A_550 : memref<1x!tpu.dma_semaphore, #tpu.memory_space<semaphore_mem>> -> memref<!tpu.dma_semaphore, #tpu.memory_space<semaphore_mem>>
      %dma_wait3A_552 = tpu.memref_slice %arg3[%add3A_547] : memref<320000xi32, #tpu.memory_space<hbm>> -> memref<128xi32, #tpu.memory_space<hbm>>
      tpu.wait_dma2 semaphore(%dma_wait3A_551 : memref<!tpu.dma_semaphore, #tpu.memory_space<semaphore_mem>>) src(%dma_wait3A_552 : memref<128xi32, #tpu.memory_space<hbm>>) dst(%arg10 : memref<128xi32, #tpu.memory_space<vmem>>)
      %dma_wait3A_553 = arith.constant 2 : i32
      %dma_wait3A_554 = tpu.memref_slice %arg4[%add3A_547] : memref<320000xi32, #tpu.memory_space<hbm>> -> memref<128xi32, #tpu.memory_space<hbm>>
      %dma_wait3A_555 = tpu.memref_slice %arg22[%dma_wait3A_553] : memref<4x!tpu.dma_semaphore, #tpu.memory_space<semaphore_mem>> -> memref<1x!tpu.dma_semaphore, #tpu.memory_space<semaphore_mem>>
      %dma_wait3A_556 = tpu.memref_squeeze %dma_wait3A_555 : memref<1x!tpu.dma_semaphore, #tpu.memory_space<semaphore_mem>> -> memref<!tpu.dma_semaphore, #tpu.memory_space<semaphore_mem>>
      %dma_wait3A_557 = tpu.memref_slice %arg4[%add3A_547] : memref<320000xi32, #tpu.memory_space<hbm>> -> memref<128xi32, #tpu.memory_space<hbm>>
      tpu.wait_dma2 semaphore(%dma_wait3A_556 : memref<!tpu.dma_semaphore, #tpu.memory_space<semaphore_mem>>) src(%dma_wait3A_557 : memref<128xi32, #tpu.memory_space<hbm>>) dst(%arg14 : memref<128xi32, #tpu.memory_space<vmem>>)
      %dma_start3A_558 = arith.constant 0 : i32
      %dma_start3A_559 = arith.constant 0 : i32
      %dma_start3A_560 = arith.constant 0 : i32
      %dma_start3A_561 = tpu.memref_slice %arg2[%dma_start3A_559, %dma_start3A_560] : memref<10240x128xf32, #tpu.memory_space<hbm>> -> memref<10240x128xf32, #tpu.memory_space<hbm>>
      %dma_start3A_562 = tpu.memref_slice %arg23[%dma_start3A_558] : memref<2x!tpu.dma_semaphore, #tpu.memory_space<semaphore_mem>> -> memref<1x!tpu.dma_semaphore, #tpu.memory_space<semaphore_mem>>
      %dma_start3A_563 = tpu.memref_squeeze %dma_start3A_562 : memref<1x!tpu.dma_semaphore, #tpu.memory_space<semaphore_mem>> -> memref<!tpu.dma_semaphore, #tpu.memory_space<semaphore_mem>>
      tpu.enqueue_indirect_dma source(%dma_start3A_561 : memref<10240x128xf32, #tpu.memory_space<hbm>>) target(%arg16 : memref<128x128xf32, #tpu.memory_space<vmem>>) offsets(%arg10 : memref<128xi32, #tpu.memory_space<vmem>>) semaphore(%dma_start3A_563 : memref<!tpu.dma_semaphore, #tpu.memory_space<semaphore_mem>>)
      %mul3A_564 = arith.constant 4 : i32
      %mul3A_565 = arith.muli %scan3A_447, %mul3A_564 : i32
      %add3A_566 = arith.constant 2 : i32
      %add3A_567 = arith.addi %mul3A_565, %add3A_566 : i32
      %dma_wait3A_568 = arith.constant 0 : i32
      %dma_wait3A_569 = arith.constant 0 : i32
      %dma_wait3A_570 = arith.constant 0 : i32
      %dma_wait3A_571 = tpu.memref_slice %arg2[%dma_wait3A_569, %dma_wait3A_570] : memref<10240x128xf32, #tpu.memory_space<hbm>> -> memref<10240x128xf32, #tpu.memory_space<hbm>>
      %dma_wait3A_572 = tpu.memref_slice %arg23[%dma_wait3A_568] : memref<2x!tpu.dma_semaphore, #tpu.memory_space<semaphore_mem>> -> memref<1x!tpu.dma_semaphore, #tpu.memory_space<semaphore_mem>>
      %dma_wait3A_573 = tpu.memref_squeeze %dma_wait3A_572 : memref<1x!tpu.dma_semaphore, #tpu.memory_space<semaphore_mem>> -> memref<!tpu.dma_semaphore, #tpu.memory_space<semaphore_mem>>
      tpu.wait_indirect_dma semaphore(%dma_wait3A_573 : memref<!tpu.dma_semaphore, #tpu.memory_space<semaphore_mem>>) src(%dma_wait3A_571 : memref<10240x128xf32, #tpu.memory_space<hbm>>) dst(%arg16 : memref<128x128xf32, #tpu.memory_space<vmem>>)
      %dma_start3A_574 = arith.constant 0 : i32
      %dma_start3A_575 = arith.constant 0 : i32
      %dma_start3A_576 = arith.constant 0 : i32
      %dma_start3A_577 = tpu.memref_slice %arg7[%dma_start3A_575, %dma_start3A_576] : memref<10240x128xf32, #tpu.memory_space<vmem_shared>> -> memref<10240x128xf32, #tpu.memory_space<vmem_shared>>
      %dma_start3A_578 = tpu.memref_slice %arg24[%dma_start3A_574] : memref<2x!tpu.dma_semaphore, #tpu.memory_space<semaphore_mem>> -> memref<1x!tpu.dma_semaphore, #tpu.memory_space<semaphore_mem>>
      %dma_start3A_579 = tpu.memref_squeeze %dma_start3A_578 : memref<1x!tpu.dma_semaphore, #tpu.memory_space<semaphore_mem>> -> memref<!tpu.dma_semaphore, #tpu.memory_space<semaphore_mem>>
      tpu.enqueue_indirect_dma source(%arg16 : memref<128x128xf32, #tpu.memory_space<vmem>>) target(%dma_start3A_577 : memref<10240x128xf32, #tpu.memory_space<vmem_shared>>) offsets(%arg14 : memref<128xi32, #tpu.memory_space<vmem>>) semaphore(%dma_start3A_579 : memref<!tpu.dma_semaphore, #tpu.memory_space<semaphore_mem>>) {add = true}
      %dma_wait3A_580 = arith.constant 1 : i32
      %dma_wait3A_581 = arith.constant 0 : i32
      %dma_wait3A_582 = arith.constant 0 : i32
      %dma_wait3A_583 = tpu.memref_slice %arg7[%dma_wait3A_581, %dma_wait3A_582] : memref<10240x128xf32, #tpu.memory_space<vmem_shared>> -> memref<10240x128xf32, #tpu.memory_space<vmem_shared>>
      %dma_wait3A_584 = tpu.memref_slice %arg24[%dma_wait3A_580] : memref<2x!tpu.dma_semaphore, #tpu.memory_space<semaphore_mem>> -> memref<1x!tpu.dma_semaphore, #tpu.memory_space<semaphore_mem>>
      %dma_wait3A_585 = tpu.memref_squeeze %dma_wait3A_584 : memref<1x!tpu.dma_semaphore, #tpu.memory_space<semaphore_mem>> -> memref<!tpu.dma_semaphore, #tpu.memory_space<semaphore_mem>>
      tpu.wait_indirect_dma semaphore(%dma_wait3A_585 : memref<!tpu.dma_semaphore, #tpu.memory_space<semaphore_mem>>) src(%arg17 : memref<128x128xf32, #tpu.memory_space<vmem>>) dst(%dma_wait3A_583 : memref<10240x128xf32, #tpu.memory_space<vmem_shared>>)
      %add3A_586 = arith.constant 3 : i32
      %add3A_587 = arith.addi %add3A_567, %add3A_586 : i32
      %mul3A_588 = arith.constant 128 : i32
      %mul3A_589 = arith.muli %add3A_587, %mul3A_588 : i32
      %add3A_590 = arith.addi %mul3A_9, %mul3A_589 : i32
      %dma_start3A_591 = arith.constant 1 : i32
      %dma_start3A_592 = tpu.memref_slice %arg3[%add3A_590] : memref<320000xi32, #tpu.memory_space<hbm>> -> memref<128xi32, #tpu.memory_space<hbm>>
      %dma_start3A_593 = tpu.memref_slice %arg22[%dma_start3A_591] : memref<4x!tpu.dma_semaphore, #tpu.memory_space<semaphore_mem>> -> memref<1x!tpu.dma_semaphore, #tpu.memory_space<semaphore_mem>>
      %dma_start3A_594 = tpu.memref_squeeze %dma_start3A_593 : memref<1x!tpu.dma_semaphore, #tpu.memory_space<semaphore_mem>> -> memref<!tpu.dma_semaphore, #tpu.memory_space<semaphore_mem>>
      %dma_start3A_595 = tpu.memref_slice %arg3[%add3A_590] : memref<320000xi32, #tpu.memory_space<hbm>> -> memref<128xi32, #tpu.memory_space<hbm>>
      tpu.enqueue_dma source(%dma_start3A_595 : memref<128xi32, #tpu.memory_space<hbm>>) target(%arg9 : memref<128xi32, #tpu.memory_space<vmem>>) target_semaphore(%dma_start3A_594 : memref<!tpu.dma_semaphore, #tpu.memory_space<semaphore_mem>>)
      %dma_start3A_596 = arith.constant 1 : i32
      %dma_start3A_597 = tpu.memref_slice %arg4[%add3A_590] : memref<320000xi32, #tpu.memory_space<hbm>> -> memref<128xi32, #tpu.memory_space<hbm>>
      %dma_start3A_598 = tpu.memref_slice %arg22[%dma_start3A_596] : memref<4x!tpu.dma_semaphore, #tpu.memory_space<semaphore_mem>> -> memref<1x!tpu.dma_semaphore, #tpu.memory_space<semaphore_mem>>
      %dma_start3A_599 = tpu.memref_squeeze %dma_start3A_598 : memref<1x!tpu.dma_semaphore, #tpu.memory_space<semaphore_mem>> -> memref<!tpu.dma_semaphore, #tpu.memory_space<semaphore_mem>>
      %dma_start3A_600 = tpu.memref_slice %arg4[%add3A_590] : memref<320000xi32, #tpu.memory_space<hbm>> -> memref<128xi32, #tpu.memory_space<hbm>>
      tpu.enqueue_dma source(%dma_start3A_600 : memref<128xi32, #tpu.memory_space<hbm>>) target(%arg13 : memref<128xi32, #tpu.memory_space<vmem>>) target_semaphore(%dma_start3A_599 : memref<!tpu.dma_semaphore, #tpu.memory_space<semaphore_mem>>)
      %add3A_601 = arith.constant 1 : i32
      %add3A_602 = arith.addi %add3A_567, %add3A_601 : i32
      %mul3A_603 = arith.constant 128 : i32
      %mul3A_604 = arith.muli %add3A_602, %mul3A_603 : i32
      %add3A_605 = arith.addi %mul3A_9, %mul3A_604 : i32
      %dma_wait3A_606 = arith.constant 3 : i32
      %dma_wait3A_607 = tpu.memref_slice %arg3[%add3A_605] : memref<320000xi32, #tpu.memory_space<hbm>> -> memref<128xi32, #tpu.memory_space<hbm>>
      %dma_wait3A_608 = tpu.memref_slice %arg22[%dma_wait3A_606] : memref<4x!tpu.dma_semaphore, #tpu.memory_space<semaphore_mem>> -> memref<1x!tpu.dma_semaphore, #tpu.memory_space<semaphore_mem>>
      %dma_wait3A_609 = tpu.memref_squeeze %dma_wait3A_608 : memref<1x!tpu.dma_semaphore, #tpu.memory_space<semaphore_mem>> -> memref<!tpu.dma_semaphore, #tpu.memory_space<semaphore_mem>>
      %dma_wait3A_610 = tpu.memref_slice %arg3[%add3A_605] : memref<320000xi32, #tpu.memory_space<hbm>> -> memref<128xi32, #tpu.memory_space<hbm>>
      tpu.wait_dma2 semaphore(%dma_wait3A_609 : memref<!tpu.dma_semaphore, #tpu.memory_space<semaphore_mem>>) src(%dma_wait3A_610 : memref<128xi32, #tpu.memory_space<hbm>>) dst(%arg11 : memref<128xi32, #tpu.memory_space<vmem>>)
      %dma_wait3A_611 = arith.constant 3 : i32
      %dma_wait3A_612 = tpu.memref_slice %arg4[%add3A_605] : memref<320000xi32, #tpu.memory_space<hbm>> -> memref<128xi32, #tpu.memory_space<hbm>>
      %dma_wait3A_613 = tpu.memref_slice %arg22[%dma_wait3A_611] : memref<4x!tpu.dma_semaphore, #tpu.memory_space<semaphore_mem>> -> memref<1x!tpu.dma_semaphore, #tpu.memory_space<semaphore_mem>>
      %dma_wait3A_614 = tpu.memref_squeeze %dma_wait3A_613 : memref<1x!tpu.dma_semaphore, #tpu.memory_space<semaphore_mem>> -> memref<!tpu.dma_semaphore, #tpu.memory_space<semaphore_mem>>
      %dma_wait3A_615 = tpu.memref_slice %arg4[%add3A_605] : memref<320000xi32, #tpu.memory_space<hbm>> -> memref<128xi32, #tpu.memory_space<hbm>>
      tpu.wait_dma2 semaphore(%dma_wait3A_614 : memref<!tpu.dma_semaphore, #tpu.memory_space<semaphore_mem>>) src(%dma_wait3A_615 : memref<128xi32, #tpu.memory_space<hbm>>) dst(%arg15 : memref<128xi32, #tpu.memory_space<vmem>>)
      %dma_start3A_616 = arith.constant 1 : i32
      %dma_start3A_617 = arith.constant 0 : i32
      %dma_start3A_618 = arith.constant 0 : i32
      %dma_start3A_619 = tpu.memref_slice %arg2[%dma_start3A_617, %dma_start3A_618] : memref<10240x128xf32, #tpu.memory_space<hbm>> -> memref<10240x128xf32, #tpu.memory_space<hbm>>
      %dma_start3A_620 = tpu.memref_slice %arg23[%dma_start3A_616] : memref<2x!tpu.dma_semaphore, #tpu.memory_space<semaphore_mem>> -> memref<1x!tpu.dma_semaphore, #tpu.memory_space<semaphore_mem>>
      %dma_start3A_621 = tpu.memref_squeeze %dma_start3A_620 : memref<1x!tpu.dma_semaphore, #tpu.memory_space<semaphore_mem>> -> memref<!tpu.dma_semaphore, #tpu.memory_space<semaphore_mem>>
      tpu.enqueue_indirect_dma source(%dma_start3A_619 : memref<10240x128xf32, #tpu.memory_space<hbm>>) target(%arg17 : memref<128x128xf32, #tpu.memory_space<vmem>>) offsets(%arg11 : memref<128xi32, #tpu.memory_space<vmem>>) semaphore(%dma_start3A_621 : memref<!tpu.dma_semaphore, #tpu.memory_space<semaphore_mem>>)
      %mul3A_622 = arith.constant 4 : i32
      %mul3A_623 = arith.muli %scan3A_447, %mul3A_622 : i32
      %add3A_624 = arith.constant 3 : i32
      %add3A_625 = arith.addi %mul3A_623, %add3A_624 : i32
      %dma_wait3A_626 = arith.constant 1 : i32
      %dma_wait3A_627 = arith.constant 0 : i32
      %dma_wait3A_628 = arith.constant 0 : i32
      %dma_wait3A_629 = tpu.memref_slice %arg2[%dma_wait3A_627, %dma_wait3A_628] : memref<10240x128xf32, #tpu.memory_space<hbm>> -> memref<10240x128xf32, #tpu.memory_space<hbm>>
      %dma_wait3A_630 = tpu.memref_slice %arg23[%dma_wait3A_626] : memref<2x!tpu.dma_semaphore, #tpu.memory_space<semaphore_mem>> -> memref<1x!tpu.dma_semaphore, #tpu.memory_space<semaphore_mem>>
      %dma_wait3A_631 = tpu.memref_squeeze %dma_wait3A_630 : memref<1x!tpu.dma_semaphore, #tpu.memory_space<semaphore_mem>> -> memref<!tpu.dma_semaphore, #tpu.memory_space<semaphore_mem>>
      tpu.wait_indirect_dma semaphore(%dma_wait3A_631 : memref<!tpu.dma_semaphore, #tpu.memory_space<semaphore_mem>>) src(%dma_wait3A_629 : memref<10240x128xf32, #tpu.memory_space<hbm>>) dst(%arg17 : memref<128x128xf32, #tpu.memory_space<vmem>>)
      %dma_start3A_632 = arith.constant 1 : i32
      %dma_start3A_633 = arith.constant 0 : i32
      %dma_start3A_634 = arith.constant 0 : i32
      %dma_start3A_635 = tpu.memref_slice %arg7[%dma_start3A_633, %dma_start3A_634] : memref<10240x128xf32, #tpu.memory_space<vmem_shared>> -> memref<10240x128xf32, #tpu.memory_space<vmem_shared>>
      %dma_start3A_636 = tpu.memref_slice %arg24[%dma_start3A_632] : memref<2x!tpu.dma_semaphore, #tpu.memory_space<semaphore_mem>> -> memref<1x!tpu.dma_semaphore, #tpu.memory_space<semaphore_mem>>
      %dma_start3A_637 = tpu.memref_squeeze %dma_start3A_636 : memref<1x!tpu.dma_semaphore, #tpu.memory_space<semaphore_mem>> -> memref<!tpu.dma_semaphore, #tpu.memory_space<semaphore_mem>>
      tpu.enqueue_indirect_dma source(%arg17 : memref<128x128xf32, #tpu.memory_space<vmem>>) target(%dma_start3A_635 : memref<10240x128xf32, #tpu.memory_space<vmem_shared>>) offsets(%arg15 : memref<128xi32, #tpu.memory_space<vmem>>) semaphore(%dma_start3A_637 : memref<!tpu.dma_semaphore, #tpu.memory_space<semaphore_mem>>) {add = true}
      %dma_wait3A_638 = arith.constant 0 : i32
      %dma_wait3A_639 = arith.constant 0 : i32
      %dma_wait3A_640 = arith.constant 0 : i32
      %dma_wait3A_641 = tpu.memref_slice %arg7[%dma_wait3A_639, %dma_wait3A_640] : memref<10240x128xf32, #tpu.memory_space<vmem_shared>> -> memref<10240x128xf32, #tpu.memory_space<vmem_shared>>
      %dma_wait3A_642 = tpu.memref_slice %arg24[%dma_wait3A_638] : memref<2x!tpu.dma_semaphore, #tpu.memory_space<semaphore_mem>> -> memref<1x!tpu.dma_semaphore, #tpu.memory_space<semaphore_mem>>
      %dma_wait3A_643 = tpu.memref_squeeze %dma_wait3A_642 : memref<1x!tpu.dma_semaphore, #tpu.memory_space<semaphore_mem>> -> memref<!tpu.dma_semaphore, #tpu.memory_space<semaphore_mem>>
      tpu.wait_indirect_dma semaphore(%dma_wait3A_643 : memref<!tpu.dma_semaphore, #tpu.memory_space<semaphore_mem>>) src(%arg16 : memref<128x128xf32, #tpu.memory_space<vmem>>) dst(%dma_wait3A_641 : memref<10240x128xf32, #tpu.memory_space<vmem_shared>>)
      %add3A_644 = arith.constant 3 : i32
      %add3A_645 = arith.addi %add3A_625, %add3A_644 : i32
      %mul3A_646 = arith.constant 128 : i32
      %mul3A_647 = arith.muli %add3A_645, %mul3A_646 : i32
      %add3A_648 = arith.addi %mul3A_9, %mul3A_647 : i32
      %dma_start3A_649 = arith.constant 2 : i32
      %dma_start3A_650 = tpu.memref_slice %arg3[%add3A_648] : memref<320000xi32, #tpu.memory_space<hbm>> -> memref<128xi32, #tpu.memory_space<hbm>>
      %dma_start3A_651 = tpu.memref_slice %arg22[%dma_start3A_649] : memref<4x!tpu.dma_semaphore, #tpu.memory_space<semaphore_mem>> -> memref<1x!tpu.dma_semaphore, #tpu.memory_space<semaphore_mem>>
      %dma_start3A_652 = tpu.memref_squeeze %dma_start3A_651 : memref<1x!tpu.dma_semaphore, #tpu.memory_space<semaphore_mem>> -> memref<!tpu.dma_semaphore, #tpu.memory_space<semaphore_mem>>
      %dma_start3A_653 = tpu.memref_slice %arg3[%add3A_648] : memref<320000xi32, #tpu.memory_space<hbm>> -> memref<128xi32, #tpu.memory_space<hbm>>
      tpu.enqueue_dma source(%dma_start3A_653 : memref<128xi32, #tpu.memory_space<hbm>>) target(%arg10 : memref<128xi32, #tpu.memory_space<vmem>>) target_semaphore(%dma_start3A_652 : memref<!tpu.dma_semaphore, #tpu.memory_space<semaphore_mem>>)
      %dma_start3A_654 = arith.constant 2 : i32
      %dma_start3A_655 = tpu.memref_slice %arg4[%add3A_648] : memref<320000xi32, #tpu.memory_space<hbm>> -> memref<128xi32, #tpu.memory_space<hbm>>
      %dma_start3A_656 = tpu.memref_slice %arg22[%dma_start3A_654] : memref<4x!tpu.dma_semaphore, #tpu.memory_space<semaphore_mem>> -> memref<1x!tpu.dma_semaphore, #tpu.memory_space<semaphore_mem>>
      %dma_start3A_657 = tpu.memref_squeeze %dma_start3A_656 : memref<1x!tpu.dma_semaphore, #tpu.memory_space<semaphore_mem>> -> memref<!tpu.dma_semaphore, #tpu.memory_space<semaphore_mem>>
      %dma_start3A_658 = tpu.memref_slice %arg4[%add3A_648] : memref<320000xi32, #tpu.memory_space<hbm>> -> memref<128xi32, #tpu.memory_space<hbm>>
      tpu.enqueue_dma source(%dma_start3A_658 : memref<128xi32, #tpu.memory_space<hbm>>) target(%arg14 : memref<128xi32, #tpu.memory_space<vmem>>) target_semaphore(%dma_start3A_657 : memref<!tpu.dma_semaphore, #tpu.memory_space<semaphore_mem>>)
      %add3A_659 = arith.constant 1 : i32
      %add3A_660 = arith.addi %add3A_625, %add3A_659 : i32
      %mul3A_661 = arith.constant 128 : i32
      %mul3A_662 = arith.muli %add3A_660, %mul3A_661 : i32
      %add3A_663 = arith.addi %mul3A_9, %mul3A_662 : i32
      %dma_wait3A_664 = arith.constant 0 : i32
      %dma_wait3A_665 = tpu.memref_slice %arg3[%add3A_663] : memref<320000xi32, #tpu.memory_space<hbm>> -> memref<128xi32, #tpu.memory_space<hbm>>
      %dma_wait3A_666 = tpu.memref_slice %arg22[%dma_wait3A_664] : memref<4x!tpu.dma_semaphore, #tpu.memory_space<semaphore_mem>> -> memref<1x!tpu.dma_semaphore, #tpu.memory_space<semaphore_mem>>
      %dma_wait3A_667 = tpu.memref_squeeze %dma_wait3A_666 : memref<1x!tpu.dma_semaphore, #tpu.memory_space<semaphore_mem>> -> memref<!tpu.dma_semaphore, #tpu.memory_space<semaphore_mem>>
      %dma_wait3A_668 = tpu.memref_slice %arg3[%add3A_663] : memref<320000xi32, #tpu.memory_space<hbm>> -> memref<128xi32, #tpu.memory_space<hbm>>
      tpu.wait_dma2 semaphore(%dma_wait3A_667 : memref<!tpu.dma_semaphore, #tpu.memory_space<semaphore_mem>>) src(%dma_wait3A_668 : memref<128xi32, #tpu.memory_space<hbm>>) dst(%arg8 : memref<128xi32, #tpu.memory_space<vmem>>)
      %dma_wait3A_669 = arith.constant 0 : i32
      %dma_wait3A_670 = tpu.memref_slice %arg4[%add3A_663] : memref<320000xi32, #tpu.memory_space<hbm>> -> memref<128xi32, #tpu.memory_space<hbm>>
      %dma_wait3A_671 = tpu.memref_slice %arg22[%dma_wait3A_669] : memref<4x!tpu.dma_semaphore, #tpu.memory_space<semaphore_mem>> -> memref<1x!tpu.dma_semaphore, #tpu.memory_space<semaphore_mem>>
      %dma_wait3A_672 = tpu.memref_squeeze %dma_wait3A_671 : memref<1x!tpu.dma_semaphore, #tpu.memory_space<semaphore_mem>> -> memref<!tpu.dma_semaphore, #tpu.memory_space<semaphore_mem>>
      %dma_wait3A_673 = tpu.memref_slice %arg4[%add3A_663] : memref<320000xi32, #tpu.memory_space<hbm>> -> memref<128xi32, #tpu.memory_space<hbm>>
      tpu.wait_dma2 semaphore(%dma_wait3A_672 : memref<!tpu.dma_semaphore, #tpu.memory_space<semaphore_mem>>) src(%dma_wait3A_673 : memref<128xi32, #tpu.memory_space<hbm>>) dst(%arg12 : memref<128xi32, #tpu.memory_space<vmem>>)
      %dma_start3A_674 = arith.constant 0 : i32
      %dma_start3A_675 = arith.constant 0 : i32
      %dma_start3A_676 = arith.constant 0 : i32
      %dma_start3A_677 = tpu.memref_slice %arg2[%dma_start3A_675, %dma_start3A_676] : memref<10240x128xf32, #tpu.memory_space<hbm>> -> memref<10240x128xf32, #tpu.memory_space<hbm>>
      %dma_start3A_678 = tpu.memref_slice %arg23[%dma_start3A_674] : memref<2x!tpu.dma_semaphore, #tpu.memory_space<semaphore_mem>> -> memref<1x!tpu.dma_semaphore, #tpu.memory_space<semaphore_mem>>
      %dma_start3A_679 = tpu.memref_squeeze %dma_start3A_678 : memref<1x!tpu.dma_semaphore, #tpu.memory_space<semaphore_mem>> -> memref<!tpu.dma_semaphore, #tpu.memory_space<semaphore_mem>>
      tpu.enqueue_indirect_dma source(%dma_start3A_677 : memref<10240x128xf32, #tpu.memory_space<hbm>>) target(%arg16 : memref<128x128xf32, #tpu.memory_space<vmem>>) offsets(%arg8 : memref<128xi32, #tpu.memory_space<vmem>>) semaphore(%dma_start3A_679 : memref<!tpu.dma_semaphore, #tpu.memory_space<semaphore_mem>>)
    }
    %scan3A_253 = arith.constant 17 : i32
    %dma_wait3A_254 = arith.constant 0 : i32
    %dma_wait3A_255 = arith.constant 0 : i32
    %dma_wait3A_256 = arith.constant 0 : i32
    %dma_wait3A_257 = tpu.memref_slice %arg2[%dma_wait3A_255, %dma_wait3A_256] : memref<10240x128xf32, #tpu.memory_space<hbm>> -> memref<10240x128xf32, #tpu.memory_space<hbm>>
    %dma_wait3A_258 = tpu.memref_slice %arg23[%dma_wait3A_254] : memref<2x!tpu.dma_semaphore, #tpu.memory_space<semaphore_mem>> -> memref<1x!tpu.dma_semaphore, #tpu.memory_space<semaphore_mem>>
    %dma_wait3A_259 = tpu.memref_squeeze %dma_wait3A_258 : memref<1x!tpu.dma_semaphore, #tpu.memory_space<semaphore_mem>> -> memref<!tpu.dma_semaphore, #tpu.memory_space<semaphore_mem>>
    tpu.wait_indirect_dma semaphore(%dma_wait3A_259 : memref<!tpu.dma_semaphore, #tpu.memory_space<semaphore_mem>>) src(%dma_wait3A_257 : memref<10240x128xf32, #tpu.memory_space<hbm>>) dst(%arg16 : memref<128x128xf32, #tpu.memory_space<vmem>>)
    %dma_start3A_260 = arith.constant 0 : i32
    %dma_start3A_261 = arith.constant 0 : i32
    %dma_start3A_262 = arith.constant 0 : i32
    %dma_start3A_263 = tpu.memref_slice %arg7[%dma_start3A_261, %dma_start3A_262] : memref<10240x128xf32, #tpu.memory_space<vmem_shared>> -> memref<10240x128xf32, #tpu.memory_space<vmem_shared>>
    %dma_start3A_264 = tpu.memref_slice %arg24[%dma_start3A_260] : memref<2x!tpu.dma_semaphore, #tpu.memory_space<semaphore_mem>> -> memref<1x!tpu.dma_semaphore, #tpu.memory_space<semaphore_mem>>
    %dma_start3A_265 = tpu.memref_squeeze %dma_start3A_264 : memref<1x!tpu.dma_semaphore, #tpu.memory_space<semaphore_mem>> -> memref<!tpu.dma_semaphore, #tpu.memory_space<semaphore_mem>>
    tpu.enqueue_indirect_dma source(%arg16 : memref<128x128xf32, #tpu.memory_space<vmem>>) target(%dma_start3A_263 : memref<10240x128xf32, #tpu.memory_space<vmem_shared>>) offsets(%arg12 : memref<128xi32, #tpu.memory_space<vmem>>) semaphore(%dma_start3A_265 : memref<!tpu.dma_semaphore, #tpu.memory_space<semaphore_mem>>) {add = true}
    %dma_wait3A_266 = arith.constant 1 : i32
    %dma_wait3A_267 = arith.constant 0 : i32
    %dma_wait3A_268 = arith.constant 0 : i32
    %dma_wait3A_269 = tpu.memref_slice %arg7[%dma_wait3A_267, %dma_wait3A_268] : memref<10240x128xf32, #tpu.memory_space<vmem_shared>> -> memref<10240x128xf32, #tpu.memory_space<vmem_shared>>
    %dma_wait3A_270 = tpu.memref_slice %arg24[%dma_wait3A_266] : memref<2x!tpu.dma_semaphore, #tpu.memory_space<semaphore_mem>> -> memref<1x!tpu.dma_semaphore, #tpu.memory_space<semaphore_mem>>
    %dma_wait3A_271 = tpu.memref_squeeze %dma_wait3A_270 : memref<1x!tpu.dma_semaphore, #tpu.memory_space<semaphore_mem>> -> memref<!tpu.dma_semaphore, #tpu.memory_space<semaphore_mem>>
    tpu.wait_indirect_dma semaphore(%dma_wait3A_271 : memref<!tpu.dma_semaphore, #tpu.memory_space<semaphore_mem>>) src(%arg17 : memref<128x128xf32, #tpu.memory_space<vmem>>) dst(%dma_wait3A_269 : memref<10240x128xf32, #tpu.memory_space<vmem_shared>>)
    %add3A_272 = arith.constant 9600 : i32
    %add3A_273 = arith.addi %mul3A_9, %add3A_272 : i32
    %dma_start3A_274 = arith.constant 3 : i32
    %dma_start3A_275 = tpu.memref_slice %arg3[%add3A_273] : memref<320000xi32, #tpu.memory_space<hbm>> -> memref<128xi32, #tpu.memory_space<hbm>>
    %dma_start3A_276 = tpu.memref_slice %arg22[%dma_start3A_274] : memref<4x!tpu.dma_semaphore, #tpu.memory_space<semaphore_mem>> -> memref<1x!tpu.dma_semaphore, #tpu.memory_space<semaphore_mem>>
    %dma_start3A_277 = tpu.memref_squeeze %dma_start3A_276 : memref<1x!tpu.dma_semaphore, #tpu.memory_space<semaphore_mem>> -> memref<!tpu.dma_semaphore, #tpu.memory_space<semaphore_mem>>
    %dma_start3A_278 = tpu.memref_slice %arg3[%add3A_273] : memref<320000xi32, #tpu.memory_space<hbm>> -> memref<128xi32, #tpu.memory_space<hbm>>
    tpu.enqueue_dma source(%dma_start3A_278 : memref<128xi32, #tpu.memory_space<hbm>>) target(%arg11 : memref<128xi32, #tpu.memory_space<vmem>>) target_semaphore(%dma_start3A_277 : memref<!tpu.dma_semaphore, #tpu.memory_space<semaphore_mem>>)
    %dma_start3A_279 = arith.constant 3 : i32
    %dma_start3A_280 = tpu.memref_slice %arg4[%add3A_273] : memref<320000xi32, #tpu.memory_space<hbm>> -> memref<128xi32, #tpu.memory_space<hbm>>
    %dma_start3A_281 = tpu.memref_slice %arg22[%dma_start3A_279] : memref<4x!tpu.dma_semaphore, #tpu.memory_space<semaphore_mem>> -> memref<1x!tpu.dma_semaphore, #tpu.memory_space<semaphore_mem>>
    %dma_start3A_282 = tpu.memref_squeeze %dma_start3A_281 : memref<1x!tpu.dma_semaphore, #tpu.memory_space<semaphore_mem>> -> memref<!tpu.dma_semaphore, #tpu.memory_space<semaphore_mem>>
    %dma_start3A_283 = tpu.memref_slice %arg4[%add3A_273] : memref<320000xi32, #tpu.memory_space<hbm>> -> memref<128xi32, #tpu.memory_space<hbm>>
    tpu.enqueue_dma source(%dma_start3A_283 : memref<128xi32, #tpu.memory_space<hbm>>) target(%arg15 : memref<128xi32, #tpu.memory_space<vmem>>) target_semaphore(%dma_start3A_282 : memref<!tpu.dma_semaphore, #tpu.memory_space<semaphore_mem>>)
    %add3A_284 = arith.constant 9344 : i32
    %add3A_285 = arith.addi %mul3A_9, %add3A_284 : i32
    %dma_wait3A_286 = arith.constant 1 : i32
    %dma_wait3A_287 = tpu.memref_slice %arg3[%add3A_285] : memref<320000xi32, #tpu.memory_space<hbm>> -> memref<128xi32, #tpu.memory_space<hbm>>
    %dma_wait3A_288 = tpu.memref_slice %arg22[%dma_wait3A_286] : memref<4x!tpu.dma_semaphore, #tpu.memory_space<semaphore_mem>> -> memref<1x!tpu.dma_semaphore, #tpu.memory_space<semaphore_mem>>
    %dma_wait3A_289 = tpu.memref_squeeze %dma_wait3A_288 : memref<1x!tpu.dma_semaphore, #tpu.memory_space<semaphore_mem>> -> memref<!tpu.dma_semaphore, #tpu.memory_space<semaphore_mem>>
    %dma_wait3A_290 = tpu.memref_slice %arg3[%add3A_285] : memref<320000xi32, #tpu.memory_space<hbm>> -> memref<128xi32, #tpu.memory_space<hbm>>
    tpu.wait_dma2 semaphore(%dma_wait3A_289 : memref<!tpu.dma_semaphore, #tpu.memory_space<semaphore_mem>>) src(%dma_wait3A_290 : memref<128xi32, #tpu.memory_space<hbm>>) dst(%arg9 : memref<128xi32, #tpu.memory_space<vmem>>)
    %dma_wait3A_291 = arith.constant 1 : i32
    %dma_wait3A_292 = tpu.memref_slice %arg4[%add3A_285] : memref<320000xi32, #tpu.memory_space<hbm>> -> memref<128xi32, #tpu.memory_space<hbm>>
    %dma_wait3A_293 = tpu.memref_slice %arg22[%dma_wait3A_291] : memref<4x!tpu.dma_semaphore, #tpu.memory_space<semaphore_mem>> -> memref<1x!tpu.dma_semaphore, #tpu.memory_space<semaphore_mem>>
    %dma_wait3A_294 = tpu.memref_squeeze %dma_wait3A_293 : memref<1x!tpu.dma_semaphore, #tpu.memory_space<semaphore_mem>> -> memref<!tpu.dma_semaphore, #tpu.memory_space<semaphore_mem>>
    %dma_wait3A_295 = tpu.memref_slice %arg4[%add3A_285] : memref<320000xi32, #tpu.memory_space<hbm>> -> memref<128xi32, #tpu.memory_space<hbm>>
    tpu.wait_dma2 semaphore(%dma_wait3A_294 : memref<!tpu.dma_semaphore, #tpu.memory_space<semaphore_mem>>) src(%dma_wait3A_295 : memref<128xi32, #tpu.memory_space<hbm>>) dst(%arg13 : memref<128xi32, #tpu.memory_space<vmem>>)
    %dma_start3A_296 = arith.constant 1 : i32
    %dma_start3A_297 = arith.constant 0 : i32
    %dma_start3A_298 = arith.constant 0 : i32
    %dma_start3A_299 = tpu.memref_slice %arg2[%dma_start3A_297, %dma_start3A_298] : memref<10240x128xf32, #tpu.memory_space<hbm>> -> memref<10240x128xf32, #tpu.memory_space<hbm>>
    %dma_start3A_300 = tpu.memref_slice %arg23[%dma_start3A_296] : memref<2x!tpu.dma_semaphore, #tpu.memory_space<semaphore_mem>> -> memref<1x!tpu.dma_semaphore, #tpu.memory_space<semaphore_mem>>
    %dma_start3A_301 = tpu.memref_squeeze %dma_start3A_300 : memref<1x!tpu.dma_semaphore, #tpu.memory_space<semaphore_mem>> -> memref<!tpu.dma_semaphore, #tpu.memory_space<semaphore_mem>>
    tpu.enqueue_indirect_dma source(%dma_start3A_299 : memref<10240x128xf32, #tpu.memory_space<hbm>>) target(%arg17 : memref<128x128xf32, #tpu.memory_space<vmem>>) offsets(%arg9 : memref<128xi32, #tpu.memory_space<vmem>>) semaphore(%dma_start3A_301 : memref<!tpu.dma_semaphore, #tpu.memory_space<semaphore_mem>>)
    %dma_wait3A_302 = arith.constant 1 : i32
    %dma_wait3A_303 = arith.constant 0 : i32
    %dma_wait3A_304 = arith.constant 0 : i32
    %dma_wait3A_305 = tpu.memref_slice %arg2[%dma_wait3A_303, %dma_wait3A_304] : memref<10240x128xf32, #tpu.memory_space<hbm>> -> memref<10240x128xf32, #tpu.memory_space<hbm>>
    %dma_wait3A_306 = tpu.memref_slice %arg23[%dma_wait3A_302] : memref<2x!tpu.dma_semaphore, #tpu.memory_space<semaphore_mem>> -> memref<1x!tpu.dma_semaphore, #tpu.memory_space<semaphore_mem>>
    %dma_wait3A_307 = tpu.memref_squeeze %dma_wait3A_306 : memref<1x!tpu.dma_semaphore, #tpu.memory_space<semaphore_mem>> -> memref<!tpu.dma_semaphore, #tpu.memory_space<semaphore_mem>>
    tpu.wait_indirect_dma semaphore(%dma_wait3A_307 : memref<!tpu.dma_semaphore, #tpu.memory_space<semaphore_mem>>) src(%dma_wait3A_305 : memref<10240x128xf32, #tpu.memory_space<hbm>>) dst(%arg17 : memref<128x128xf32, #tpu.memory_space<vmem>>)
    %dma_start3A_308 = arith.constant 1 : i32
    %dma_start3A_309 = arith.constant 0 : i32
    %dma_start3A_310 = arith.constant 0 : i32
    %dma_start3A_311 = tpu.memref_slice %arg7[%dma_start3A_309, %dma_start3A_310] : memref<10240x128xf32, #tpu.memory_space<vmem_shared>> -> memref<10240x128xf32, #tpu.memory_space<vmem_shared>>
    %dma_start3A_312 = tpu.memref_slice %arg24[%dma_start3A_308] : memref<2x!tpu.dma_semaphore, #tpu.memory_space<semaphore_mem>> -> memref<1x!tpu.dma_semaphore, #tpu.memory_space<semaphore_mem>>
    %dma_start3A_313 = tpu.memref_squeeze %dma_start3A_312 : memref<1x!tpu.dma_semaphore, #tpu.memory_space<semaphore_mem>> -> memref<!tpu.dma_semaphore, #tpu.memory_space<semaphore_mem>>
    tpu.enqueue_indirect_dma source(%arg17 : memref<128x128xf32, #tpu.memory_space<vmem>>) target(%dma_start3A_311 : memref<10240x128xf32, #tpu.memory_space<vmem_shared>>) offsets(%arg13 : memref<128xi32, #tpu.memory_space<vmem>>) semaphore(%dma_start3A_313 : memref<!tpu.dma_semaphore, #tpu.memory_space<semaphore_mem>>) {add = true}
    %dma_wait3A_314 = arith.constant 0 : i32
    %dma_wait3A_315 = arith.constant 0 : i32
    %dma_wait3A_316 = arith.constant 0 : i32
    %dma_wait3A_317 = tpu.memref_slice %arg7[%dma_wait3A_315, %dma_wait3A_316] : memref<10240x128xf32, #tpu.memory_space<vmem_shared>> -> memref<10240x128xf32, #tpu.memory_space<vmem_shared>>
    %dma_wait3A_318 = tpu.memref_slice %arg24[%dma_wait3A_314] : memref<2x!tpu.dma_semaphore, #tpu.memory_space<semaphore_mem>> -> memref<1x!tpu.dma_semaphore, #tpu.memory_space<semaphore_mem>>
    %dma_wait3A_319 = tpu.memref_squeeze %dma_wait3A_318 : memref<1x!tpu.dma_semaphore, #tpu.memory_space<semaphore_mem>> -> memref<!tpu.dma_semaphore, #tpu.memory_space<semaphore_mem>>
    tpu.wait_indirect_dma semaphore(%dma_wait3A_319 : memref<!tpu.dma_semaphore, #tpu.memory_space<semaphore_mem>>) src(%arg16 : memref<128x128xf32, #tpu.memory_space<vmem>>) dst(%dma_wait3A_317 : memref<10240x128xf32, #tpu.memory_space<vmem_shared>>)
    %add3A_320 = arith.constant 9472 : i32
    %add3A_321 = arith.addi %mul3A_9, %add3A_320 : i32
    %dma_wait3A_322 = arith.constant 2 : i32
    %dma_wait3A_323 = tpu.memref_slice %arg3[%add3A_321] : memref<320000xi32, #tpu.memory_space<hbm>> -> memref<128xi32, #tpu.memory_space<hbm>>
    %dma_wait3A_324 = tpu.memref_slice %arg22[%dma_wait3A_322] : memref<4x!tpu.dma_semaphore, #tpu.memory_space<semaphore_mem>> -> memref<1x!tpu.dma_semaphore, #tpu.memory_space<semaphore_mem>>
    %dma_wait3A_325 = tpu.memref_squeeze %dma_wait3A_324 : memref<1x!tpu.dma_semaphore, #tpu.memory_space<semaphore_mem>> -> memref<!tpu.dma_semaphore, #tpu.memory_space<semaphore_mem>>
    %dma_wait3A_326 = tpu.memref_slice %arg3[%add3A_321] : memref<320000xi32, #tpu.memory_space<hbm>> -> memref<128xi32, #tpu.memory_space<hbm>>
    tpu.wait_dma2 semaphore(%dma_wait3A_325 : memref<!tpu.dma_semaphore, #tpu.memory_space<semaphore_mem>>) src(%dma_wait3A_326 : memref<128xi32, #tpu.memory_space<hbm>>) dst(%arg10 : memref<128xi32, #tpu.memory_space<vmem>>)
    %dma_wait3A_327 = arith.constant 2 : i32
    %dma_wait3A_328 = tpu.memref_slice %arg4[%add3A_321] : memref<320000xi32, #tpu.memory_space<hbm>> -> memref<128xi32, #tpu.memory_space<hbm>>
    %dma_wait3A_329 = tpu.memref_slice %arg22[%dma_wait3A_327] : memref<4x!tpu.dma_semaphore, #tpu.memory_space<semaphore_mem>> -> memref<1x!tpu.dma_semaphore, #tpu.memory_space<semaphore_mem>>
    %dma_wait3A_330 = tpu.memref_squeeze %dma_wait3A_329 : memref<1x!tpu.dma_semaphore, #tpu.memory_space<semaphore_mem>> -> memref<!tpu.dma_semaphore, #tpu.memory_space<semaphore_mem>>
    %dma_wait3A_331 = tpu.memref_slice %arg4[%add3A_321] : memref<320000xi32, #tpu.memory_space<hbm>> -> memref<128xi32, #tpu.memory_space<hbm>>
    tpu.wait_dma2 semaphore(%dma_wait3A_330 : memref<!tpu.dma_semaphore, #tpu.memory_space<semaphore_mem>>) src(%dma_wait3A_331 : memref<128xi32, #tpu.memory_space<hbm>>) dst(%arg14 : memref<128xi32, #tpu.memory_space<vmem>>)
    %dma_start3A_332 = arith.constant 0 : i32
    %dma_start3A_333 = arith.constant 0 : i32
    %dma_start3A_334 = arith.constant 0 : i32
    %dma_start3A_335 = tpu.memref_slice %arg2[%dma_start3A_333, %dma_start3A_334] : memref<10240x128xf32, #tpu.memory_space<hbm>> -> memref<10240x128xf32, #tpu.memory_space<hbm>>
    %dma_start3A_336 = tpu.memref_slice %arg23[%dma_start3A_332] : memref<2x!tpu.dma_semaphore, #tpu.memory_space<semaphore_mem>> -> memref<1x!tpu.dma_semaphore, #tpu.memory_space<semaphore_mem>>
    %dma_start3A_337 = tpu.memref_squeeze %dma_start3A_336 : memref<1x!tpu.dma_semaphore, #tpu.memory_space<semaphore_mem>> -> memref<!tpu.dma_semaphore, #tpu.memory_space<semaphore_mem>>
    tpu.enqueue_indirect_dma source(%dma_start3A_335 : memref<10240x128xf32, #tpu.memory_space<hbm>>) target(%arg16 : memref<128x128xf32, #tpu.memory_space<vmem>>) offsets(%arg10 : memref<128xi32, #tpu.memory_space<vmem>>) semaphore(%dma_start3A_337 : memref<!tpu.dma_semaphore, #tpu.memory_space<semaphore_mem>>)
    %dma_wait3A_338 = arith.constant 0 : i32
    %dma_wait3A_339 = arith.constant 0 : i32
    %dma_wait3A_340 = arith.constant 0 : i32
    %dma_wait3A_341 = tpu.memref_slice %arg2[%dma_wait3A_339, %dma_wait3A_340] : memref<10240x128xf32, #tpu.memory_space<hbm>> -> memref<10240x128xf32, #tpu.memory_space<hbm>>
    %dma_wait3A_342 = tpu.memref_slice %arg23[%dma_wait3A_338] : memref<2x!tpu.dma_semaphore, #tpu.memory_space<semaphore_mem>> -> memref<1x!tpu.dma_semaphore, #tpu.memory_space<semaphore_mem>>
    %dma_wait3A_343 = tpu.memref_squeeze %dma_wait3A_342 : memref<1x!tpu.dma_semaphore, #tpu.memory_space<semaphore_mem>> -> memref<!tpu.dma_semaphore, #tpu.memory_space<semaphore_mem>>
    tpu.wait_indirect_dma semaphore(%dma_wait3A_343 : memref<!tpu.dma_semaphore, #tpu.memory_space<semaphore_mem>>) src(%dma_wait3A_341 : memref<10240x128xf32, #tpu.memory_space<hbm>>) dst(%arg16 : memref<128x128xf32, #tpu.memory_space<vmem>>)
    %dma_start3A_344 = arith.constant 0 : i32
    %dma_start3A_345 = arith.constant 0 : i32
    %dma_start3A_346 = arith.constant 0 : i32
    %dma_start3A_347 = tpu.memref_slice %arg7[%dma_start3A_345, %dma_start3A_346] : memref<10240x128xf32, #tpu.memory_space<vmem_shared>> -> memref<10240x128xf32, #tpu.memory_space<vmem_shared>>
    %dma_start3A_348 = tpu.memref_slice %arg24[%dma_start3A_344] : memref<2x!tpu.dma_semaphore, #tpu.memory_space<semaphore_mem>> -> memref<1x!tpu.dma_semaphore, #tpu.memory_space<semaphore_mem>>
    %dma_start3A_349 = tpu.memref_squeeze %dma_start3A_348 : memref<1x!tpu.dma_semaphore, #tpu.memory_space<semaphore_mem>> -> memref<!tpu.dma_semaphore, #tpu.memory_space<semaphore_mem>>
    tpu.enqueue_indirect_dma source(%arg16 : memref<128x128xf32, #tpu.memory_space<vmem>>) target(%dma_start3A_347 : memref<10240x128xf32, #tpu.memory_space<vmem_shared>>) offsets(%arg14 : memref<128xi32, #tpu.memory_space<vmem>>) semaphore(%dma_start3A_349 : memref<!tpu.dma_semaphore, #tpu.memory_space<semaphore_mem>>) {add = true}
    %dma_wait3A_350 = arith.constant 1 : i32
    %dma_wait3A_351 = arith.constant 0 : i32
    %dma_wait3A_352 = arith.constant 0 : i32
    %dma_wait3A_353 = tpu.memref_slice %arg7[%dma_wait3A_351, %dma_wait3A_352] : memref<10240x128xf32, #tpu.memory_space<vmem_shared>> -> memref<10240x128xf32, #tpu.memory_space<vmem_shared>>
    %dma_wait3A_354 = tpu.memref_slice %arg24[%dma_wait3A_350] : memref<2x!tpu.dma_semaphore, #tpu.memory_space<semaphore_mem>> -> memref<1x!tpu.dma_semaphore, #tpu.memory_space<semaphore_mem>>
    %dma_wait3A_355 = tpu.memref_squeeze %dma_wait3A_354 : memref<1x!tpu.dma_semaphore, #tpu.memory_space<semaphore_mem>> -> memref<!tpu.dma_semaphore, #tpu.memory_space<semaphore_mem>>
    tpu.wait_indirect_dma semaphore(%dma_wait3A_355 : memref<!tpu.dma_semaphore, #tpu.memory_space<semaphore_mem>>) src(%arg17 : memref<128x128xf32, #tpu.memory_space<vmem>>) dst(%dma_wait3A_353 : memref<10240x128xf32, #tpu.memory_space<vmem_shared>>)
    %add3A_356 = arith.constant 9600 : i32
    %add3A_357 = arith.addi %mul3A_9, %add3A_356 : i32
    %dma_wait3A_358 = arith.constant 3 : i32
    %dma_wait3A_359 = tpu.memref_slice %arg3[%add3A_357] : memref<320000xi32, #tpu.memory_space<hbm>> -> memref<128xi32, #tpu.memory_space<hbm>>
    %dma_wait3A_360 = tpu.memref_slice %arg22[%dma_wait3A_358] : memref<4x!tpu.dma_semaphore, #tpu.memory_space<semaphore_mem>> -> memref<1x!tpu.dma_semaphore, #tpu.memory_space<semaphore_mem>>
    %dma_wait3A_361 = tpu.memref_squeeze %dma_wait3A_360 : memref<1x!tpu.dma_semaphore, #tpu.memory_space<semaphore_mem>> -> memref<!tpu.dma_semaphore, #tpu.memory_space<semaphore_mem>>
    %dma_wait3A_362 = tpu.memref_slice %arg3[%add3A_357] : memref<320000xi32, #tpu.memory_space<hbm>> -> memref<128xi32, #tpu.memory_space<hbm>>
    tpu.wait_dma2 semaphore(%dma_wait3A_361 : memref<!tpu.dma_semaphore, #tpu.memory_space<semaphore_mem>>) src(%dma_wait3A_362 : memref<128xi32, #tpu.memory_space<hbm>>) dst(%arg11 : memref<128xi32, #tpu.memory_space<vmem>>)
    %dma_wait3A_363 = arith.constant 3 : i32
    %dma_wait3A_364 = tpu.memref_slice %arg4[%add3A_357] : memref<320000xi32, #tpu.memory_space<hbm>> -> memref<128xi32, #tpu.memory_space<hbm>>
    %dma_wait3A_365 = tpu.memref_slice %arg22[%dma_wait3A_363] : memref<4x!tpu.dma_semaphore, #tpu.memory_space<semaphore_mem>> -> memref<1x!tpu.dma_semaphore, #tpu.memory_space<semaphore_mem>>
    %dma_wait3A_366 = tpu.memref_squeeze %dma_wait3A_365 : memref<1x!tpu.dma_semaphore, #tpu.memory_space<semaphore_mem>> -> memref<!tpu.dma_semaphore, #tpu.memory_space<semaphore_mem>>
    %dma_wait3A_367 = tpu.memref_slice %arg4[%add3A_357] : memref<320000xi32, #tpu.memory_space<hbm>> -> memref<128xi32, #tpu.memory_space<hbm>>
    tpu.wait_dma2 semaphore(%dma_wait3A_366 : memref<!tpu.dma_semaphore, #tpu.memory_space<semaphore_mem>>) src(%dma_wait3A_367 : memref<128xi32, #tpu.memory_space<hbm>>) dst(%arg15 : memref<128xi32, #tpu.memory_space<vmem>>)
    %dma_start3A_368 = arith.constant 1 : i32
    %dma_start3A_369 = arith.constant 0 : i32
    %dma_start3A_370 = arith.constant 0 : i32
    %dma_start3A_371 = tpu.memref_slice %arg2[%dma_start3A_369, %dma_start3A_370] : memref<10240x128xf32, #tpu.memory_space<hbm>> -> memref<10240x128xf32, #tpu.memory_space<hbm>>
    %dma_start3A_372 = tpu.memref_slice %arg23[%dma_start3A_368] : memref<2x!tpu.dma_semaphore, #tpu.memory_space<semaphore_mem>> -> memref<1x!tpu.dma_semaphore, #tpu.memory_space<semaphore_mem>>
    %dma_start3A_373 = tpu.memref_squeeze %dma_start3A_372 : memref<1x!tpu.dma_semaphore, #tpu.memory_space<semaphore_mem>> -> memref<!tpu.dma_semaphore, #tpu.memory_space<semaphore_mem>>
    tpu.enqueue_indirect_dma source(%dma_start3A_371 : memref<10240x128xf32, #tpu.memory_space<hbm>>) target(%arg17 : memref<128x128xf32, #tpu.memory_space<vmem>>) offsets(%arg11 : memref<128xi32, #tpu.memory_space<vmem>>) semaphore(%dma_start3A_373 : memref<!tpu.dma_semaphore, #tpu.memory_space<semaphore_mem>>)
    %dma_wait3A_374 = arith.constant 1 : i32
    %dma_wait3A_375 = arith.constant 0 : i32
    %dma_wait3A_376 = arith.constant 0 : i32
    %dma_wait3A_377 = tpu.memref_slice %arg2[%dma_wait3A_375, %dma_wait3A_376] : memref<10240x128xf32, #tpu.memory_space<hbm>> -> memref<10240x128xf32, #tpu.memory_space<hbm>>
    %dma_wait3A_378 = tpu.memref_slice %arg23[%dma_wait3A_374] : memref<2x!tpu.dma_semaphore, #tpu.memory_space<semaphore_mem>> -> memref<1x!tpu.dma_semaphore, #tpu.memory_space<semaphore_mem>>
    %dma_wait3A_379 = tpu.memref_squeeze %dma_wait3A_378 : memref<1x!tpu.dma_semaphore, #tpu.memory_space<semaphore_mem>> -> memref<!tpu.dma_semaphore, #tpu.memory_space<semaphore_mem>>
    tpu.wait_indirect_dma semaphore(%dma_wait3A_379 : memref<!tpu.dma_semaphore, #tpu.memory_space<semaphore_mem>>) src(%dma_wait3A_377 : memref<10240x128xf32, #tpu.memory_space<hbm>>) dst(%arg17 : memref<128x128xf32, #tpu.memory_space<vmem>>)
    %dma_start3A_380 = arith.constant 1 : i32
    %dma_start3A_381 = arith.constant 0 : i32
    %dma_start3A_382 = arith.constant 0 : i32
    %dma_start3A_383 = tpu.memref_slice %arg7[%dma_start3A_381, %dma_start3A_382] : memref<10240x128xf32, #tpu.memory_space<vmem_shared>> -> memref<10240x128xf32, #tpu.memory_space<vmem_shared>>
    %dma_start3A_384 = tpu.memref_slice %arg24[%dma_start3A_380] : memref<2x!tpu.dma_semaphore, #tpu.memory_space<semaphore_mem>> -> memref<1x!tpu.dma_semaphore, #tpu.memory_space<semaphore_mem>>
    %dma_start3A_385 = tpu.memref_squeeze %dma_start3A_384 : memref<1x!tpu.dma_semaphore, #tpu.memory_space<semaphore_mem>> -> memref<!tpu.dma_semaphore, #tpu.memory_space<semaphore_mem>>
    tpu.enqueue_indirect_dma source(%arg17 : memref<128x128xf32, #tpu.memory_space<vmem>>) target(%dma_start3A_383 : memref<10240x128xf32, #tpu.memory_space<vmem_shared>>) offsets(%arg15 : memref<128xi32, #tpu.memory_space<vmem>>) semaphore(%dma_start3A_385 : memref<!tpu.dma_semaphore, #tpu.memory_space<semaphore_mem>>) {add = true}
    %dma_wait3A_386 = arith.constant 0 : i32
    %dma_wait3A_387 = arith.constant 0 : i32
    %dma_wait3A_388 = arith.constant 0 : i32
    %dma_wait3A_389 = tpu.memref_slice %arg7[%dma_wait3A_387, %dma_wait3A_388] : memref<10240x128xf32, #tpu.memory_space<vmem_shared>> -> memref<10240x128xf32, #tpu.memory_space<vmem_shared>>
    %dma_wait3A_390 = tpu.memref_slice %arg24[%dma_wait3A_386] : memref<2x!tpu.dma_semaphore, #tpu.memory_space<semaphore_mem>> -> memref<1x!tpu.dma_semaphore, #tpu.memory_space<semaphore_mem>>
    %dma_wait3A_391 = tpu.memref_squeeze %dma_wait3A_390 : memref<1x!tpu.dma_semaphore, #tpu.memory_space<semaphore_mem>> -> memref<!tpu.dma_semaphore, #tpu.memory_space<semaphore_mem>>
    tpu.wait_indirect_dma semaphore(%dma_wait3A_391 : memref<!tpu.dma_semaphore, #tpu.memory_space<semaphore_mem>>) src(%arg16 : memref<128x128xf32, #tpu.memory_space<vmem>>) dst(%dma_wait3A_389 : memref<10240x128xf32, #tpu.memory_space<vmem_shared>>)
    %dma_wait3A_392 = arith.constant 1 : i32
    %dma_wait3A_393 = arith.constant 0 : i32
    %dma_wait3A_394 = arith.constant 0 : i32
    %dma_wait3A_395 = tpu.memref_slice %arg7[%dma_wait3A_393, %dma_wait3A_394] : memref<10240x128xf32, #tpu.memory_space<vmem_shared>> -> memref<10240x128xf32, #tpu.memory_space<vmem_shared>>
    %dma_wait3A_396 = tpu.memref_slice %arg24[%dma_wait3A_392] : memref<2x!tpu.dma_semaphore, #tpu.memory_space<semaphore_mem>> -> memref<1x!tpu.dma_semaphore, #tpu.memory_space<semaphore_mem>>
    %dma_wait3A_397 = tpu.memref_squeeze %dma_wait3A_396 : memref<1x!tpu.dma_semaphore, #tpu.memory_space<semaphore_mem>> -> memref<!tpu.dma_semaphore, #tpu.memory_space<semaphore_mem>>
    tpu.wait_indirect_dma semaphore(%dma_wait3A_397 : memref<!tpu.dma_semaphore, #tpu.memory_space<semaphore_mem>>) src(%arg17 : memref<128x128xf32, #tpu.memory_space<vmem>>) dst(%dma_wait3A_395 : memref<10240x128xf32, #tpu.memory_space<vmem_shared>>)
    %add3A_398 = arith.constant 9728 : i32
    %add3A_399 = arith.addi %mul3A_9, %add3A_398 : i32
    %add3A_400 = arith.constant 9856 : i32
    %add3A_401 = arith.addi %mul3A_9, %add3A_400 : i32
    "tpu.region"() ({
      %run_scoped3A = tpu.sem_alloc : memref<!tpu.dma_semaphore, #tpu.memory_space<semaphore_mem>>
      %dma_start3A_447 = tpu.memref_slice %arg3[%add3A_399] : memref<320000xi32, #tpu.memory_space<hbm>> -> memref<128xi32, #tpu.memory_space<hbm>>
      %dma_start3A_448 = tpu.memref_slice %arg3[%add3A_399] : memref<320000xi32, #tpu.memory_space<hbm>> -> memref<128xi32, #tpu.memory_space<hbm>>
      tpu.enqueue_dma source(%dma_start3A_448 : memref<128xi32, #tpu.memory_space<hbm>>) target(%arg8 : memref<128xi32, #tpu.memory_space<vmem>>) target_semaphore(%run_scoped3A : memref<!tpu.dma_semaphore, #tpu.memory_space<semaphore_mem>>)
      %dma_wait3A_449 = tpu.memref_slice %arg3[%add3A_399] : memref<320000xi32, #tpu.memory_space<hbm>> -> memref<128xi32, #tpu.memory_space<hbm>>
      %dma_wait3A_450 = tpu.memref_slice %arg3[%add3A_399] : memref<320000xi32, #tpu.memory_space<hbm>> -> memref<128xi32, #tpu.memory_space<hbm>>
      tpu.wait_dma2 semaphore(%run_scoped3A : memref<!tpu.dma_semaphore, #tpu.memory_space<semaphore_mem>>) src(%dma_wait3A_450 : memref<128xi32, #tpu.memory_space<hbm>>) dst(%arg8 : memref<128xi32, #tpu.memory_space<vmem>>)
      tpu.yield
    }) : () -> ()
    "tpu.region"() ({
      %run_scoped3A = tpu.sem_alloc : memref<!tpu.dma_semaphore, #tpu.memory_space<semaphore_mem>>
      %dma_start3A_447 = tpu.memref_slice %arg4[%add3A_399] : memref<320000xi32, #tpu.memory_space<hbm>> -> memref<128xi32, #tpu.memory_space<hbm>>
      %dma_start3A_448 = tpu.memref_slice %arg4[%add3A_399] : memref<320000xi32, #tpu.memory_space<hbm>> -> memref<128xi32, #tpu.memory_space<hbm>>
      tpu.enqueue_dma source(%dma_start3A_448 : memref<128xi32, #tpu.memory_space<hbm>>) target(%arg12 : memref<128xi32, #tpu.memory_space<vmem>>) target_semaphore(%run_scoped3A : memref<!tpu.dma_semaphore, #tpu.memory_space<semaphore_mem>>)
      %dma_wait3A_449 = tpu.memref_slice %arg4[%add3A_399] : memref<320000xi32, #tpu.memory_space<hbm>> -> memref<128xi32, #tpu.memory_space<hbm>>
      %dma_wait3A_450 = tpu.memref_slice %arg4[%add3A_399] : memref<320000xi32, #tpu.memory_space<hbm>> -> memref<128xi32, #tpu.memory_space<hbm>>
      tpu.wait_dma2 semaphore(%run_scoped3A : memref<!tpu.dma_semaphore, #tpu.memory_space<semaphore_mem>>) src(%dma_wait3A_450 : memref<128xi32, #tpu.memory_space<hbm>>) dst(%arg12 : memref<128xi32, #tpu.memory_space<vmem>>)
      tpu.yield
    }) : () -> ()
    %dma_start3A_402 = arith.constant 0 : i32
    %dma_start3A_403 = arith.constant 0 : i32
    %dma_start3A_404 = arith.constant 0 : i32
    %dma_start3A_405 = tpu.memref_slice %arg2[%dma_start3A_403, %dma_start3A_404] : memref<10240x128xf32, #tpu.memory_space<hbm>> -> memref<10240x128xf32, #tpu.memory_space<hbm>>
    %dma_start3A_406 = tpu.memref_slice %arg23[%dma_start3A_402] : memref<2x!tpu.dma_semaphore, #tpu.memory_space<semaphore_mem>> -> memref<1x!tpu.dma_semaphore, #tpu.memory_space<semaphore_mem>>
    %dma_start3A_407 = tpu.memref_squeeze %dma_start3A_406 : memref<1x!tpu.dma_semaphore, #tpu.memory_space<semaphore_mem>> -> memref<!tpu.dma_semaphore, #tpu.memory_space<semaphore_mem>>
    tpu.enqueue_indirect_dma source(%dma_start3A_405 : memref<10240x128xf32, #tpu.memory_space<hbm>>) target(%arg16 : memref<128x128xf32, #tpu.memory_space<vmem>>) offsets(%arg8 : memref<128xi32, #tpu.memory_space<vmem>>) semaphore(%dma_start3A_407 : memref<!tpu.dma_semaphore, #tpu.memory_space<semaphore_mem>>)
    %dma_wait3A_408 = arith.constant 0 : i32
    %dma_wait3A_409 = arith.constant 0 : i32
    %dma_wait3A_410 = arith.constant 0 : i32
    %dma_wait3A_411 = tpu.memref_slice %arg2[%dma_wait3A_409, %dma_wait3A_410] : memref<10240x128xf32, #tpu.memory_space<hbm>> -> memref<10240x128xf32, #tpu.memory_space<hbm>>
    %dma_wait3A_412 = tpu.memref_slice %arg23[%dma_wait3A_408] : memref<2x!tpu.dma_semaphore, #tpu.memory_space<semaphore_mem>> -> memref<1x!tpu.dma_semaphore, #tpu.memory_space<semaphore_mem>>
    %dma_wait3A_413 = tpu.memref_squeeze %dma_wait3A_412 : memref<1x!tpu.dma_semaphore, #tpu.memory_space<semaphore_mem>> -> memref<!tpu.dma_semaphore, #tpu.memory_space<semaphore_mem>>
    tpu.wait_indirect_dma semaphore(%dma_wait3A_413 : memref<!tpu.dma_semaphore, #tpu.memory_space<semaphore_mem>>) src(%dma_wait3A_411 : memref<10240x128xf32, #tpu.memory_space<hbm>>) dst(%arg16 : memref<128x128xf32, #tpu.memory_space<vmem>>)
    "tpu.region"() ({
      %run_scoped3A = tpu.sem_alloc : memref<!tpu.dma_semaphore, #tpu.memory_space<semaphore_mem>>
      %dma_start3A_447 = arith.constant 0 : i32
      %dma_start3A_448 = arith.constant 0 : i32
      %dma_start3A_449 = tpu.memref_slice %arg7[%dma_start3A_447, %dma_start3A_448] : memref<10240x128xf32, #tpu.memory_space<vmem_shared>> -> memref<10240x128xf32, #tpu.memory_space<vmem_shared>>
      tpu.enqueue_indirect_dma source(%arg16 : memref<128x128xf32, #tpu.memory_space<vmem>>) target(%dma_start3A_449 : memref<10240x128xf32, #tpu.memory_space<vmem_shared>>) offsets(%arg12 : memref<128xi32, #tpu.memory_space<vmem>>) semaphore(%run_scoped3A : memref<!tpu.dma_semaphore, #tpu.memory_space<semaphore_mem>>) {add = true}
      %dma_wait3A_450 = arith.constant 0 : i32
      %dma_wait3A_451 = arith.constant 0 : i32
      %dma_wait3A_452 = tpu.memref_slice %arg7[%dma_wait3A_450, %dma_wait3A_451] : memref<10240x128xf32, #tpu.memory_space<vmem_shared>> -> memref<10240x128xf32, #tpu.memory_space<vmem_shared>>
      tpu.wait_indirect_dma semaphore(%run_scoped3A : memref<!tpu.dma_semaphore, #tpu.memory_space<semaphore_mem>>) src(%arg16 : memref<128x128xf32, #tpu.memory_space<vmem>>) dst(%dma_wait3A_452 : memref<10240x128xf32, #tpu.memory_space<vmem_shared>>)
      tpu.yield
    }) : () -> ()
    "tpu.region"() ({
      %run_scoped3A = tpu.sem_alloc : memref<!tpu.dma_semaphore, #tpu.memory_space<semaphore_mem>>
      %dma_start3A_447 = tpu.memref_slice %arg3[%add3A_401] : memref<320000xi32, #tpu.memory_space<hbm>> -> memref<128xi32, #tpu.memory_space<hbm>>
      %dma_start3A_448 = tpu.memref_slice %arg3[%add3A_401] : memref<320000xi32, #tpu.memory_space<hbm>> -> memref<128xi32, #tpu.memory_space<hbm>>
      tpu.enqueue_dma source(%dma_start3A_448 : memref<128xi32, #tpu.memory_space<hbm>>) target(%arg8 : memref<128xi32, #tpu.memory_space<vmem>>) target_semaphore(%run_scoped3A : memref<!tpu.dma_semaphore, #tpu.memory_space<semaphore_mem>>)
      %dma_wait3A_449 = tpu.memref_slice %arg3[%add3A_401] : memref<320000xi32, #tpu.memory_space<hbm>> -> memref<128xi32, #tpu.memory_space<hbm>>
      %dma_wait3A_450 = tpu.memref_slice %arg3[%add3A_401] : memref<320000xi32, #tpu.memory_space<hbm>> -> memref<128xi32, #tpu.memory_space<hbm>>
      tpu.wait_dma2 semaphore(%run_scoped3A : memref<!tpu.dma_semaphore, #tpu.memory_space<semaphore_mem>>) src(%dma_wait3A_450 : memref<128xi32, #tpu.memory_space<hbm>>) dst(%arg8 : memref<128xi32, #tpu.memory_space<vmem>>)
      tpu.yield
    }) : () -> ()
    "tpu.region"() ({
      %run_scoped3A = tpu.sem_alloc : memref<!tpu.dma_semaphore, #tpu.memory_space<semaphore_mem>>
      %dma_start3A_447 = tpu.memref_slice %arg4[%add3A_401] : memref<320000xi32, #tpu.memory_space<hbm>> -> memref<128xi32, #tpu.memory_space<hbm>>
      %dma_start3A_448 = tpu.memref_slice %arg4[%add3A_401] : memref<320000xi32, #tpu.memory_space<hbm>> -> memref<128xi32, #tpu.memory_space<hbm>>
      tpu.enqueue_dma source(%dma_start3A_448 : memref<128xi32, #tpu.memory_space<hbm>>) target(%arg12 : memref<128xi32, #tpu.memory_space<vmem>>) target_semaphore(%run_scoped3A : memref<!tpu.dma_semaphore, #tpu.memory_space<semaphore_mem>>)
      %dma_wait3A_449 = tpu.memref_slice %arg4[%add3A_401] : memref<320000xi32, #tpu.memory_space<hbm>> -> memref<128xi32, #tpu.memory_space<hbm>>
      %dma_wait3A_450 = tpu.memref_slice %arg4[%add3A_401] : memref<320000xi32, #tpu.memory_space<hbm>> -> memref<128xi32, #tpu.memory_space<hbm>>
      tpu.wait_dma2 semaphore(%run_scoped3A : memref<!tpu.dma_semaphore, #tpu.memory_space<semaphore_mem>>) src(%dma_wait3A_450 : memref<128xi32, #tpu.memory_space<hbm>>) dst(%arg12 : memref<128xi32, #tpu.memory_space<vmem>>)
      tpu.yield
    }) : () -> ()
    %dma_start3A_414 = arith.constant 0 : i32
    %dma_start3A_415 = arith.constant 0 : i32
    %dma_start3A_416 = arith.constant 0 : i32
    %dma_start3A_417 = tpu.memref_slice %arg2[%dma_start3A_415, %dma_start3A_416] : memref<10240x128xf32, #tpu.memory_space<hbm>> -> memref<10240x128xf32, #tpu.memory_space<hbm>>
    %dma_start3A_418 = tpu.memref_slice %arg23[%dma_start3A_414] : memref<2x!tpu.dma_semaphore, #tpu.memory_space<semaphore_mem>> -> memref<1x!tpu.dma_semaphore, #tpu.memory_space<semaphore_mem>>
    %dma_start3A_419 = tpu.memref_squeeze %dma_start3A_418 : memref<1x!tpu.dma_semaphore, #tpu.memory_space<semaphore_mem>> -> memref<!tpu.dma_semaphore, #tpu.memory_space<semaphore_mem>>
    tpu.enqueue_indirect_dma source(%dma_start3A_417 : memref<10240x128xf32, #tpu.memory_space<hbm>>) target(%arg16 : memref<128x128xf32, #tpu.memory_space<vmem>>) offsets(%arg8 : memref<128xi32, #tpu.memory_space<vmem>>) semaphore(%dma_start3A_419 : memref<!tpu.dma_semaphore, #tpu.memory_space<semaphore_mem>>)
    %dma_wait3A_420 = arith.constant 0 : i32
    %dma_wait3A_421 = arith.constant 0 : i32
    %dma_wait3A_422 = arith.constant 0 : i32
    %dma_wait3A_423 = tpu.memref_slice %arg2[%dma_wait3A_421, %dma_wait3A_422] : memref<10240x128xf32, #tpu.memory_space<hbm>> -> memref<10240x128xf32, #tpu.memory_space<hbm>>
    %dma_wait3A_424 = tpu.memref_slice %arg23[%dma_wait3A_420] : memref<2x!tpu.dma_semaphore, #tpu.memory_space<semaphore_mem>> -> memref<1x!tpu.dma_semaphore, #tpu.memory_space<semaphore_mem>>
    %dma_wait3A_425 = tpu.memref_squeeze %dma_wait3A_424 : memref<1x!tpu.dma_semaphore, #tpu.memory_space<semaphore_mem>> -> memref<!tpu.dma_semaphore, #tpu.memory_space<semaphore_mem>>
    tpu.wait_indirect_dma semaphore(%dma_wait3A_425 : memref<!tpu.dma_semaphore, #tpu.memory_space<semaphore_mem>>) src(%dma_wait3A_423 : memref<10240x128xf32, #tpu.memory_space<hbm>>) dst(%arg16 : memref<128x128xf32, #tpu.memory_space<vmem>>)
    "tpu.region"() ({
      %run_scoped3A = tpu.sem_alloc : memref<!tpu.dma_semaphore, #tpu.memory_space<semaphore_mem>>
      %dma_start3A_447 = arith.constant 0 : i32
      %dma_start3A_448 = arith.constant 0 : i32
      %dma_start3A_449 = tpu.memref_slice %arg7[%dma_start3A_447, %dma_start3A_448] : memref<10240x128xf32, #tpu.memory_space<vmem_shared>> -> memref<10240x128xf32, #tpu.memory_space<vmem_shared>>
      tpu.enqueue_indirect_dma source(%arg16 : memref<128x128xf32, #tpu.memory_space<vmem>>) target(%dma_start3A_449 : memref<10240x128xf32, #tpu.memory_space<vmem_shared>>) offsets(%arg12 : memref<128xi32, #tpu.memory_space<vmem>>) semaphore(%run_scoped3A : memref<!tpu.dma_semaphore, #tpu.memory_space<semaphore_mem>>) {add = true}
      %dma_wait3A_450 = arith.constant 0 : i32
      %dma_wait3A_451 = arith.constant 0 : i32
      %dma_wait3A_452 = tpu.memref_slice %arg7[%dma_wait3A_450, %dma_wait3A_451] : memref<10240x128xf32, #tpu.memory_space<vmem_shared>> -> memref<10240x128xf32, #tpu.memory_space<vmem_shared>>
      tpu.wait_indirect_dma semaphore(%run_scoped3A : memref<!tpu.dma_semaphore, #tpu.memory_space<semaphore_mem>>) src(%arg16 : memref<128x128xf32, #tpu.memory_space<vmem>>) dst(%dma_wait3A_452 : memref<10240x128xf32, #tpu.memory_space<vmem_shared>>)
      tpu.yield
    }) : () -> ()
    %add3A_426 = arith.constant 9984 : i32
    %add3A_427 = arith.addi %mul3A_9, %add3A_426 : i32
    "tpu.region"() ({
      %run_scoped3A = tpu.sem_alloc : memref<!tpu.dma_semaphore, #tpu.memory_space<semaphore_mem>>
      %dma_start3A_447 = tpu.memref_slice %arg3[%add3A_427] : memref<320000xi32, #tpu.memory_space<hbm>> -> memref<16xi32, #tpu.memory_space<hbm>>
      %dma_start3A_448 = tpu.memref_slice %arg3[%add3A_427] : memref<320000xi32, #tpu.memory_space<hbm>> -> memref<16xi32, #tpu.memory_space<hbm>>
      tpu.enqueue_dma source(%dma_start3A_448 : memref<16xi32, #tpu.memory_space<hbm>>) target(%arg18 : memref<16xi32, #tpu.memory_space<vmem>>) target_semaphore(%run_scoped3A : memref<!tpu.dma_semaphore, #tpu.memory_space<semaphore_mem>>)
      %dma_wait3A_449 = tpu.memref_slice %arg3[%add3A_427] : memref<320000xi32, #tpu.memory_space<hbm>> -> memref<16xi32, #tpu.memory_space<hbm>>
      %dma_wait3A_450 = tpu.memref_slice %arg3[%add3A_427] : memref<320000xi32, #tpu.memory_space<hbm>> -> memref<16xi32, #tpu.memory_space<hbm>>
      tpu.wait_dma2 semaphore(%run_scoped3A : memref<!tpu.dma_semaphore, #tpu.memory_space<semaphore_mem>>) src(%dma_wait3A_450 : memref<16xi32, #tpu.memory_space<hbm>>) dst(%arg18 : memref<16xi32, #tpu.memory_space<vmem>>)
      tpu.yield
    }) : () -> ()
    "tpu.region"() ({
      %run_scoped3A = tpu.sem_alloc : memref<!tpu.dma_semaphore, #tpu.memory_space<semaphore_mem>>
      %dma_start3A_447 = tpu.memref_slice %arg4[%add3A_427] : memref<320000xi32, #tpu.memory_space<hbm>> -> memref<16xi32, #tpu.memory_space<hbm>>
      %dma_start3A_448 = tpu.memref_slice %arg4[%add3A_427] : memref<320000xi32, #tpu.memory_space<hbm>> -> memref<16xi32, #tpu.memory_space<hbm>>
      tpu.enqueue_dma source(%dma_start3A_448 : memref<16xi32, #tpu.memory_space<hbm>>) target(%arg19 : memref<16xi32, #tpu.memory_space<vmem>>) target_semaphore(%run_scoped3A : memref<!tpu.dma_semaphore, #tpu.memory_space<semaphore_mem>>)
      %dma_wait3A_449 = tpu.memref_slice %arg4[%add3A_427] : memref<320000xi32, #tpu.memory_space<hbm>> -> memref<16xi32, #tpu.memory_space<hbm>>
      %dma_wait3A_450 = tpu.memref_slice %arg4[%add3A_427] : memref<320000xi32, #tpu.memory_space<hbm>> -> memref<16xi32, #tpu.memory_space<hbm>>
      tpu.wait_dma2 semaphore(%run_scoped3A : memref<!tpu.dma_semaphore, #tpu.memory_space<semaphore_mem>>) src(%dma_wait3A_450 : memref<16xi32, #tpu.memory_space<hbm>>) dst(%arg19 : memref<16xi32, #tpu.memory_space<vmem>>)
      tpu.yield
    }) : () -> ()
    %dma_start3A_428 = arith.constant 0 : i32
    %dma_start3A_429 = arith.constant 0 : i32
    %dma_start3A_430 = arith.constant 0 : i32
    %dma_start3A_431 = tpu.memref_slice %arg2[%dma_start3A_429, %dma_start3A_430] : memref<10240x128xf32, #tpu.memory_space<hbm>> -> memref<10240x128xf32, #tpu.memory_space<hbm>>
    %dma_start3A_432 = tpu.memref_slice %arg23[%dma_start3A_428] : memref<2x!tpu.dma_semaphore, #tpu.memory_space<semaphore_mem>> -> memref<1x!tpu.dma_semaphore, #tpu.memory_space<semaphore_mem>>
    %dma_start3A_433 = tpu.memref_squeeze %dma_start3A_432 : memref<1x!tpu.dma_semaphore, #tpu.memory_space<semaphore_mem>> -> memref<!tpu.dma_semaphore, #tpu.memory_space<semaphore_mem>>
    tpu.enqueue_indirect_dma source(%dma_start3A_431 : memref<10240x128xf32, #tpu.memory_space<hbm>>) target(%arg20 : memref<16x128xf32, #tpu.memory_space<vmem>>) offsets(%arg18 : memref<16xi32, #tpu.memory_space<vmem>>) semaphore(%dma_start3A_433 : memref<!tpu.dma_semaphore, #tpu.memory_space<semaphore_mem>>)
    %dma_wait3A_434 = arith.constant 0 : i32
    %dma_wait3A_435 = arith.constant 0 : i32
    %dma_wait3A_436 = arith.constant 0 : i32
    %dma_wait3A_437 = tpu.memref_slice %arg2[%dma_wait3A_435, %dma_wait3A_436] : memref<10240x128xf32, #tpu.memory_space<hbm>> -> memref<10240x128xf32, #tpu.memory_space<hbm>>
    %dma_wait3A_438 = tpu.memref_slice %arg23[%dma_wait3A_434] : memref<2x!tpu.dma_semaphore, #tpu.memory_space<semaphore_mem>> -> memref<1x!tpu.dma_semaphore, #tpu.memory_space<semaphore_mem>>
    %dma_wait3A_439 = tpu.memref_squeeze %dma_wait3A_438 : memref<1x!tpu.dma_semaphore, #tpu.memory_space<semaphore_mem>> -> memref<!tpu.dma_semaphore, #tpu.memory_space<semaphore_mem>>
    tpu.wait_indirect_dma semaphore(%dma_wait3A_439 : memref<!tpu.dma_semaphore, #tpu.memory_space<semaphore_mem>>) src(%dma_wait3A_437 : memref<10240x128xf32, #tpu.memory_space<hbm>>) dst(%arg20 : memref<16x128xf32, #tpu.memory_space<vmem>>)
    "tpu.region"() ({
      %run_scoped3A = tpu.sem_alloc : memref<!tpu.dma_semaphore, #tpu.memory_space<semaphore_mem>>
      %dma_start3A_447 = arith.constant 0 : i32
      %dma_start3A_448 = arith.constant 0 : i32
      %dma_start3A_449 = tpu.memref_slice %arg7[%dma_start3A_447, %dma_start3A_448] : memref<10240x128xf32, #tpu.memory_space<vmem_shared>> -> memref<10240x128xf32, #tpu.memory_space<vmem_shared>>
      tpu.enqueue_indirect_dma source(%arg20 : memref<16x128xf32, #tpu.memory_space<vmem>>) target(%dma_start3A_449 : memref<10240x128xf32, #tpu.memory_space<vmem_shared>>) offsets(%arg19 : memref<16xi32, #tpu.memory_space<vmem>>) semaphore(%run_scoped3A : memref<!tpu.dma_semaphore, #tpu.memory_space<semaphore_mem>>) {add = true}
      %dma_wait3A_450 = arith.constant 0 : i32
      %dma_wait3A_451 = arith.constant 0 : i32
      %dma_wait3A_452 = tpu.memref_slice %arg7[%dma_wait3A_450, %dma_wait3A_451] : memref<10240x128xf32, #tpu.memory_space<vmem_shared>> -> memref<10240x128xf32, #tpu.memory_space<vmem_shared>>
      tpu.wait_indirect_dma semaphore(%run_scoped3A : memref<!tpu.dma_semaphore, #tpu.memory_space<semaphore_mem>>) src(%arg20 : memref<16x128xf32, #tpu.memory_space<vmem>>) dst(%dma_wait3A_452 : memref<10240x128xf32, #tpu.memory_space<vmem_shared>>)
      tpu.yield
    }) : () -> ()
    %barrier3A_440 = arith.constant 0 : index
    tpu.barrier barrier_id(%barrier3A_440)
    %scan3A_441 = arith.constant 0 : i32
    %scan3A_442 = arith.constant 0 : i32
    %scan3A_443 = arith.constant 10 : i32
    %scan3A_444 = arith.addi %scan3A_442, %scan3A_443 : i32
    %scan3A_445 = arith.constant 1 : i32
    scf.for %scan3A_447 = %scan3A_442 to %scan3A_444 step %scan3A_445  : i32 {
      %mul3A_448 = arith.constant 64 : i32
      %mul3A_449 = arith.muli %scan3A_447, %mul3A_448 : i32
      %add3A_450 = arith.addi %mul3A_2, %mul3A_449 : i32
      "tpu.region"() ({
        %run_scoped3A = tpu.sem_alloc : memref<!tpu.dma_semaphore, #tpu.memory_space<semaphore_mem>>
        %dma_start3A_451 = arith.constant 0 : i32
        %dma_start3A_452 = tpu.memref_slice %arg7[%add3A_450, %dma_start3A_451] : memref<10240x128xf32, #tpu.memory_space<vmem_shared>> -> memref<64x128xf32, #tpu.memory_space<vmem_shared>>
        %dma_start3A_453 = arith.constant 0 : i32
        %dma_start3A_454 = tpu.memref_slice %arg7[%add3A_450, %dma_start3A_453] : memref<10240x128xf32, #tpu.memory_space<vmem_shared>> -> memref<64x128xf32, #tpu.memory_space<vmem_shared>>
        tpu.enqueue_dma source(%dma_start3A_454 : memref<64x128xf32, #tpu.memory_space<vmem_shared>>) target(%arg21 : memref<64x128xf32, #tpu.memory_space<vmem>>) target_semaphore(%run_scoped3A : memref<!tpu.dma_semaphore, #tpu.memory_space<semaphore_mem>>)
        %dma_wait3A_455 = arith.constant 0 : i32
        %dma_wait3A_456 = tpu.memref_slice %arg7[%add3A_450, %dma_wait3A_455] : memref<10240x128xf32, #tpu.memory_space<vmem_shared>> -> memref<64x128xf32, #tpu.memory_space<vmem_shared>>
        %dma_wait3A_457 = arith.constant 0 : i32
        %dma_wait3A_458 = tpu.memref_slice %arg7[%add3A_450, %dma_wait3A_457] : memref<10240x128xf32, #tpu.memory_space<vmem_shared>> -> memref<64x128xf32, #tpu.memory_space<vmem_shared>>
        tpu.wait_dma2 semaphore(%run_scoped3A : memref<!tpu.dma_semaphore, #tpu.memory_space<semaphore_mem>>) src(%dma_wait3A_458 : memref<64x128xf32, #tpu.memory_space<vmem_shared>>) dst(%arg21 : memref<64x128xf32, #tpu.memory_space<vmem>>)
        tpu.yield
      }) : () -> ()
      "tpu.region"() ({
        %run_scoped3A = tpu.sem_alloc : memref<!tpu.dma_semaphore, #tpu.memory_space<semaphore_mem>>
        %dma_start3A_451 = arith.constant 0 : i32
        %dma_start3A_452 = tpu.memref_slice %arg6[%arg0, %add3A_450, %dma_start3A_451] : memref<2x10240x128xf32, #tpu.memory_space<hbm>> -> memref<1x64x128xf32, #tpu.memory_space<hbm>>
        %dma_start3A_453 = tpu.memref_squeeze %dma_start3A_452 : memref<1x64x128xf32, #tpu.memory_space<hbm>> -> memref<64x128xf32, #tpu.memory_space<hbm>>
        %dma_start3A_454 = arith.constant 0 : i32
        %dma_start3A_455 = tpu.memref_slice %arg6[%arg0, %add3A_450, %dma_start3A_454] : memref<2x10240x128xf32, #tpu.memory_space<hbm>> -> memref<1x64x128xf32, #tpu.memory_space<hbm>>
        %dma_start3A_456 = tpu.memref_squeeze %dma_start3A_455 : memref<1x64x128xf32, #tpu.memory_space<hbm>> -> memref<64x128xf32, #tpu.memory_space<hbm>>
        tpu.enqueue_dma source(%arg21 : memref<64x128xf32, #tpu.memory_space<vmem>>) target(%dma_start3A_456 : memref<64x128xf32, #tpu.memory_space<hbm>>) target_semaphore(%run_scoped3A : memref<!tpu.dma_semaphore, #tpu.memory_space<semaphore_mem>>)
        %dma_wait3A_457 = arith.constant 0 : i32
        %dma_wait3A_458 = tpu.memref_slice %arg6[%arg0, %add3A_450, %dma_wait3A_457] : memref<2x10240x128xf32, #tpu.memory_space<hbm>> -> memref<1x64x128xf32, #tpu.memory_space<hbm>>
        %dma_wait3A_459 = tpu.memref_squeeze %dma_wait3A_458 : memref<1x64x128xf32, #tpu.memory_space<hbm>> -> memref<64x128xf32, #tpu.memory_space<hbm>>
        %dma_wait3A_460 = arith.constant 0 : i32
        %dma_wait3A_461 = tpu.memref_slice %arg6[%arg0, %add3A_450, %dma_wait3A_460] : memref<2x10240x128xf32, #tpu.memory_space<hbm>> -> memref<1x64x128xf32, #tpu.memory_space<hbm>>
        %dma_wait3A_462 = tpu.memref_squeeze %dma_wait3A_461 : memref<1x64x128xf32, #tpu.memory_space<hbm>> -> memref<64x128xf32, #tpu.memory_space<hbm>>
        tpu.wait_dma2 semaphore(%run_scoped3A : memref<!tpu.dma_semaphore, #tpu.memory_space<semaphore_mem>>) src(%arg21 : memref<64x128xf32, #tpu.memory_space<vmem>>) dst(%dma_wait3A_462 : memref<64x128xf32, #tpu.memory_space<hbm>>)
        tpu.yield
      }) : () -> ()
    }
    %scan3A_446 = arith.constant 10 : i32
    return
  }
}

module attributes {stable_mosaic.version = 14 : i64} {
  func.func @_fc1_body(%arg0: i32, %arg1: memref<2048x8xf32, #tpu.memory_space<vmem>>, %arg2: memref<8x128xf32, #tpu.memory_space<vmem>>, %arg3: memref<1x128xf32, #tpu.memory_space<vmem>>, %arg4: memref<2048x128xf32, #tpu.memory_space<vmem>>) attributes {dimension_semantics = [#tpu.dimension_semantics<arbitrary>], iteration_bounds = array<i64: 5>, scalar_prefetch = 0 : i64, scratch_operands = 0 : i64, tpu.core_type = #tpu.core_type<tc>, window_params = [{transform_indices = @transform_0, window_bounds = array<i64: 2048, 8>}, {pipeline_mode = #tpu.pipeline_mode<synchronous>, transform_indices = @transform_1, window_bounds = array<i64: 8, 128>}, {pipeline_mode = #tpu.pipeline_mode<synchronous>, transform_indices = @transform_2, window_bounds = array<i64: 1, 128>}, {transform_indices = @transform_3, window_bounds = array<i64: 2048, 128>}]} {
    %get3A = arith.constant 0 : index
    %get3A_0 = arith.constant 0 : index
    %get3A_1 = vector.load %arg1[%get3A, %get3A_0] : memref<2048x8xf32, #tpu.memory_space<vmem>>, vector<2048x8xf32>
    %get3A_2 = arith.constant 0 : index
    %get3A_3 = arith.constant 0 : index
    %get3A_4 = vector.load %arg2[%get3A_2, %get3A_3] : memref<8x128xf32, #tpu.memory_space<vmem>>, vector<8x128xf32>
    %dot_general3A = arith.constant dense<0.000000e+00> : vector<2048x128xf32>
    %dot_general3A_5 = tpu.matmul %get3A_1, %get3A_4, %dot_general3A {dimension_numbers = #tpu.dot_dimension_numbers<[1], [0], [0], [1], [0, 0, 1, 1], [], []>, transpose_lhs_hint = false} : vector<2048x8xf32>, vector<8x128xf32>, vector<2048x128xf32> -> vector<2048x128xf32>
    %get3A_6 = arith.constant 0 : index
    %get3A_7 = arith.constant 0 : index
    %get3A_8 = vector.load %arg3[%get3A_6, %get3A_7] : memref<1x128xf32, #tpu.memory_space<vmem>>, vector<1x128xf32>
    %add3A = vector.broadcast %get3A_8 : vector<1x128xf32> to vector<2048x128xf32>
    %add3A_9 = arith.addf %dot_general3A_5, %add3A : vector<2048x128xf32>
    %max3A = arith.constant 0.000000e+00 : f32
    %max3A_10 = vector.broadcast %max3A : f32 to vector<2048x128xf32>
    %max3A_11 = arith.maximumf %add3A_9, %max3A_10 : vector<2048x128xf32>
    %swap3A = arith.constant 0 : index
    %swap3A_12 = arith.constant 0 : index
    %swap3A_13 = vector.load %arg4[%swap3A, %swap3A_12] : memref<2048x128xf32, #tpu.memory_space<vmem>>, vector<2048x128xf32>
    tpu.vector_store %arg4[%swap3A, %swap3A_12], %max3A_11 {strides = array<i32>} : memref<2048x128xf32, #tpu.memory_space<vmem>>, vector<2048x128xf32>,
    return
  }
  func.func @transform_0(%arg0: i32) -> (i32, i32) {
    %c0_i32 = arith.constant 0 : i32
    %c0_i32_0 = arith.constant 0 : i32
    return %arg0, %c0_i32 : i32, i32
  }
  func.func @transform_1(%arg0: i32) -> (i32, i32) {
    %c0_i32 = arith.constant 0 : i32
    %c0_i32_0 = arith.constant 0 : i32
    %c0_i32_1 = arith.constant 0 : i32
    return %c0_i32, %c0_i32_0 : i32, i32
  }
  func.func @transform_2(%arg0: i32) -> (i32, i32) {
    %c0_i32 = arith.constant 0 : i32
    %c0_i32_0 = arith.constant 0 : i32
    %c0_i32_1 = arith.constant 0 : i32
    return %c0_i32, %c0_i32_0 : i32, i32
  }
  func.func @transform_3(%arg0: i32) -> (i32, i32) {
    %c0_i32 = arith.constant 0 : i32
    %c0_i32_0 = arith.constant 0 : i32
    return %arg0, %c0_i32 : i32, i32
  }
}

module attributes {stable_mosaic.version = 14 : i64} {
  func.func @_tail_body(%arg0: i32, %arg1: memref<2000x128xf32, #tpu.memory_space<vmem>>, %arg2: memref<1x2000x128xf32, #tpu.memory_space<vmem>>, %arg3: memref<1x2000x128xf32, #tpu.memory_space<vmem>>, %arg4: memref<2000x128xi32, #tpu.memory_space<vmem>>, %arg5: memref<128x256xf32, #tpu.memory_space<vmem>>, %arg6: memref<128x256xf32, #tpu.memory_space<vmem>>, %arg7: memref<1x256xf32, #tpu.memory_space<vmem>>, %arg8: memref<256x128xf32, #tpu.memory_space<vmem>>, %arg9: memref<1x128xf32, #tpu.memory_space<vmem>>, %arg10: memref<128x128xf32, #tpu.memory_space<vmem>>, %arg11: memref<1x128xf32, #tpu.memory_space<vmem>>, %arg12: memref<128x128xf32, #tpu.memory_space<vmem>>, %arg13: memref<1x128xf32, #tpu.memory_space<vmem>>, %arg14: memref<16x128xf32, #tpu.memory_space<vmem>>, %arg15: memref<16x128xf32, #tpu.memory_space<vmem>>, %arg16: memref<16x128xf32, #tpu.memory_space<vmem>>) attributes {dimension_semantics = [#tpu.dimension_semantics<arbitrary>], iteration_bounds = array<i64: 5>, scalar_prefetch = 0 : i64, scratch_operands = 1 : i64, tpu.core_type = #tpu.core_type<tc>, window_params = [{transform_indices = @transform_0, window_bounds = array<i64: 2000, 128>}, {transform_indices = @transform_1, window_bounds = array<i64: 1, 2000, 128>}, {transform_indices = @transform_2, window_bounds = array<i64: 1, 2000, 128>}, {transform_indices = @transform_3, window_bounds = array<i64: 2000, 128>}, {pipeline_mode = #tpu.pipeline_mode<synchronous>, transform_indices = @transform_4, window_bounds = array<i64: 128, 256>}, {pipeline_mode = #tpu.pipeline_mode<synchronous>, transform_indices = @transform_5, window_bounds = array<i64: 128, 256>}, {pipeline_mode = #tpu.pipeline_mode<synchronous>, transform_indices = @transform_6, window_bounds = array<i64: 1, 256>}, {pipeline_mode = #tpu.pipeline_mode<synchronous>, transform_indices = @transform_7, window_bounds = array<i64: 256, 128>}, {pipeline_mode = #tpu.pipeline_mode<synchronous>, transform_indices = @transform_8, window_bounds = array<i64: 1, 128>}, {pipeline_mode = #tpu.pipeline_mode<synchronous>, transform_indices = @transform_9, window_bounds = array<i64: 128, 128>}, {pipeline_mode = #tpu.pipeline_mode<synchronous>, transform_indices = @transform_10, window_bounds = array<i64: 1, 128>}, {pipeline_mode = #tpu.pipeline_mode<synchronous>, transform_indices = @transform_11, window_bounds = array<i64: 128, 128>}, {pipeline_mode = #tpu.pipeline_mode<synchronous>, transform_indices = @transform_12, window_bounds = array<i64: 1, 128>}, {pipeline_mode = #tpu.pipeline_mode<synchronous>, transform_indices = @transform_13, window_bounds = array<i64: 16, 128>}, {pipeline_mode = #tpu.pipeline_mode<synchronous>, transform_indices = @transform_14, window_bounds = array<i64: 16, 128>}]} {
    %eq3A = arith.constant 0 : i32
    %eq3A_0 = arith.cmpi eq, %arg0, %eq3A : i32
    %convert_element_type3A = arith.extui %eq3A_0 : i1 to i32
    %cond3A = arith.constant 0 : i32
    %cond3A_1 = arith.cmpi ne, %convert_element_type3A, %cond3A : i32
    scf.if %cond3A_1 {
      %broadcast_in_dim3A = arith.constant 0xFF800000 : f32
      %broadcast_in_dim3A_61 = vector.broadcast %broadcast_in_dim3A : f32 to vector<16x128xf32>
      %swap3A = arith.constant 0 : index
      %swap3A_62 = arith.constant 0 : index
      %swap3A_63 = vector.load %arg16[%swap3A, %swap3A_62] : memref<16x128xf32, #tpu.memory_space<vmem>>, vector<16x128xf32>
      tpu.vector_store %arg16[%swap3A, %swap3A_62], %broadcast_in_dim3A_61 {strides = array<i32>} : memref<16x128xf32, #tpu.memory_space<vmem>>, vector<16x128xf32>,
    } else {
    }
    %get3A = arith.constant 0 : index
    %get3A_2 = arith.constant 0 : index
    %get3A_3 = vector.load %arg1[%get3A, %get3A_2] : memref<2000x128xf32, #tpu.memory_space<vmem>>, vector<2000x128xf32>
    %get3A_4 = arith.constant 0 : index
    %get3A_5 = arith.constant 0 : index
    %get3A_6 = arith.constant 0 : index
    %get3A_7 = vector.load %arg2[%get3A_4, %get3A_5, %get3A_6] : memref<1x2000x128xf32, #tpu.memory_space<vmem>>, vector<1x2000x128xf32>
    %get3A_8 = vector.shape_cast %get3A_7 : vector<1x2000x128xf32> to vector<2000x128xf32>
    %get3A_9 = arith.constant 0 : index
    %get3A_10 = arith.constant 0 : index
    %get3A_11 = arith.constant 0 : index
    %get3A_12 = vector.load %arg3[%get3A_9, %get3A_10, %get3A_11] : memref<1x2000x128xf32, #tpu.memory_space<vmem>>, vector<1x2000x128xf32>
    %get3A_13 = vector.shape_cast %get3A_12 : vector<1x2000x128xf32> to vector<2000x128xf32>
    %add3A = arith.addf %get3A_8, %get3A_13 : vector<2000x128xf32>
    %get3A_14 = arith.constant 0 : index
    %get3A_15 = arith.constant 0 : index
    %get3A_16 = vector.load %arg5[%get3A_14, %get3A_15] : memref<128x256xf32, #tpu.memory_space<vmem>>, vector<128x256xf32>
    %dot_general3A = arith.constant dense<0.000000e+00> : vector<2000x256xf32>
    %dot_general3A_17 = tpu.matmul %get3A_3, %get3A_16, %dot_general3A {dimension_numbers = #tpu.dot_dimension_numbers<[1], [0], [0], [1], [0, 0, 1, 1], [], []>, transpose_lhs_hint = false} : vector<2000x128xf32>, vector<128x256xf32>, vector<2000x256xf32> -> vector<2000x256xf32>
    %get3A_18 = arith.constant 0 : index
    %get3A_19 = arith.constant 0 : index
    %get3A_20 = vector.load %arg6[%get3A_18, %get3A_19] : memref<128x256xf32, #tpu.memory_space<vmem>>, vector<128x256xf32>
    %dot_general3A_21 = arith.constant dense<0.000000e+00> : vector<2000x256xf32>
    %dot_general3A_22 = tpu.matmul %add3A, %get3A_20, %dot_general3A_21 {dimension_numbers = #tpu.dot_dimension_numbers<[1], [0], [0], [1], [0, 0, 1, 1], [], []>, transpose_lhs_hint = false} : vector<2000x128xf32>, vector<128x256xf32>, vector<2000x256xf32> -> vector<2000x256xf32>
    %add3A_23 = arith.addf %dot_general3A_17, %dot_general3A_22 : vector<2000x256xf32>
    %get3A_24 = arith.constant 0 : index
    %get3A_25 = arith.constant 0 : index
    %get3A_26 = vector.load %arg7[%get3A_24, %get3A_25] : memref<1x256xf32, #tpu.memory_space<vmem>>, vector<1x256xf32>
    %add3A_27 = vector.broadcast %get3A_26 : vector<1x256xf32> to vector<2000x256xf32>
    %add3A_28 = arith.addf %add3A_23, %add3A_27 : vector<2000x256xf32>
    %get3A_29 = arith.constant 0 : index
    %get3A_30 = arith.constant 0 : index
    %get3A_31 = vector.load %arg8[%get3A_29, %get3A_30] : memref<256x128xf32, #tpu.memory_space<vmem>>, vector<256x128xf32>
    %dot_general3A_32 = arith.constant dense<0.000000e+00> : vector<2000x128xf32>
    %dot_general3A_33 = tpu.matmul %add3A_28, %get3A_31, %dot_general3A_32 {dimension_numbers = #tpu.dot_dimension_numbers<[1], [0], [0], [1], [0, 0, 1, 1], [], []>, transpose_lhs_hint = false} : vector<2000x256xf32>, vector<256x128xf32>, vector<2000x128xf32> -> vector<2000x128xf32>
    %get3A_34 = arith.constant 0 : index
    %get3A_35 = arith.constant 0 : index
    %get3A_36 = vector.load %arg9[%get3A_34, %get3A_35] : memref<1x128xf32, #tpu.memory_space<vmem>>, vector<1x128xf32>
    %add3A_37 = vector.broadcast %get3A_36 : vector<1x128xf32> to vector<2000x128xf32>
    %add3A_38 = arith.addf %dot_general3A_33, %add3A_37 : vector<2000x128xf32>
    %max3A = arith.constant 0.000000e+00 : f32
    %max3A_39 = vector.broadcast %max3A : f32 to vector<2000x128xf32>
    %max3A_40 = arith.maximumf %add3A_38, %max3A_39 : vector<2000x128xf32>
    %get3A_41 = arith.constant 0 : index
    %get3A_42 = arith.constant 0 : index
    %get3A_43 = vector.load %arg4[%get3A_41, %get3A_42] : memref<2000x128xi32, #tpu.memory_space<vmem>>, vector<2000x128xi32>
    %slice3A = vector.extract_strided_slice %get3A_43 {offsets = [0, 0], sizes = [1, 1], strides = [1, 1]} : vector<2000x128xi32> to vector<1x1xi32>
    %squeeze3A = vector.extract %slice3A[0, 0] : i32 from vector<1x1xi32>
    %slice3A_44 = vector.extract_strided_slice %get3A_43 {offsets = [1999, 0], sizes = [1, 1], strides = [1, 1]} : vector<2000x128xi32> to vector<1x1xi32>
    %squeeze3A_45 = vector.extract %slice3A_44[0, 0] : i32 from vector<1x1xi32>
    %add3A_46 = arith.constant 1 : i32
    %add3A_47 = arith.addi %squeeze3A_45, %add3A_46 : i32
    %while3A = arith.constant 0 : i32
    %while3A_48 = arith.subi %add3A_47, %squeeze3A : i32
    %while3A_49 = arith.addi %squeeze3A, %while3A_48 : i32
    %while3A_50 = arith.constant 1 : i32
    %while3A_51 = arith.divsi %while3A_48, %while3A_50 : i32
    %while3A_52 = arith.muli %while3A_51, %while3A_50 : i32
    %while3A_53 = arith.addi %squeeze3A, %while3A_52 : i32
    %while3A_54 = arith.constant 1 : i32
    scf.for %while3A_61 = %squeeze3A to %while3A_53 step %while3A_54  : i32 {
      %eq3A_62 = vector.broadcast %while3A_61 : i32 to vector<2000x128xi32>
      %eq3A_63 = arith.cmpi eq, %get3A_43, %eq3A_62 : vector<2000x128xi32>
      %jit3A = arith.constant 0xFF800000 : f32
      %broadcast_in_dim3A = vector.broadcast %jit3A : f32 to vector<2000x128xf32>
      %select_n3A = arith.select %eq3A_63, %max3A_40, %broadcast_in_dim3A : vector<2000x128xi1>, vector<2000x128xf32>
      %reduce_max3A = arith.constant dense<0xFF800000> : vector<128xf32>
      %reduce_max3A_64 = vector.multi_reduction <maximumf>, %select_n3A, %reduce_max3A [0] : vector<2000x128xf32> to vector<128xf32>
      %broadcast_in_dim3A_65 = vector.shape_cast %reduce_max3A_64 : vector<128xf32> to vector<1x128xf32>
      %get3A_66 = arith.index_cast %while3A_61 : i32 to index
      %get3A_67 = arith.constant 0 : index
      %get3A_68 = vector.load %arg16[%get3A_66, %get3A_67] : memref<16x128xf32, #tpu.memory_space<vmem>>, vector<1x128xf32>
      %max3A_69 = arith.maximumf %get3A_68, %broadcast_in_dim3A_65 : vector<1x128xf32>
      %swap3A = arith.index_cast %while3A_61 : i32 to index
      %swap3A_70 = arith.constant 0 : index
      %swap3A_71 = vector.load %arg16[%swap3A, %swap3A_70] : memref<16x128xf32, #tpu.memory_space<vmem>>, vector<1x128xf32>
      tpu.vector_store %arg16[%swap3A, %swap3A_70], %max3A_69 {strides = array<i32>} : memref<16x128xf32, #tpu.memory_space<vmem>>, vector<1x128xf32>,
    }
    %while3A_55 = arith.constant 1 : i32
    scf.for %while3A_61 = %while3A_53 to %while3A_49 step %while3A_55  : i32 {
      %eq3A_62 = vector.broadcast %while3A_61 : i32 to vector<2000x128xi32>
      %eq3A_63 = arith.cmpi eq, %get3A_43, %eq3A_62 : vector<2000x128xi32>
      %jit3A = arith.constant 0xFF800000 : f32
      %broadcast_in_dim3A = vector.broadcast %jit3A : f32 to vector<2000x128xf32>
      %select_n3A = arith.select %eq3A_63, %max3A_40, %broadcast_in_dim3A : vector<2000x128xi1>, vector<2000x128xf32>
      %reduce_max3A = arith.constant dense<0xFF800000> : vector<128xf32>
      %reduce_max3A_64 = vector.multi_reduction <maximumf>, %select_n3A, %reduce_max3A [0] : vector<2000x128xf32> to vector<128xf32>
      %broadcast_in_dim3A_65 = vector.shape_cast %reduce_max3A_64 : vector<128xf32> to vector<1x128xf32>
      %get3A_66 = arith.index_cast %while3A_61 : i32 to index
      %get3A_67 = arith.constant 0 : index
      %get3A_68 = vector.load %arg16[%get3A_66, %get3A_67] : memref<16x128xf32, #tpu.memory_space<vmem>>, vector<1x128xf32>
      %max3A_69 = arith.maximumf %get3A_68, %broadcast_in_dim3A_65 : vector<1x128xf32>
      %swap3A = arith.index_cast %while3A_61 : i32 to index
      %swap3A_70 = arith.constant 0 : index
      %swap3A_71 = vector.load %arg16[%swap3A, %swap3A_70] : memref<16x128xf32, #tpu.memory_space<vmem>>, vector<1x128xf32>
      tpu.vector_store %arg16[%swap3A, %swap3A_70], %max3A_69 {strides = array<i32>} : memref<16x128xf32, #tpu.memory_space<vmem>>, vector<1x128xf32>,
    }
    %eq3A_56 = arith.constant 4 : i32
    %eq3A_57 = arith.cmpi eq, %arg0, %eq3A_56 : i32
    %convert_element_type3A_58 = arith.extui %eq3A_57 : i1 to i32
    %cond3A_59 = arith.constant 0 : i32
    %cond3A_60 = arith.cmpi ne, %convert_element_type3A_58, %cond3A_59 : i32
    scf.if %cond3A_60 {
      %get3A_61 = arith.constant 0 : index
      %get3A_62 = arith.constant 0 : index
      %get3A_63 = vector.load %arg16[%get3A_61, %get3A_62] : memref<16x128xf32, #tpu.memory_space<vmem>>, vector<16x128xf32>
      %get3A_64 = arith.constant 0 : index
      %get3A_65 = arith.constant 0 : index
      %get3A_66 = vector.load %arg10[%get3A_64, %get3A_65] : memref<128x128xf32, #tpu.memory_space<vmem>>, vector<128x128xf32>
      %dot_general3A_67 = arith.constant dense<0.000000e+00> : vector<16x128xf32>
      %dot_general3A_68 = tpu.matmul %get3A_63, %get3A_66, %dot_general3A_67 {dimension_numbers = #tpu.dot_dimension_numbers<[1], [0], [0], [1], [0, 0, 1, 1], [], []>, transpose_lhs_hint = false} : vector<16x128xf32>, vector<128x128xf32>, vector<16x128xf32> -> vector<16x128xf32>
      %get3A_69 = arith.constant 0 : index
      %get3A_70 = arith.constant 0 : index
      %get3A_71 = vector.load %arg11[%get3A_69, %get3A_70] : memref<1x128xf32, #tpu.memory_space<vmem>>, vector<1x128xf32>
      %add3A_72 = vector.broadcast %get3A_71 : vector<1x128xf32> to vector<16x128xf32>
      %add3A_73 = arith.addf %dot_general3A_68, %add3A_72 : vector<16x128xf32>
      %swap3A = arith.constant 0 : index
      %swap3A_74 = arith.constant 0 : index
      %swap3A_75 = vector.load %arg14[%swap3A, %swap3A_74] : memref<16x128xf32, #tpu.memory_space<vmem>>, vector<16x128xf32>
      tpu.vector_store %arg14[%swap3A, %swap3A_74], %add3A_73 {strides = array<i32>} : memref<16x128xf32, #tpu.memory_space<vmem>>, vector<16x128xf32>,
      %get3A_76 = arith.constant 0 : index
      %get3A_77 = arith.constant 0 : index
      %get3A_78 = vector.load %arg12[%get3A_76, %get3A_77] : memref<128x128xf32, #tpu.memory_space<vmem>>, vector<128x128xf32>
      %dot_general3A_79 = arith.constant dense<0.000000e+00> : vector<16x128xf32>
      %dot_general3A_80 = tpu.matmul %get3A_63, %get3A_78, %dot_general3A_79 {dimension_numbers = #tpu.dot_dimension_numbers<[1], [0], [0], [1], [0, 0, 1, 1], [], []>, transpose_lhs_hint = false} : vector<16x128xf32>, vector<128x128xf32>, vector<16x128xf32> -> vector<16x128xf32>
      %get3A_81 = arith.constant 0 : index
      %get3A_82 = arith.constant 0 : index
      %get3A_83 = vector.load %arg13[%get3A_81, %get3A_82] : memref<1x128xf32, #tpu.memory_space<vmem>>, vector<1x128xf32>
      %add3A_84 = vector.broadcast %get3A_83 : vector<1x128xf32> to vector<16x128xf32>
      %add3A_85 = arith.addf %dot_general3A_80, %add3A_84 : vector<16x128xf32>
      %swap3A_86 = arith.constant 0 : index
      %swap3A_87 = arith.constant 0 : index
      %swap3A_88 = vector.load %arg15[%swap3A_86, %swap3A_87] : memref<16x128xf32, #tpu.memory_space<vmem>>, vector<16x128xf32>
      tpu.vector_store %arg15[%swap3A_86, %swap3A_87], %add3A_85 {strides = array<i32>} : memref<16x128xf32, #tpu.memory_space<vmem>>, vector<16x128xf32>,
    } else {
    }
    return
  }
  func.func @transform_0(%arg0: i32) -> (i32, i32) {
    %c0_i32 = arith.constant 0 : i32
    %c0_i32_0 = arith.constant 0 : i32
    return %arg0, %c0_i32 : i32, i32
  }
  func.func @transform_1(%arg0: i32) -> (i32, i32, i32) {
    %c0_i32 = arith.constant 0 : i32
    %c0_i32_0 = arith.constant 0 : i32
    %c0_i32_1 = arith.constant 0 : i32
    return %c0_i32, %arg0, %c0_i32_0 : i32, i32, i32
  }
  func.func @transform_2(%arg0: i32) -> (i32, i32, i32) {
    %c1_i32 = arith.constant 1 : i32
    %c0_i32 = arith.constant 0 : i32
    %c0_i32_0 = arith.constant 0 : i32
    return %c1_i32, %arg0, %c0_i32 : i32, i32, i32
  }
  func.func @transform_3(%arg0: i32) -> (i32, i32) {
    %c0_i32 = arith.constant 0 : i32
    %c0_i32_0 = arith.constant 0 : i32
    return %arg0, %c0_i32 : i32, i32
  }
  func.func @transform_4(%arg0: i32) -> (i32, i32) {
    %c0_i32 = arith.constant 0 : i32
    %c0_i32_0 = arith.constant 0 : i32
    %c0_i32_1 = arith.constant 0 : i32
    return %c0_i32, %c0_i32_0 : i32, i32
  }
  func.func @transform_5(%arg0: i32) -> (i32, i32) {
    %c0_i32 = arith.constant 0 : i32
    %c0_i32_0 = arith.constant 0 : i32
    %c0_i32_1 = arith.constant 0 : i32
    return %c0_i32, %c0_i32_0 : i32, i32
  }
  func.func @transform_6(%arg0: i32) -> (i32, i32) {
    %c0_i32 = arith.constant 0 : i32
    %c0_i32_0 = arith.constant 0 : i32
    %c0_i32_1 = arith.constant 0 : i32
    return %c0_i32, %c0_i32_0 : i32, i32
  }
  func.func @transform_7(%arg0: i32) -> (i32, i32) {
    %c0_i32 = arith.constant 0 : i32
    %c0_i32_0 = arith.constant 0 : i32
    %c0_i32_1 = arith.constant 0 : i32
    return %c0_i32, %c0_i32_0 : i32, i32
  }
  func.func @transform_8(%arg0: i32) -> (i32, i32) {
    %c0_i32 = arith.constant 0 : i32
    %c0_i32_0 = arith.constant 0 : i32
    %c0_i32_1 = arith.constant 0 : i32
    return %c0_i32, %c0_i32_0 : i32, i32
  }
  func.func @transform_9(%arg0: i32) -> (i32, i32) {
    %c0_i32 = arith.constant 0 : i32
    %c0_i32_0 = arith.constant 0 : i32
    %c0_i32_1 = arith.constant 0 : i32
    return %c0_i32, %c0_i32_0 : i32, i32
  }
  func.func @transform_10(%arg0: i32) -> (i32, i32) {
    %c0_i32 = arith.constant 0 : i32
    %c0_i32_0 = arith.constant 0 : i32
    %c0_i32_1 = arith.constant 0 : i32
    return %c0_i32, %c0_i32_0 : i32, i32
  }
  func.func @transform_11(%arg0: i32) -> (i32, i32) {
    %c0_i32 = arith.constant 0 : i32
    %c0_i32_0 = arith.constant 0 : i32
    %c0_i32_1 = arith.constant 0 : i32
    return %c0_i32, %c0_i32_0 : i32, i32
  }
  func.func @transform_12(%arg0: i32) -> (i32, i32) {
    %c0_i32 = arith.constant 0 : i32
    %c0_i32_0 = arith.constant 0 : i32
    %c0_i32_1 = arith.constant 0 : i32
    return %c0_i32, %c0_i32_0 : i32, i32
  }
  func.func @transform_13(%arg0: i32) -> (i32, i32) {
    %c0_i32 = arith.constant 0 : i32
    %c0_i32_0 = arith.constant 0 : i32
    %c0_i32_1 = arith.constant 0 : i32
    return %c0_i32, %c0_i32_0 : i32, i32
  }
  func.func @transform_14(%arg0: i32) -> (i32, i32) {
    %c0_i32 = arith.constant 0 : i32
    %c0_i32_0 = arith.constant 0 : i32
    %c0_i32_1 = arith.constant 0 : i32
    return %c0_i32, %c0_i32_0 : i32, i32
  }
}

</mosaic_0001>

<sc_bundles>
// kernel: kernel.5.cloned.1.call-start
scs
__scs_entry_jumppad:
0x0: {  	(pc) =	sbr.rel $0x88, $3  }
0x1: {  	(tag) =	ssettag $0x0;
	lr =	simm.s32 $0x1  }
0x2: {  	[smem:$0x3F93] =	sst lr;
	_ =	strace $0xD0000000  }
0x3: {  	_ = 	snop  }
0x4: {  	_ = 	snop  }
0x5: {  	_ = 	snop  }
0x6: {  	_ = 	snop  }
0x7: {  	_ = 	snop  }
__scs_overlays_trampoline_lowered:
0x8: {  	[smem:$0x3FA2] =	sst s0  }
0x9: {  	[smem:$0x3FA3] =	sst s1  }
0xa: {  	[smem:$0x3FA4] =	sst s2  }
0xb: {  	[smem:$0x3FA5] =	sst s3  }
0xc: {  	[smem:$0x3FA6] =	sst s4  }
0xd: {  	[smem:$0x3FA7] =	sst s5  }
0xe: {  	[smem:$0x3FA8] =	sst s6  }
0xf: {  	[smem:$0x3FA9] =	sst s7  }
0x10: {  	[smem:$0x3FAA] =	sst s8  }
0x11: {  	[smem:$0x3FAB] =	sst s9;
	s0 =	simm.s32 @!p0 $0x0  }
0x12: {  	s1 =	sld [smem:$0x3F91];
	s0 =	simm.s32 @p0 $0x1  }
0x13: {  	[smem:$0x3FAC] =	sst s0;
	s0 =	simm.s32 @!p1 $0x0  }
0x14: {  	s2 =	sld [smem:$0x3F90];
	s0 =	simm.s32 @p1 $0x1  }
0x15: {  	[smem:$0x3FAD] =	sst s0;
	s0 =	simm.s32 @!p2 $0x0  }
0x16: {  	s3 =	sld [smem:$0x3FDB];
	s0 =	simm.s32 @p2 $0x1  }
0x17: {  	s4 =	simm.s32 $0x1BF5;
	[smem:$0x3FAF] =	sst s0  }
0x18: {  	s0 =	sld [smem:$0x3F92];
	_ =	swait.ge [sflag:s4], $0x0  }
0x19: {  	s7 =	sld [smem:$0x3F93]  }
0x1a: {  	s8 =	sadd.s32 $0xFFFFE003, lr  }
0x1b: {  	s9 =	sadd.s32 $0xFFFFFEF7, lr;
	s5 =	simm.s32 $0xFFFFFFFF;
	p2 =	slt.u32 s8, $0xFFFFF086  }
0x1c: {  	p1 =	slt.u32 s9, $0xF7A;
	s5 =	simm.s32 @!p2 $0x0  }
0x1d: {  	s5 =	simm.s32 @p1 $0x1;
	p0 =	seq.s32 s7, s2  }
0x1e: {  	s7 =	smul.u32 @!p0 $0xF7A, s2;
	p2 =	seq.s32 @!p0 s5, $0x0  }
0x1f: {  	s9 =	smul.u32 $0xF7A, s1;
	s8 =	simm.s32 @!p0 $0x1BF5;
	p2 =	por !p2, p0  }
0x20: {  	[sflag:s8] =	ssyncset.s32 @!p0 $0xFFFFF086;
	s6 =	sadd.s32 @!p0 s3, s7;
	s7 =	simm.s32 @!p0 $0x108  }
0x21: {  	s3 =	sadd.s32 s3, s9;
	s6 =	sadd.s32 @!p0 $0x88, s6;
	s7 =	simm.s32 @p2 $0x1082  }
0x22: {  	[simem:s7], [sflag:s8] =	dma.local @!p0 [hbm:s6], $0xF7A  }
0x23: {  	s9 =	sor.u32 $0xD0000000, s2;
	s6 =	simm.s32 $0x108;
	_ =	swait.ge @!p0 [sflag:s8], $0x0  }
0x24: {  	s3 =	sadd.s32 $0x88, s3;
	s6 =	simm.s32 @!p1 $0x1082;
	[sflag:s4] =	ssyncset.s32 $0xFFFFF086  }
0x25: {  	[simem:s6], [sflag:s4] =	dma.local [hbm:s3], $0xF7A  }
0x26: {  	[smem:$0x3F93] =	sst s1;
	(tag) =	ssettag s2;
	_ =	strace s9  }
0x27: {  	s1 =	sld [smem:$0x3FA3]  }
0x28: {  	s2 =	sld [smem:$0x3FA4]  }
0x29: {  	s4 =	sld [smem:$0x3FA6]  }
0x2a: {  	p0 =	seq.s32 s5, $0x0;
	s5 =	sld [smem:$0x3FA7]  }
0x2b: {  	s6 =	sld [smem:$0x3FA8]  }
0x2c: {  	s7 =	sld [smem:$0x3FA9]  }
0x2d: {  	s3 =	simm.s32 $0x108;
	s8 =	sld [smem:$0x3FAA]  }
0x2e: {  	s3 =	simm.s32 @!p0 $0x1082;
	s9 =	sld [smem:$0x3FAB]  }
0x2f: {  	lr =	sadd.s32 s0, s3;
	s0 =	sld [smem:$0x3FA2]  }
0x30: {  	s3 =	sld [smem:$0x3FA5]  }
0x31: {  	[smem:$0x3FAE] =	sst s10  }
0x32: {  	s10 =	sld [smem:$0x3FAC];
	_ =	sdelay $0x3  }
0x33: {  	p0 =	seq.s32 s10, $0x1;
	s10 =	sld [smem:$0x3FAE];
	_ =	sdelay $0x3  }
0x34: {  	[smem:$0x3FAE] =	sst s10  }
0x35: {  	s10 =	sld [smem:$0x3FAD];
	_ =	sdelay $0x3  }
0x36: {  	p1 =	seq.s32 s10, $0x1;
	s10 =	sld [smem:$0x3FAE];
	_ =	sdelay $0x3  }
0x37: {  	[smem:$0x3FAE] =	sst s10  }
0x38: {  	s10 =	sld [smem:$0x3FAF]  }
0x39: {  	_ = 	snop;
	(pc) =	sbr.ind lr, $3  }
0x3a: {  	_ = 	snop  }
0x3b: {  	_ = 	snop  }
0x3c: {  	p2 =	seq.s32 s10, $0x1;
	s10 =	sld [smem:$0x3FAE]  }
0x3d: {  	_ =	shalt  }
0x3e: {  	_ =	shalt  }
0x3f: {  	_ =	shalt  }
0x40: {  	_ =	shalt  }
0x41: {  	_ =	shalt  }
0x42: {  	_ =	shalt  }
0x43: {  	_ =	shalt  }
0x44: {  	_ =	shalt  }
0x45: {  	_ =	shalt  }
0x46: {  	_ =	shalt  }
0x47: {  	_ =	shalt  }
0x48: {  	_ =	shalt  }
0x49: {  	_ =	shalt  }
0x4a: {  	_ =	shalt  }
0x4b: {  	_ =	shalt  }
0x4c: {  	_ =	shalt  }
0x4d: {  	_ =	shalt  }
0x4e: {  	_ =	shalt  }
0x4f: {  	_ =	shalt  }
0x50: {  	_ =	shalt  }
0x51: {  	_ =	shalt  }
0x52: {  	_ =	shalt  }
0x53: {  	_ =	shalt  }
0x54: {  	_ =	shalt  }
0x55: {  	_ =	shalt  }
0x56: {  	_ =	shalt  }
0x57: {  	_ =	shalt  }
0x58: {  	_ =	shalt  }
0x59: {  	_ =	shalt  }
0x5a: {  	_ =	shalt  }
0x5b: {  	_ =	shalt  }
0x5c: {  	_ =	shalt  }
0x5d: {  	_ =	shalt  }
0x5e: {  	_ =	shalt  }
0x5f: {  	_ =	shalt  }
0x60: {  	_ =	shalt  }
0x61: {  	_ =	shalt  }
0x62: {  	_ =	shalt  }
0x63: {  	_ =	shalt  }
0x64: {  	_ =	shalt  }
0x65: {  	_ =	shalt  }
0x66: {  	_ =	shalt  }
0x67: {  	_ =	shalt  }
0x68: {  	_ =	shalt  }
0x69: {  	_ =	shalt  }
0x6a: {  	_ =	shalt  }
0x6b: {  	_ =	shalt  }
0x6c: {  	_ =	shalt  }
0x6d: {  	_ =	shalt  }
0x6e: {  	_ =	shalt  }
0x6f: {  	_ =	shalt  }
0x70: {  	_ =	shalt  }
0x71: {  	_ =	shalt  }
0x72: {  	_ =	shalt  }
0x73: {  	_ =	shalt  }
0x74: {  	_ =	shalt  }
0x75: {  	_ =	shalt  }
0x76: {  	_ =	shalt  }
0x77: {  	_ =	shalt  }
0x78: {  	_ =	shalt  }
0x79: {  	_ =	shalt  }
0x7a: {  	_ =	shalt  }
0x7b: {  	_ =	shalt  }
0x7c: {  	_ =	shalt  }
0x7d: {  	_ =	shalt  }
0x7e: {  	_ =	shalt  }
0x7f: {  	_ =	shalt  }
0x80: {  	_ =	shalt  }
0x81: {  	_ =	shalt  }
0x82: {  	_ =	shalt  }
0x83: {  	_ =	shalt  }
0x84: {  	_ =	shalt  }
0x85: {  	_ =	shalt  }
0x86: {  	_ =	shalt  }
0x87: {  	_ =	shalt  }
.Lfunc_end0:
.L_simem_size_0:
called_computation_lowered:
.L_overlay_start_0:
0x88: {  	s2 =	sld [smem:$0x3FD9]  }
0x89: {  	s3 =	sld [smem:$0x3FFE];
	_ =	sdelay $0x1  }
0x8a: {  	s1 =	srdreg.scid  }
0x8b: {  	s0 =	sand.u32 $0x1, s1  }
0x8c: {  	s16 =	sshll.u32 s0, $0xA;
	s2 =	sadd.s32 s3, s2  }
0x8d: {  	s2 =	sadd.s32 s2, s16  }
0x8e: {  	[smem:$0x3FBA] =	sst s2  }
0x8f: {  	_ = 	snop  }
0x90: {  	(tm) =	ssettm $0x1  }
0x91: {  	s17 =	sld [smem:$0x3FFB];
	_ =	sdelay $0x3  }
0x92: {  	_ =	strace s17  }
0x93: {  	s2 =	sld [smem:$0x3FFC];
	_ =	sdelay $0x3  }
0x94: {  	_ =	strace s2  }
0x95: {  	s2 =	sld [smem:$0x3FFD];
	_ =	sdelay $0x3  }
0x96: {  	_ =	strace s2  }
0x97: {  	_ =	strace $0x8FFFFFFF  }
0x98: {  	s18 =	sld [smem:$0x3FDB];
	_ =	sdelay $0x1  }
0x99: {  	s19 =	simm.s32 $_scs_section_size  }
0x9a: {  	s4 =	simm.s32 $_size__tile_overlayer_lowered;
	s5 =	simm.s32 $_tile_overlayer_lowered  }
0x9b: {  	s22 =	simm.s32 $0x1BFF;
	s21 =	sshll.u32 s5, $0x1;
	s2 =	sadd.s32 s19, s18  }
0x9c: {  	s6 =	simm.s32 $0x0;
	s20 =	sshll.u32 s4, $0x1;
	s4 =	sadd.s32 s21, s2  }
0x9d: {  	[timem:s6], [sflag:s22] =	dma.local [hbm:s4], s20  }
0x9e: {  	_ =	swait.ge [sflag:s22], s20  }
0x9f: {  	s3 =	ssub.s32 $0x0, s20;
	[sflag:s22] =	ssyncset.done $0x0  }
0xa0: {  	[sflag:s22] =	ssyncadd.s32 s3;
	_ =	sdelay $0x1  }
0xa1: {  	s23 =	simm.s32 $0x1B8B  }
0xa2: {  	_ =	swait.ge [sflag:s23], $0x1  }
0xa3: {  	[sflag:s23] =	ssyncset.done $0x0  }
0xa4: {  	s25 =	simm.s32 $0x1B8E;
	s24 =	sld [smem:$0x3FFE];
	[sflag:s23] =	ssyncadd.s32 $0xFFFFFFFF  }
0xa5: {  	s26 =	simm.s32 $execute0_lowered;
	[smem:$0x3FD2] =	sst s25  }
0xa6: {  	s4 =	sshll.u32 s26, $0x1;
	_ =	strace $0x80000046;
	[dreg:$0x1] =	wrdreg $0xFFFFFFFF  }
0xa7: {  	s28 =	simm.s32 $_size_execute0_lowered;
	s2 =	sadd.s32 s2, s4;
	[dreg:$0x0] =	wrdreg $0x0  }
0xa8: {  	s4 =	sshll.u32 s28, $0x1;
	[dreg:$0x2] =	wrdreg s2  }
0xa9: {  	[dreg:$0x3] =	wrdreg s4  }
0xaa: {  	[dreg:$0x4] =	wrdreg $0xC0  }
0xab: {  	_ =	task [dreg:s6], $0x5FFFF  }
0xac: {  	[dreg:$0x1] =	wrdreg $0xFFFFFFFF  }
0xad: {  	[dreg:$0x0] =	wrdreg $0x60  }
0xae: {  	[dreg:$0x2] =	wrdreg s24  }
0xaf: {  	[dreg:$0x3] =	wrdreg $0x0  }
0xb0: {  	[dreg:$0x4] =	wrdreg $0x9  }
0xb1: {  	_ =	task.clear_ibuf [dreg:s6], $0x5FFFF;
	_ =	strace $0x90000046  }
0xb2: {  	s29 =	simm.s32 $0x9;
	_ =	strace $0x80000048  }
0xb3: {  	_ =	swait.ge [sflag:s29], $0x1  }
0xb4: {  	[sflag:s29] =	ssyncadd.s32 $0xFFFFFFFF  }
0xb5: {  	_ =	strace $0x90000048  }
0xb6: {  	_ =	sfence  }
0xb7: {  	s30 =	sld [smem:$0x0];
	_ =	sdelay $0x2  }
0xb8: {  	s31 =	sshll.u32 s1, $0xD;
	s1 =	sshrl.u32 s1, $0x2  }
0xb9: {  	s3 =	sand.u32 $0x4000, s31;
	s1 =	sadd.s32 s1, s30  }
0xba: {  	s0 =	sor.u32 s3, s0;
	s1 =	sshll.u32 s1, $0x11  }
0xbb: {  	s0 =	sor.u32 s1, s0  }
0xbc: {  	s0 =	sadd.s32 $0x8F2B, s0  }
0xbd: {  	[sflag:s0] =	ssyncadd.remote.s32 $0x1  }
0xbe: {  	_ =	sfence.sel $0xFFFF  }
0xbf: {  	[dreg:$0x0] =	wrdreg $0xFFFFFFFF;
	(pc) =	sbr.abs _section_cstart, $3  }
0xc0: {  	[dreg:$0x1] =	wrdreg $0xFFFFFFFF  }
0xc1: {  	_ =	task.clear_ibuf [dreg:s6], $0x2FFFF;
	_ =	strace $0x9FFFFFFF  }
0xc2: {  	(tm) =	ssettm $0x7FFFFFFF  }
0xc3: {  	_ =	shalt  }
tec
execute0_lowered:
.L_overlay_start_1:
0x0: {  	(tag) =	ssettag $0x1  }
0x1: {  	s1 =	srdreg.scid  }
0x2: {  	s4 =	sand.u32 $0x1, s1  }
0x3: {  	s18 =	stileid.u32;
	s1 =	sshll.u32 s4, $0x4  }
0x4: {  	s0 =	rddreg [dreg:$0x0];
	s1 =	sor.u32 s18, s1  }
0x5: {  	s2 =	rddreg [dreg:$0x1];
	s3 =	simm.s32 $0x0;
	s1 =	smul.u32 $0x2710, s1  }
0x6: {  	[smem:$0x7FF] =	sst s3  }
0x7: {  	s5 =	sadd.s32 $0xC000, s0;
	s6 =	ssub.s32 $0x2, s4;
	s8 =	sshrl.u32 s1, $0x3  }
0x8: {  	s9 =	sadd.s32 $0x2200, s0;
	s7 =	sshrl.u32 s6, $0x1;
	s11 =	sadd.s32 $0x10, s8  }
0x9: {  	_ =	strace $0x80000047;
	s1 =	ssub.s32 s6, s7;
	s12 =	sadd.s32 s5, s11  }
0xa: {  	s13 =	sadd.s32 $0x20, s8;
	s6 =	sadd.s32 s9, s11;
	[dreg:$0xb] =	wrdreg s12  }
0xb: {  	s16 =	sadd.s32 $0x30, s8;
	s14 =	sadd.s32 s5, s13;
	[dreg:$0xc] =	wrdreg s6  }
0xc: {  	s10 =	sadd.s32 $0x40, s8;
	s7 =	sadd.s32 s9, s16;
	[dreg:$0xd] =	wrdreg s14  }
0xd: {  	s30 =	simm.s32 $0x1CD00;
	s17 =	sadd.s32 s5, s10;
	[dreg:$0x10] =	wrdreg s7  }
0xe: {  	s20 =	sadd.s32 $0x50, s8;
	s19 =	sadd.s32 s9, s10;
	[dreg:$0x11] =	wrdreg s17  }
0xf: {  	s22 =	sadd.s32 $0x60, s8;
	s21 =	sadd.s32 s5, s20;
	[dreg:$0x12] =	wrdreg s19  }
0x10: {  	s31 =	simm.s32 $0x9;
	s23 =	sadd.s32 s5, s22;
	[dreg:$0x13] =	wrdreg s21  }
0x11: {  	s28 =	simm.s32 $0x0;
	s10 =	sadd.s32 s9, s22;
	[dreg:$0x15] =	wrdreg s23  }
0x12: {  	s15 =	smul.u32 $0x27100, s4;
	s6 =	sadd.s32 s9, s13;
	[dreg:$0x16] =	wrdreg s10  }
0x13: {  	s11 =	smul.u32 $0x2710, s18;
	s12 =	sadd.s32 s5, s16;
	[dreg:$0xe] =	wrdreg s6  }
0x14: {  	s7 =	sadd.s32 s9, s20;
	s17 =	sadd.s32 $0x4B0, s8;
	[dreg:$0xf] =	wrdreg s12  }
0x15: {  	s21 =	sadd.s32 $0x4C0, s8;
	s23 =	sadd.s32 s5, s8;
	[dreg:$0x14] =	wrdreg s7  }
0x16: {  	s6 =	sadd.s32 s11, s15;
	s20 =	sadd.s32 s5, s17;
	[dreg:$0x1b] =	wrdreg s23  }
0x17: {  	s10 =	sadd.s32 s9, s17;
	s11 =	sadd.s32 $0x500, s6;
	[dreg:$0x17] =	wrdreg s20  }
0x18: {  	s22 =	sadd.s32 s5, s21;
	[dreg:$0x18] =	wrdreg s10;
	s24 =	sshrl.u32 s11, $0x3  }
0x19: {  	s26 =	sadd.s32 $0x480, s6;
	[dreg:$0x19] =	wrdreg s22;
	s25 =	sadd.s32 s24, s9  }
0x1a: {  	s29 =	sshrl.u32 s26, $0x3;
	s7 =	sadd.s32 s24, s5;
	[dreg:$0x3] =	wrdreg s25  }
0x1b: {  	s12 =	sadd.s32 $0x400, s6;
	s11 =	sadd.s32 s29, s9;
	[dreg:$0x4] =	wrdreg s7  }
0x1c: {  	s14 =	sshrl.u32 s12, $0x3;
	s13 =	sadd.s32 s29, s5;
	[dreg:$0x5] =	wrdreg s11  }
0x1d: {  	s6 =	sadd.s32 $0x380, s6;
	s15 =	sadd.s32 s14, s9;
	[dreg:$0x6] =	wrdreg s13  }
0x1e: {  	s6 =	sshrl.u32 s6, $0x3;
	s16 =	sadd.s32 s14, s5;
	[dreg:$0x7] =	wrdreg s15  }
0x1f: {  	s4 =	smul.u32 $0x140000, s4;
	s19 =	sadd.s32 s6, s9;
	[dreg:$0x8] =	wrdreg s16  }
0x20: {  	s26 =	smul.u32 $0x14000, s18;
	s24 =	sadd.s32 s9, s8;
	[dreg:$0x9] =	wrdreg s19  }
0x21: {  	s18 =	smul.u32 $0x50000, s18;
	s7 =	sadd.s32 s9, s21;
	[dreg:$0x1c] =	wrdreg s24  }
0x22: {  	s25 =	sadd.s32 $0x4D0, s8;
	s8 =	sadd.s32 $0x4E0, s8;
	s13 =	sadd.s32 s4, s26  }
0x23: {  	s10 =	sadd.s32 $0x12000, s26;
	[dreg:$0x1a] =	wrdreg s7;
	s29 =	sadd.s32 s5, s25  }
0x24: {  	s7 =	sadd.s32 s9, s25;
	s11 =	sadd.s32 s9, s8;
	[dreg:$0x1d] =	wrdreg s29  }
0x25: {  	s12 =	sadd.s32 s5, s8;
	s5 =	sadd.s32 s6, s5;
	[dreg:$0x1e] =	wrdreg s7  }
0x26: {  	s6 =	sshrl.u32 s13, $0x3;
	s8 =	sor.u32 $0x2000, s26;
	[dreg:$0x1f] =	wrdreg s11  }
0x27: {  	s13 =	sadd.s32 $0x8000, s26;
	[smem:$0x7DF] =	sst s12;
	s7 =	sadd.s32 $0x3E200, s0  }
0x28: {  	s14 =	sadd.s32 s4, s8;
	s11 =	sadd.s32 $0x4000, s26;
	s12 =	sadd.s32 $0x6000, s26  }
0x29: {  	s20 =	sadd.s32 s4, s13;
	[dreg:$0xa] =	wrdreg s5;
	s5 =	sshrl.u32 s18, $0x2  }
0x2a: {  	s8 =	sadd.s32 s8, s2;
	s13 =	sadd.s32 s13, s2;
	s18 =	sadd.s32 s10, s2  }
0x2b: {  	s6 =	sadd.s32 s7, s6;
	s15 =	sadd.s32 s4, s11;
	[smem:$0x7EC] =	sst s8  }
0x2c: {  	s17 =	sadd.s32 s4, s12;
	s11 =	sadd.s32 s11, s2;
	[smem:$0x7EF] =	sst s13  }
0x2d: {  	s12 =	sadd.s32 s12, s2;
	[smem:$0x7F4] =	sst s18;
	s8 =	simm.s32 $0x14300  }
0x2e: {  	s13 =	simm.s32 $0x5;
	s18 =	simm.s32 $0x6;
	[smem:$0x7E0] =	sst s6  }
0x2f: {  	s6 =	sshrl.u32 s14, $0x3;
	s16 =	sshrl.u32 s15, $0x3;
	s19 =	sshrl.u32 s17, $0x3  }
0x30: {  	s14 =	sadd.s32 $0xA000, s26;
	s15 =	sadd.s32 $0xC000, s26;
	[smem:$0x7ED] =	sst s11  }
0x31: {  	s17 =	sadd.s32 $0x10000, s26;
	[smem:$0x7EE] =	sst s12;
	s11 =	simm.s32 $0x80  }
0x32: {  	s12 =	simm.s32 $0x14400;
	s6 =	sadd.s32 s7, s6;
	s21 =	sadd.s32 s4, s14  }
0x33: {  	s23 =	sadd.s32 s4, s15;
	s14 =	sadd.s32 s14, s2;
	s15 =	sadd.s32 s15, s2  }
0x34: {  	[smem:$0x7E1] =	sst s6;
	s6 =	sadd.s32 s7, s16;
	s22 =	sshrl.u32 s21, $0x3  }
0x35: {  	s24 =	sshrl.u32 s23, $0x3;
	s16 =	sadd.s32 $0xE000, s26;
	[smem:$0x7F0] =	sst s14  }
0x36: {  	s26 =	sadd.s32 s4, s17;
	[smem:$0x7F1] =	sst s15;
	s17 =	sadd.s32 s17, s2  }
0x37: {  	s14 =	simm.s32 $0x14180;
	[smem:$0x7E2] =	sst s6;
	s6 =	sadd.s32 s7, s19  }
0x38: {  	s25 =	sadd.s32 s4, s16;
	s9 =	sshrl.u32 s26, $0x3;
	[smem:$0x7F3] =	sst s17  }
0x39: {  	s4 =	sadd.s32 s4, s10;
	s16 =	sadd.s32 s16, s2;
	[smem:$0x7E3] =	sst s6  }
0x3a: {  	s6 =	sshrl.u32 s20, $0x3;
	s29 =	sadd.s32 s7, s9;
	[smem:$0x7F2] =	sst s16  }
0x3b: {  	s4 =	sshrl.u32 s4, $0x3;
	s6 =	sadd.s32 s7, s6;
	[smem:$0x7E8] =	sst s29  }
0x3c: {  	s9 =	sadd.s32 s5, s2;
	s4 =	sadd.s32 s7, s4;
	[smem:$0x7E4] =	sst s6  }
0x3d: {  	s15 =	simm.s32 $0x14380;
	s19 =	sadd.s32 $0x2000, s9;
	[smem:$0x7E9] =	sst s4  }
0x3e: {  	s10 =	simm.s32 $0x1;
	s20 =	sadd.s32 $0x4000, s9;
	[smem:$0x7F5] =	sst s19  }
0x3f: {  	s17 =	simm.s32 $0x18400;
	s21 =	sadd.s32 $0x6000, s9;
	[smem:$0x7F6] =	sst s20  }
0x40: {  	s5 =	simm.s32 $0x14280;
	s23 =	sadd.s32 $0xA000, s9;
	[smem:$0x7F7] =	sst s21  }
0x41: {  	s16 =	simm.s32 $0x2;
	s26 =	sadd.s32 $0x10000, s9;
	[smem:$0x7F9] =	sst s23  }
0x42: {  	s29 =	sadd.s32 $0x12000, s9;
	s6 =	sadd.s32 s7, s22;
	[smem:$0x7FC] =	sst s26  }
0x43: {  	s22 =	sadd.s32 $0x8000, s9;
	[smem:$0x7FD] =	sst s29;
	s4 =	simm.s32 $0x14080  }
0x44: {  	s19 =	simm.s32 $0x7;
	s20 =	simm.s32 $0x3;
	[smem:$0x7E5] =	sst s6  }
0x45: {  	s21 =	simm.s32 $0x8;
	s6 =	sadd.s32 s7, s24;
	[smem:$0x7F8] =	sst s22  }
0x46: {  	s26 =	simm.s32 $0x1C500;
	s24 =	sadd.s32 $0xC000, s9;
	[smem:$0x7E6] =	sst s6  }
0x47: {  	s6 =	sshrl.u32 s25, $0x3;
	[smem:$0x7FA] =	sst s24;
	s25 =	sadd.s32 $0xE000, s9  }
0x48: {  	s22 =	simm.s32 $0x4;
	s6 =	sadd.s32 s7, s6;
	[smem:$0x7FB] =	sst s25  }
0x49: {  	s7 =	sadd.s32 $0x15E00, s0;
	s0 =	sadd.s32 $0x3DE00, s0;
	[smem:$0x7E7] =	sst s6  }
0x4a: {  	[smem:$0x7EA] =	sst s0;
	s6 =	smax.u32 s1, $0x1;
	s0 =	simm.s32 $0x14000  }
0x4b: {  	s1 =	simm.s32 $0x14200;
	[smem:$0x7EB] =	sst s6;
	s6 =	simm.s32 $0x14100  }
.LBB2_1:
0x4c: {  	s23 =	sld [smem:$0x7EA];
	_ =	sdelay $0x2  }
0x4d: {  	[tilespmem:s30], [sflag:$0x9] =	stream.linear.gather [hbm4b:s23+s3], $0x2000, $0x38;
	[tilespmem:$0x1ED00] =	vst v63  }
0x4e: {  	_ =	swait.ge [sflag:s31], $0x2000  }
0x4f: {  	[sflag:s31] =	ssyncset.done $0x0  }
0x50: {  	[sflag:s31] =	ssyncadd.s32 $0xFFFFE000  }
0x51: {  	[spmem:s9] =	stream.linear.scatter [tilespmem:s30], [sflag:$0x9], $0x2000, $0x38;
	[tilespmem:$0x1ED00] =	vst v63  }
0x52: {  	_ =	swait.ge [sflag:s31], $0x2000  }
0x53: {  	s25 =	sld [smem:$0x7F5]  }
0x54: {  	[sflag:s31] =	ssyncset.done $0x0  }
0x55: {  	[sflag:s31] =	ssyncadd.s32 $0xFFFFE000  }
0x56: {  	[spmem:s25] =	stream.linear.scatter [tilespmem:s30], [sflag:$0x9], $0x2000, $0x38;
	[tilespmem:$0x1ED00] =	vst v63  }
0x57: {  	_ =	swait.ge [sflag:s31], $0x2000  }
0x58: {  	s24 =	sld [smem:$0x7F6]  }
0x59: {  	[sflag:s31] =	ssyncset.done $0x0  }
0x5a: {  	[sflag:s31] =	ssyncadd.s32 $0xFFFFE000  }
0x5b: {  	[spmem:s24] =	stream.linear.scatter [tilespmem:s30], [sflag:$0x9], $0x2000, $0x38;
	[tilespmem:$0x1ED00] =	vst v63  }
0x5c: {  	_ =	swait.ge [sflag:s31], $0x2000  }
0x5d: {  	s25 =	sld [smem:$0x7F7]  }
0x5e: {  	[sflag:s31] =	ssyncset.done $0x0  }
0x5f: {  	[sflag:s31] =	ssyncadd.s32 $0xFFFFE000  }
0x60: {  	[spmem:s25] =	stream.linear.scatter [tilespmem:s30], [sflag:$0x9], $0x2000, $0x38;
	[tilespmem:$0x1ED00] =	vst v63  }
0x61: {  	_ =	swait.ge [sflag:s31], $0x2000  }
0x62: {  	s24 =	sld [smem:$0x7F8]  }
0x63: {  	[sflag:s31] =	ssyncset.done $0x0  }
0x64: {  	[sflag:s31] =	ssyncadd.s32 $0xFFFFE000  }
0x65: {  	[spmem:s24] =	stream.linear.scatter [tilespmem:s30], [sflag:$0x9], $0x2000, $0x38;
	[tilespmem:$0x1ED00] =	vst v63  }
0x66: {  	_ =	swait.ge [sflag:s31], $0x2000  }
0x67: {  	s25 =	sld [smem:$0x7F9]  }
0x68: {  	[sflag:s31] =	ssyncset.done $0x0  }
0x69: {  	[sflag:s31] =	ssyncadd.s32 $0xFFFFE000  }
0x6a: {  	[spmem:s25] =	stream.linear.scatter [tilespmem:s30], [sflag:$0x9], $0x2000, $0x38;
	[tilespmem:$0x1ED00] =	vst v63  }
0x6b: {  	_ =	swait.ge [sflag:s31], $0x2000  }
0x6c: {  	s24 =	sld [smem:$0x7FA]  }
0x6d: {  	[sflag:s31] =	ssyncset.done $0x0  }
0x6e: {  	[sflag:s31] =	ssyncadd.s32 $0xFFFFE000  }
0x6f: {  	[spmem:s24] =	stream.linear.scatter [tilespmem:s30], [sflag:$0x9], $0x2000, $0x38;
	[tilespmem:$0x1ED00] =	vst v63  }
0x70: {  	_ =	swait.ge [sflag:s31], $0x2000  }
0x71: {  	s25 =	sld [smem:$0x7FB]  }
0x72: {  	[sflag:s31] =	ssyncset.done $0x0  }
0x73: {  	[sflag:s31] =	ssyncadd.s32 $0xFFFFE000  }
0x74: {  	[spmem:s25] =	stream.linear.scatter [tilespmem:s30], [sflag:$0x9], $0x2000, $0x38;
	[tilespmem:$0x1ED00] =	vst v63  }
0x75: {  	_ =	swait.ge [sflag:s31], $0x2000  }
0x76: {  	s24 =	sld [smem:$0x7FC]  }
0x77: {  	[sflag:s31] =	ssyncset.done $0x0  }
0x78: {  	[sflag:s31] =	ssyncadd.s32 $0xFFFFE000  }
0x79: {  	[spmem:s24] =	stream.linear.scatter [tilespmem:s30], [sflag:$0x9], $0x2000, $0x38;
	[tilespmem:$0x1ED00] =	vst v63  }
0x7a: {  	_ =	swait.ge [sflag:s31], $0x2000  }
0x7b: {  	s25 =	sld [smem:$0x7FD]  }
0x7c: {  	[sflag:s31] =	ssyncset.done $0x0  }
0x7d: {  	[sflag:s31] =	ssyncadd.s32 $0xFFFFE000  }
0x7e: {  	[spmem:s25] =	stream.linear.scatter [tilespmem:s30], [sflag:$0x9], $0x2000, $0x38;
	[tilespmem:$0x1ED00] =	vst v63  }
0x7f: {  	_ =	swait.ge [sflag:s31], $0x2000  }
0x80: {  	[sflag:s31] =	ssyncset.done $0x0  }
0x81: {  	[sflag:s31] =	ssyncadd.s32 $0xFFFFE000  }
0x82: {  	[bflag:$0x0] =	sbarrier.arrive $0xFFFF  }
0x83: {  	s24 =	rddreg [dreg:$0x1b]  }
0x84: {  	[tilespmem:s0], [sflag:$0x1] =	stream.linear.gather [hbm4b:s24+s3], $0x80, $0x38;
	[tilespmem:$0x1ED00] =	vst v63  }
0x85: {  	s25 =	rddreg [dreg:$0x1c]  }
0x86: {  	[tilespmem:s1], [sflag:$0x1] =	stream.linear.gather [hbm4b:s25+s3], $0x80, $0x38;
	[tilespmem:$0x1ED00] =	vst v63  }
0x87: {  	s24 =	rddreg [dreg:$0xb]  }
0x88: {  	[tilespmem:s4], [sflag:$0x2] =	stream.linear.gather [hbm4b:s24+s3], $0x80, $0x38;
	[tilespmem:$0x1ED00] =	vst v63  }
0x89: {  	s25 =	rddreg [dreg:$0xc]  }
0x8a: {  	[tilespmem:s5], [sflag:$0x2] =	stream.linear.gather [hbm4b:s25+s3], $0x80, $0x38;
	[tilespmem:$0x1ED00] =	vst v63  }
0x8b: {  	s24 =	rddreg [dreg:$0xd]  }
0x8c: {  	[tilespmem:s6], [sflag:$0x3] =	stream.linear.gather [hbm4b:s24+s3], $0x80, $0x38;
	[tilespmem:$0x1ED00] =	vst v63  }
0x8d: {  	s25 =	rddreg [dreg:$0xe]  }
0x8e: {  	[tilespmem:s8], [sflag:$0x3] =	stream.linear.gather [hbm4b:s25+s3], $0x80, $0x38;
	[tilespmem:$0x1ED00] =	vst v63  }
0x8f: {  	_ =	swait.ge [sflag:s10], $0x80  }
0x90: {  	[sflag:s10] =	ssyncset.done $0x0  }
0x91: {  	[sflag:s10] =	ssyncadd.s32 $0xFFFFFF80  }
0x92: {  	_ =	swait.ge [sflag:s10], $0x80  }
0x93: {  	[sflag:s10] =	ssyncset.done $0x0  }
0x94: {  	[sflag:s10] =	ssyncadd.s32 $0xFFFFFF80  }
0x95: {  	[tilespmem:s12], [sflag:$0x5] =	stream.indirect.gather [hbm4b:s7+s11], $0x80, s0, s11, $0xb8;
	[tilespmem:$0x1ED00] =	vst v63  }
0x96: {  	_ =	swait.ge [sflag:s13], $0x4000  }
0x97: {  	[sflag:s13] =	ssyncset.done $0x0  }
0x98: {  	[sflag:s13] =	ssyncadd.s32 $0xFFFFC000  }
0x99: {  	[spmem:s2] =	stream.indirect.scatter.add.f32 [tilespmem:s12], [sflag:$0x7], $0x80, s1, s11, $0xb8;
	[tilespmem:$0x1ED00] =	vst v63  }
0x9a: {  	s24 =	rddreg [dreg:$0xf]  }
0x9b: {  	[tilespmem:s14], [sflag:$0x4] =	stream.linear.gather [hbm4b:s24+s3], $0x80, $0x38;
	[tilespmem:$0x1ED00] =	vst v63  }
0x9c: {  	s25 =	rddreg [dreg:$0x10]  }
0x9d: {  	[tilespmem:s15], [sflag:$0x4] =	stream.linear.gather [hbm4b:s25+s3], $0x80, $0x38;
	[tilespmem:$0x1ED00] =	vst v63  }
0x9e: {  	_ =	swait.ge [sflag:s16], $0x80  }
0x9f: {  	[sflag:s16] =	ssyncset.done $0x0  }
0xa0: {  	[sflag:s16] =	ssyncadd.s32 $0xFFFFFF80  }
0xa1: {  	_ =	swait.ge [sflag:s16], $0x80  }
0xa2: {  	[sflag:s16] =	ssyncset.done $0x0  }
0xa3: {  	[sflag:s16] =	ssyncadd.s32 $0xFFFFFF80  }
0xa4: {  	[tilespmem:s17], [sflag:$0x6] =	stream.indirect.gather [hbm4b:s7+s11], $0x80, s4, s11, $0xb8;
	[tilespmem:$0x1ED00] =	vst v63  }
0xa5: {  	_ =	swait.ge [sflag:s18], $0x4000  }
0xa6: {  	[sflag:s18] =	ssyncset.done $0x0  }
0xa7: {  	[sflag:s18] =	ssyncadd.s32 $0xFFFFC000  }
0xa8: {  	[spmem:s2] =	stream.indirect.scatter.add.f32 [tilespmem:s17], [sflag:$0x8], $0x80, s5, s11, $0xb8;
	[tilespmem:$0x1ED00] =	vst v63  }
0xa9: {  	_ =	swait.ge [sflag:s19], $0x4000  }
0xaa: {  	[sflag:s19] =	ssyncset.done $0x0  }
0xab: {  	s24 =	rddreg [dreg:$0x11];
	[sflag:s19] =	ssyncadd.s32 $0xFFFFC000  }
0xac: {  	[tilespmem:s0], [sflag:$0x1] =	stream.linear.gather [hbm4b:s24+s3], $0x80, $0x38;
	[tilespmem:$0x1ED00] =	vst v63  }
0xad: {  	s25 =	rddreg [dreg:$0x12]  }
0xae: {  	[tilespmem:s1], [sflag:$0x1] =	stream.linear.gather [hbm4b:s25+s3], $0x80, $0x38;
	[tilespmem:$0x1ED00] =	vst v63  }
0xaf: {  	_ =	swait.ge [sflag:s20], $0x80  }
0xb0: {  	[sflag:s20] =	ssyncset.done $0x0  }
0xb1: {  	[sflag:s20] =	ssyncadd.s32 $0xFFFFFF80  }
0xb2: {  	_ =	swait.ge [sflag:s20], $0x80  }
0xb3: {  	[sflag:s20] =	ssyncset.done $0x0  }
0xb4: {  	[sflag:s20] =	ssyncadd.s32 $0xFFFFFF80  }
0xb5: {  	[tilespmem:s12], [sflag:$0x5] =	stream.indirect.gather [hbm4b:s7+s11], $0x80, s6, s11, $0xb8;
	[tilespmem:$0x1ED00] =	vst v63  }
0xb6: {  	_ =	swait.ge [sflag:s13], $0x4000  }
0xb7: {  	[sflag:s13] =	ssyncset.done $0x0  }
0xb8: {  	[sflag:s13] =	ssyncadd.s32 $0xFFFFC000  }
0xb9: {  	[spmem:s2] =	stream.indirect.scatter.add.f32 [tilespmem:s12], [sflag:$0x7], $0x80, s8, s11, $0xb8;
	[tilespmem:$0x1ED00] =	vst v63  }
0xba: {  	_ =	swait.ge [sflag:s21], $0x4000  }
0xbb: {  	[sflag:s21] =	ssyncset.done $0x0  }
0xbc: {  	s24 =	rddreg [dreg:$0x13];
	[sflag:s21] =	ssyncadd.s32 $0xFFFFC000  }
0xbd: {  	[tilespmem:s4], [sflag:$0x2] =	stream.linear.gather [hbm4b:s24+s3], $0x80, $0x38;
	[tilespmem:$0x1ED00] =	vst v63  }
0xbe: {  	s25 =	rddreg [dreg:$0x14]  }
0xbf: {  	[tilespmem:s5], [sflag:$0x2] =	stream.linear.gather [hbm4b:s25+s3], $0x80, $0x38;
	[tilespmem:$0x1ED00] =	vst v63  }
0xc0: {  	_ =	swait.ge [sflag:s22], $0x80  }
0xc1: {  	[sflag:s22] =	ssyncset.done $0x0  }
0xc2: {  	[sflag:s22] =	ssyncadd.s32 $0xFFFFFF80  }
0xc3: {  	_ =	swait.ge [sflag:s22], $0x80  }
0xc4: {  	[sflag:s22] =	ssyncset.done $0x0  }
0xc5: {  	[sflag:s22] =	ssyncadd.s32 $0xFFFFFF80  }
0xc6: {  	[tilespmem:s17], [sflag:$0x6] =	stream.indirect.gather [hbm4b:s7+s11], $0x80, s14, s11, $0xb8;
	[tilespmem:$0x1ED00] =	vst v63  }
0xc7: {  	_ =	swait.ge [sflag:s18], $0x4000  }
0xc8: {  	[sflag:s18] =	ssyncset.done $0x0  }
0xc9: {  	[sflag:s18] =	ssyncadd.s32 $0xFFFFC000  }
0xca: {  	[spmem:s2] =	stream.indirect.scatter.add.f32 [tilespmem:s17], [sflag:$0x8], $0x80, s15, s11, $0xb8;
	[tilespmem:$0x1ED00] =	vst v63  }
0xcb: {  	_ =	swait.ge [sflag:s19], $0x4000  }
0xcc: {  	[sflag:s19] =	ssyncset.done $0x0  }
0xcd: {  	s24 =	rddreg [dreg:$0x15];
	[sflag:s19] =	ssyncadd.s32 $0xFFFFC000  }
0xce: {  	[tilespmem:s6], [sflag:$0x3] =	stream.linear.gather [hbm4b:s24+s3], $0x80, $0x38;
	[tilespmem:$0x1ED00] =	vst v63  }
0xcf: {  	s25 =	rddreg [dreg:$0x16]  }
0xd0: {  	[tilespmem:s8], [sflag:$0x3] =	stream.linear.gather [hbm4b:s25+s3], $0x80, $0x38;
	[tilespmem:$0x1ED00] =	vst v63  }
0xd1: {  	_ =	swait.ge [sflag:s10], $0x80  }
0xd2: {  	[sflag:s10] =	ssyncset.done $0x0  }
0xd3: {  	[sflag:s10] =	ssyncadd.s32 $0xFFFFFF80  }
0xd4: {  	_ =	swait.ge [sflag:s10], $0x80  }
0xd5: {  	[sflag:s10] =	ssyncset.done $0x0  }
0xd6: {  	[sflag:s10] =	ssyncadd.s32 $0xFFFFFF80  }
0xd7: {  	[tilespmem:s12], [sflag:$0x5] =	stream.indirect.gather [hbm4b:s7+s11], $0x80, s0, s11, $0xb8;
	[tilespmem:$0x1ED00] =	vst v63  }
0xd8: {  	_ =	swait.ge [sflag:s13], $0x4000  }
0xd9: {  	[sflag:s13] =	ssyncset.done $0x0  }
0xda: {  	[sflag:s13] =	ssyncadd.s32 $0xFFFFC000  }
0xdb: {  	[spmem:s2] =	stream.indirect.scatter.add.f32 [tilespmem:s12], [sflag:$0x7], $0x80, s1, s11, $0xb8;
	[tilespmem:$0x1ED00] =	vst v63  }
0xdc: {  	_ =	swait.ge [sflag:s21], $0x4000  }
0xdd: {  	s24 =	rddreg [dreg:$0xa];
	[sflag:s21] =	ssyncset.done $0x0  }
0xde: {  	s29 =	rddreg [dreg:$0x9];
	[sflag:s21] =	ssyncadd.s32 $0xFFFFC000;
	s23 =	sadd.s32 $0x0, s24  }
0xdf: {  	[tilespmem:s14], [sflag:$0x4] =	stream.linear.gather [hbm4b:s23+s3], $0x80, $0x38;
	[tilespmem:$0x1ED00] =	vst v63  }
0xe0: {  	s25 =	sadd.s32 $0x0, s29  }
0xe1: {  	[tilespmem:s15], [sflag:$0x4] =	stream.linear.gather [hbm4b:s25+s3], $0x80, $0x38;
	[tilespmem:$0x1ED00] =	vst v63  }
0xe2: {  	_ =	swait.ge [sflag:s16], $0x80  }
0xe3: {  	[sflag:s16] =	ssyncset.done $0x0  }
0xe4: {  	[sflag:s16] =	ssyncadd.s32 $0xFFFFFF80  }
0xe5: {  	_ =	swait.ge [sflag:s16], $0x80  }
0xe6: {  	[sflag:s16] =	ssyncset.done $0x0  }
0xe7: {  	[sflag:s16] =	ssyncadd.s32 $0xFFFFFF80  }
0xe8: {  	[tilespmem:s17], [sflag:$0x6] =	stream.indirect.gather [hbm4b:s7+s11], $0x80, s4, s11, $0xb8;
	[tilespmem:$0x1ED00] =	vst v63  }
0xe9: {  	_ =	swait.ge [sflag:s18], $0x4000  }
0xea: {  	[sflag:s18] =	ssyncset.done $0x0  }
0xeb: {  	[sflag:s18] =	ssyncadd.s32 $0xFFFFC000  }
0xec: {  	[spmem:s2] =	stream.indirect.scatter.add.f32 [tilespmem:s17], [sflag:$0x8], $0x80, s5, s11, $0xb8;
	[tilespmem:$0x1ED00] =	vst v63  }
0xed: {  	_ =	swait.ge [sflag:s19], $0x4000  }
0xee: {  	s24 =	rddreg [dreg:$0x8];
	[sflag:s19] =	ssyncset.done $0x0  }
0xef: {  	s29 =	rddreg [dreg:$0x7];
	[sflag:s19] =	ssyncadd.s32 $0xFFFFC000;
	s23 =	sadd.s32 $0x0, s24  }
0xf0: {  	[tilespmem:s0], [sflag:$0x1] =	stream.linear.gather [hbm4b:s23+s3], $0x80, $0x38;
	[tilespmem:$0x1ED00] =	vst v63  }
0xf1: {  	s25 =	sadd.s32 $0x0, s29  }
0xf2: {  	[tilespmem:s1], [sflag:$0x1] =	stream.linear.gather [hbm4b:s25+s3], $0x80, $0x38;
	[tilespmem:$0x1ED00] =	vst v63  }
0xf3: {  	_ =	swait.ge [sflag:s20], $0x80  }
0xf4: {  	[sflag:s20] =	ssyncset.done $0x0  }
0xf5: {  	[sflag:s20] =	ssyncadd.s32 $0xFFFFFF80  }
0xf6: {  	_ =	swait.ge [sflag:s20], $0x80  }
0xf7: {  	[sflag:s20] =	ssyncset.done $0x0  }
0xf8: {  	[sflag:s20] =	ssyncadd.s32 $0xFFFFFF80  }
0xf9: {  	[tilespmem:s12], [sflag:$0x5] =	stream.indirect.gather [hbm4b:s7+s11], $0x80, s6, s11, $0xb8;
	[tilespmem:$0x1ED00] =	vst v63  }
0xfa: {  	_ =	swait.ge [sflag:s13], $0x4000  }
0xfb: {  	[sflag:s13] =	ssyncset.done $0x0  }
0xfc: {  	[sflag:s13] =	ssyncadd.s32 $0xFFFFC000  }
0xfd: {  	[spmem:s2] =	stream.indirect.scatter.add.f32 [tilespmem:s12], [sflag:$0x7], $0x80, s8, s11, $0xb8;
	[tilespmem:$0x1ED00] =	vst v63  }
0xfe: {  	_ =	swait.ge [sflag:s21], $0x4000  }
0xff: {  	s24 =	rddreg [dreg:$0x6];
	[sflag:s21] =	ssyncset.done $0x0  }
0x100: {  	s29 =	rddreg [dreg:$0x5];
	[sflag:s21] =	ssyncadd.s32 $0xFFFFC000;
	s23 =	sadd.s32 $0x0, s24  }
0x101: {  	[tilespmem:s4], [sflag:$0x2] =	stream.linear.gather [hbm4b:s23+s3], $0x80, $0x38;
	[tilespmem:$0x1ED00] =	vst v63  }
0x102: {  	s25 =	sadd.s32 $0x0, s29  }
0x103: {  	[tilespmem:s5], [sflag:$0x2] =	stream.linear.gather [hbm4b:s25+s3], $0x80, $0x38;
	[tilespmem:$0x1ED00] =	vst v63  }
0x104: {  	_ =	swait.ge [sflag:s22], $0x80  }
0x105: {  	[sflag:s22] =	ssyncset.done $0x0  }
0x106: {  	[sflag:s22] =	ssyncadd.s32 $0xFFFFFF80  }
0x107: {  	_ =	swait.ge [sflag:s22], $0x80  }
0x108: {  	[sflag:s22] =	ssyncset.done $0x0  }
0x109: {  	[sflag:s22] =	ssyncadd.s32 $0xFFFFFF80  }
0x10a: {  	[tilespmem:s17], [sflag:$0x6] =	stream.indirect.gather [hbm4b:s7+s11], $0x80, s14, s11, $0xb8;
	[tilespmem:$0x1ED00] =	vst v63  }
0x10b: {  	_ =	swait.ge [sflag:s18], $0x4000  }
0x10c: {  	[sflag:s18] =	ssyncset.done $0x0  }
0x10d: {  	[sflag:s18] =	ssyncadd.s32 $0xFFFFC000  }
0x10e: {  	[spmem:s2] =	stream.indirect.scatter.add.f32 [tilespmem:s17], [sflag:$0x8], $0x80, s15, s11, $0xb8;
	[tilespmem:$0x1ED00] =	vst v63  }
0x10f: {  	_ =	swait.ge [sflag:s19], $0x4000  }
0x110: {  	s24 =	rddreg [dreg:$0x4];
	[sflag:s19] =	ssyncset.done $0x0  }
0x111: {  	s29 =	rddreg [dreg:$0x3];
	[sflag:s19] =	ssyncadd.s32 $0xFFFFC000;
	s23 =	sadd.s32 $0x0, s24  }
0x112: {  	[tilespmem:s6], [sflag:$0x3] =	stream.linear.gather [hbm4b:s23+s3], $0x80, $0x38;
	[tilespmem:$0x1ED00] =	vst v63  }
0x113: {  	s25 =	sadd.s32 $0x0, s29  }
0x114: {  	[tilespmem:s8], [sflag:$0x3] =	stream.linear.gather [hbm4b:s25+s3], $0x80, $0x38;
	[tilespmem:$0x1ED00] =	vst v63  }
0x115: {  	_ =	swait.ge [sflag:s10], $0x80  }
0x116: {  	[sflag:s10] =	ssyncset.done $0x0  }
0x117: {  	[sflag:s10] =	ssyncadd.s32 $0xFFFFFF80  }
0x118: {  	_ =	swait.ge [sflag:s10], $0x80  }
0x119: {  	[sflag:s10] =	ssyncset.done $0x0  }
0x11a: {  	s29 =	simm.s32 $0x40;
	[sflag:s10] =	ssyncadd.s32 $0xFFFFFF80  }
.LBB2_2:
0x11b: {  	[tilespmem:s12], [sflag:$0x5] =	stream.indirect.gather [hbm4b:s7+s11], $0x80, s0, s11, $0xb8;
	[tilespmem:$0x1ED00] =	vst v63  }
0x11c: {  	_ =	swait.ge [sflag:s13], $0x4000  }
0x11d: {  	[sflag:s13] =	ssyncset.done $0x0  }
0x11e: {  	[sflag:s13] =	ssyncadd.s32 $0xFFFFC000  }
0x11f: {  	[spmem:s2] =	stream.indirect.scatter.add.f32 [tilespmem:s12], [sflag:$0x7], $0x80, s1, s11, $0xb8;
	[tilespmem:$0x1ED00] =	vst v63  }
0x120: {  	_ =	swait.ge [sflag:s21], $0x4000  }
0x121: {  	s23 =	smov.u32 s29;
	s24 =	rddreg [dreg:$0xa];
	[sflag:s21] =	ssyncset.done $0x0  }
0x122: {  	s25 =	rddreg [dreg:$0x9];
	[sflag:s21] =	ssyncadd.s32 $0xFFFFC000;
	s24 =	sadd.s32 s23, s24  }
0x123: {  	[tilespmem:s14], [sflag:$0x4] =	stream.linear.gather [hbm4b:s24+s3], $0x80, $0x38;
	[tilespmem:$0x1ED00] =	vst v63  }
0x124: {  	s25 =	sadd.s32 s23, s25  }
0x125: {  	[tilespmem:s15], [sflag:$0x4] =	stream.linear.gather [hbm4b:s25+s3], $0x80, $0x38;
	[tilespmem:$0x1ED00] =	vst v63  }
0x126: {  	_ =	swait.ge [sflag:s16], $0x80  }
0x127: {  	[sflag:s16] =	ssyncset.done $0x0  }
0x128: {  	[sflag:s16] =	ssyncadd.s32 $0xFFFFFF80  }
0x129: {  	_ =	swait.ge [sflag:s16], $0x80  }
0x12a: {  	[sflag:s16] =	ssyncset.done $0x0  }
0x12b: {  	[sflag:s16] =	ssyncadd.s32 $0xFFFFFF80  }
0x12c: {  	[tilespmem:s17], [sflag:$0x6] =	stream.indirect.gather [hbm4b:s7+s11], $0x80, s4, s11, $0xb8;
	[tilespmem:$0x1ED00] =	vst v63  }
0x12d: {  	_ =	swait.ge [sflag:s18], $0x4000  }
0x12e: {  	[sflag:s18] =	ssyncset.done $0x0  }
0x12f: {  	[sflag:s18] =	ssyncadd.s32 $0xFFFFC000  }
0x130: {  	[spmem:s2] =	stream.indirect.scatter.add.f32 [tilespmem:s17], [sflag:$0x8], $0x80, s5, s11, $0xb8;
	[tilespmem:$0x1ED00] =	vst v63  }
0x131: {  	_ =	swait.ge [sflag:s19], $0x4000  }
0x132: {  	s24 =	rddreg [dreg:$0x8];
	[sflag:s19] =	ssyncset.done $0x0  }
0x133: {  	s25 =	rddreg [dreg:$0x7];
	[sflag:s19] =	ssyncadd.s32 $0xFFFFC000;
	s24 =	sadd.s32 s23, s24  }
0x134: {  	[tilespmem:s0], [sflag:$0x1] =	stream.linear.gather [hbm4b:s24+s3], $0x80, $0x38;
	[tilespmem:$0x1ED00] =	vst v63  }
0x135: {  	s25 =	sadd.s32 s23, s25  }
0x136: {  	[tilespmem:s1], [sflag:$0x1] =	stream.linear.gather [hbm4b:s25+s3], $0x80, $0x38;
	[tilespmem:$0x1ED00] =	vst v63  }
0x137: {  	_ =	swait.ge [sflag:s20], $0x80  }
0x138: {  	[sflag:s20] =	ssyncset.done $0x0  }
0x139: {  	[sflag:s20] =	ssyncadd.s32 $0xFFFFFF80  }
0x13a: {  	_ =	swait.ge [sflag:s20], $0x80  }
0x13b: {  	[sflag:s20] =	ssyncset.done $0x0  }
0x13c: {  	[sflag:s20] =	ssyncadd.s32 $0xFFFFFF80  }
0x13d: {  	[tilespmem:s12], [sflag:$0x5] =	stream.indirect.gather [hbm4b:s7+s11], $0x80, s6, s11, $0xb8;
	[tilespmem:$0x1ED00] =	vst v63  }
0x13e: {  	_ =	swait.ge [sflag:s13], $0x4000  }
0x13f: {  	[sflag:s13] =	ssyncset.done $0x0  }
0x140: {  	[sflag:s13] =	ssyncadd.s32 $0xFFFFC000  }
0x141: {  	[spmem:s2] =	stream.indirect.scatter.add.f32 [tilespmem:s12], [sflag:$0x7], $0x80, s8, s11, $0xb8;
	[tilespmem:$0x1ED00] =	vst v63  }
0x142: {  	_ =	swait.ge [sflag:s21], $0x4000  }
0x143: {  	s24 =	rddreg [dreg:$0x6];
	[sflag:s21] =	ssyncset.done $0x0  }
0x144: {  	s25 =	rddreg [dreg:$0x5];
	[sflag:s21] =	ssyncadd.s32 $0xFFFFC000;
	s24 =	sadd.s32 s23, s24  }
0x145: {  	[tilespmem:s4], [sflag:$0x2] =	stream.linear.gather [hbm4b:s24+s3], $0x80, $0x38;
	[tilespmem:$0x1ED00] =	vst v63  }
0x146: {  	s25 =	sadd.s32 s23, s25  }
0x147: {  	[tilespmem:s5], [sflag:$0x2] =	stream.linear.gather [hbm4b:s25+s3], $0x80, $0x38;
	[tilespmem:$0x1ED00] =	vst v63  }
0x148: {  	_ =	swait.ge [sflag:s22], $0x80  }
0x149: {  	[sflag:s22] =	ssyncset.done $0x0  }
0x14a: {  	[sflag:s22] =	ssyncadd.s32 $0xFFFFFF80  }
0x14b: {  	_ =	swait.ge [sflag:s22], $0x80  }
0x14c: {  	[sflag:s22] =	ssyncset.done $0x0  }
0x14d: {  	[sflag:s22] =	ssyncadd.s32 $0xFFFFFF80  }
0x14e: {  	[tilespmem:s17], [sflag:$0x6] =	stream.indirect.gather [hbm4b:s7+s11], $0x80, s14, s11, $0xb8;
	[tilespmem:$0x1ED00] =	vst v63  }
0x14f: {  	_ =	swait.ge [sflag:s18], $0x4000  }
0x150: {  	[sflag:s18] =	ssyncset.done $0x0  }
0x151: {  	[sflag:s18] =	ssyncadd.s32 $0xFFFFC000  }
0x152: {  	[spmem:s2] =	stream.indirect.scatter.add.f32 [tilespmem:s17], [sflag:$0x8], $0x80, s15, s11, $0xb8;
	[tilespmem:$0x1ED00] =	vst v63  }
0x153: {  	_ =	swait.ge [sflag:s19], $0x4000  }
0x154: {  	s24 =	rddreg [dreg:$0x4];
	[sflag:s19] =	ssyncset.done $0x0  }
0x155: {  	s25 =	rddreg [dreg:$0x3];
	[sflag:s19] =	ssyncadd.s32 $0xFFFFC000;
	s24 =	sadd.s32 s23, s24  }
0x156: {  	[tilespmem:s6], [sflag:$0x3] =	stream.linear.gather [hbm4b:s24+s3], $0x80, $0x38;
	[tilespmem:$0x1ED00] =	vst v63  }
0x157: {  	s23 =	sadd.s32 s23, s25  }
0x158: {  	[tilespmem:s8], [sflag:$0x3] =	stream.linear.gather [hbm4b:s23+s3], $0x80, $0x38;
	[tilespmem:$0x1ED00] =	vst v63  }
0x159: {  	p0 =	sne.s32 s29, $0x400;
	_ =	swait.ge [sflag:s10], $0x80  }
.Ltmp0:
0x15a: {  	[sflag:s10] =	ssyncset.done $0x0;
	(pc) =	sbr.rel @p0 .LBB2_2-.Ltmp0, $4  }
0x15b: {  	[sflag:s10] =	ssyncadd.s32 $0xFFFFFF80  }
0x15c: {  	_ =	swait.ge [sflag:s10], $0x80  }
0x15d: {  	[sflag:s10] =	ssyncset.done $0x0  }
0x15e: {  	s29 =	sadd.s32 $0x40, s29;
	[sflag:s10] =	ssyncadd.s32 $0xFFFFFF80  }
0x15f: {  	[tilespmem:s12], [sflag:$0x5] =	stream.indirect.gather [hbm4b:s7+s11], $0x80, s0, s11, $0xb8;
	[tilespmem:$0x1ED00] =	vst v63  }
0x160: {  	_ =	swait.ge [sflag:s13], $0x4000  }
0x161: {  	[sflag:s13] =	ssyncset.done $0x0  }
0x162: {  	[sflag:s13] =	ssyncadd.s32 $0xFFFFC000  }
0x163: {  	[spmem:s2] =	stream.indirect.scatter.add.f32 [tilespmem:s12], [sflag:$0x7], $0x80, s1, s11, $0xb8;
	[tilespmem:$0x1ED00] =	vst v63  }
0x164: {  	_ =	swait.ge [sflag:s21], $0x4000  }
0x165: {  	[sflag:s21] =	ssyncset.done $0x0  }
0x166: {  	s23 =	rddreg [dreg:$0x17];
	[sflag:s21] =	ssyncadd.s32 $0xFFFFC000  }
0x167: {  	[tilespmem:s14], [sflag:$0x4] =	stream.linear.gather [hbm4b:s23+s3], $0x80, $0x38;
	[tilespmem:$0x1ED00] =	vst v63  }
0x168: {  	s29 =	rddreg [dreg:$0x18]  }
0x169: {  	[tilespmem:s15], [sflag:$0x4] =	stream.linear.gather [hbm4b:s29+s3], $0x80, $0x38;
	[tilespmem:$0x1ED00] =	vst v63  }
0x16a: {  	_ =	swait.ge [sflag:s16], $0x80  }
0x16b: {  	[sflag:s16] =	ssyncset.done $0x0  }
0x16c: {  	[sflag:s16] =	ssyncadd.s32 $0xFFFFFF80  }
0x16d: {  	_ =	swait.ge [sflag:s16], $0x80  }
0x16e: {  	[sflag:s16] =	ssyncset.done $0x0  }
0x16f: {  	[sflag:s16] =	ssyncadd.s32 $0xFFFFFF80  }
0x170: {  	[tilespmem:s17], [sflag:$0x6] =	stream.indirect.gather [hbm4b:s7+s11], $0x80, s4, s11, $0xb8;
	[tilespmem:$0x1ED00] =	vst v63  }
0x171: {  	_ =	swait.ge [sflag:s18], $0x4000  }
0x172: {  	[sflag:s18] =	ssyncset.done $0x0  }
0x173: {  	[sflag:s18] =	ssyncadd.s32 $0xFFFFC000  }
0x174: {  	[spmem:s2] =	stream.indirect.scatter.add.f32 [tilespmem:s17], [sflag:$0x8], $0x80, s5, s11, $0xb8;
	[tilespmem:$0x1ED00] =	vst v63  }
0x175: {  	_ =	swait.ge [sflag:s19], $0x4000  }
0x176: {  	[sflag:s19] =	ssyncset.done $0x0  }
0x177: {  	[sflag:s19] =	ssyncadd.s32 $0xFFFFC000  }
0x178: {  	_ =	swait.ge [sflag:s20], $0x80  }
0x179: {  	[sflag:s20] =	ssyncset.done $0x0  }
0x17a: {  	[sflag:s20] =	ssyncadd.s32 $0xFFFFFF80  }
0x17b: {  	_ =	swait.ge [sflag:s20], $0x80  }
0x17c: {  	[sflag:s20] =	ssyncset.done $0x0  }
0x17d: {  	[sflag:s20] =	ssyncadd.s32 $0xFFFFFF80  }
0x17e: {  	[tilespmem:s12], [sflag:$0x5] =	stream.indirect.gather [hbm4b:s7+s11], $0x80, s6, s11, $0xb8;
	[tilespmem:$0x1ED00] =	vst v63  }
0x17f: {  	_ =	swait.ge [sflag:s13], $0x4000  }
0x180: {  	[sflag:s13] =	ssyncset.done $0x0  }
0x181: {  	[sflag:s13] =	ssyncadd.s32 $0xFFFFC000  }
0x182: {  	[spmem:s2] =	stream.indirect.scatter.add.f32 [tilespmem:s12], [sflag:$0x7], $0x80, s8, s11, $0xb8;
	[tilespmem:$0x1ED00] =	vst v63  }
0x183: {  	_ =	swait.ge [sflag:s21], $0x4000  }
0x184: {  	[sflag:s21] =	ssyncset.done $0x0  }
0x185: {  	[sflag:s21] =	ssyncadd.s32 $0xFFFFC000  }
0x186: {  	_ =	swait.ge [sflag:s22], $0x80  }
0x187: {  	[sflag:s22] =	ssyncset.done $0x0  }
0x188: {  	[sflag:s22] =	ssyncadd.s32 $0xFFFFFF80  }
0x189: {  	_ =	swait.ge [sflag:s22], $0x80  }
0x18a: {  	[sflag:s22] =	ssyncset.done $0x0  }
0x18b: {  	[sflag:s22] =	ssyncadd.s32 $0xFFFFFF80  }
0x18c: {  	[tilespmem:s17], [sflag:$0x6] =	stream.indirect.gather [hbm4b:s7+s11], $0x80, s14, s11, $0xb8;
	[tilespmem:$0x1ED00] =	vst v63  }
0x18d: {  	_ =	swait.ge [sflag:s18], $0x4000  }
0x18e: {  	[sflag:s18] =	ssyncset.done $0x0  }
0x18f: {  	[sflag:s18] =	ssyncadd.s32 $0xFFFFC000  }
0x190: {  	[spmem:s2] =	stream.indirect.scatter.add.f32 [tilespmem:s17], [sflag:$0x8], $0x80, s15, s11, $0xb8;
	[tilespmem:$0x1ED00] =	vst v63  }
0x191: {  	_ =	swait.ge [sflag:s19], $0x4000  }
0x192: {  	[sflag:s19] =	ssyncset.done $0x0  }
0x193: {  	[sflag:s19] =	ssyncadd.s32 $0xFFFFC000  }
0x194: {  	_ =	swait.ge [sflag:s21], $0x4000  }
0x195: {  	[sflag:s21] =	ssyncset.done $0x0  }
0x196: {  	s24 =	rddreg [dreg:$0x19];
	[sflag:s21] =	ssyncadd.s32 $0xFFFFC000  }
0x197: {  	[tilespmem:s0], [sflag:$0x9] =	stream.linear.gather [hbm4b:s24+s3], $0x80, $0x38;
	[tilespmem:$0x1ED00] =	vst v63  }
0x198: {  	_ =	swait.ge [sflag:s31], $0x80  }
0x199: {  	[sflag:s31] =	ssyncset.done $0x0  }
0x19a: {  	s25 =	rddreg [dreg:$0x1a];
	[sflag:s31] =	ssyncadd.s32 $0xFFFFFF80  }
0x19b: {  	[tilespmem:s1], [sflag:$0x9] =	stream.linear.gather [hbm4b:s25+s3], $0x80, $0x38;
	[tilespmem:$0x1ED00] =	vst v63  }
0x19c: {  	_ =	swait.ge [sflag:s31], $0x80  }
0x19d: {  	[sflag:s31] =	ssyncset.done $0x0  }
0x19e: {  	[sflag:s31] =	ssyncadd.s32 $0xFFFFFF80  }
0x19f: {  	[tilespmem:s12], [sflag:$0x5] =	stream.indirect.gather [hbm4b:s7+s11], $0x80, s0, s11, $0xb8;
	[tilespmem:$0x1ED00] =	vst v63  }
0x1a0: {  	_ =	swait.ge [sflag:s13], $0x4000  }
0x1a1: {  	[sflag:s13] =	ssyncset.done $0x0  }
0x1a2: {  	[sflag:s13] =	ssyncadd.s32 $0xFFFFC000  }
0x1a3: {  	[spmem:s2] =	stream.indirect.scatter.add.f32 [tilespmem:s12], [sflag:$0x9], $0x80, s1, s11, $0xb8;
	[tilespmem:$0x1ED00] =	vst v63  }
0x1a4: {  	_ =	swait.ge [sflag:s31], $0x4000  }
0x1a5: {  	[sflag:s31] =	ssyncset.done $0x0  }
0x1a6: {  	s29 =	rddreg [dreg:$0x1d];
	[sflag:s31] =	ssyncadd.s32 $0xFFFFC000  }
0x1a7: {  	[tilespmem:s0], [sflag:$0x9] =	stream.linear.gather [hbm4b:s29+s3], $0x80, $0x38;
	[tilespmem:$0x1ED00] =	vst v63  }
0x1a8: {  	_ =	swait.ge [sflag:s31], $0x80  }
0x1a9: {  	[sflag:s31] =	ssyncset.done $0x0  }
0x1aa: {  	s24 =	rddreg [dreg:$0x1e];
	[sflag:s31] =	ssyncadd.s32 $0xFFFFFF80  }
0x1ab: {  	[tilespmem:s1], [sflag:$0x9] =	stream.linear.gather [hbm4b:s24+s3], $0x80, $0x38;
	[tilespmem:$0x1ED00] =	vst v63  }
0x1ac: {  	_ =	swait.ge [sflag:s31], $0x80  }
0x1ad: {  	[sflag:s31] =	ssyncset.done $0x0  }
0x1ae: {  	[sflag:s31] =	ssyncadd.s32 $0xFFFFFF80  }
0x1af: {  	[tilespmem:s12], [sflag:$0x5] =	stream.indirect.gather [hbm4b:s7+s11], $0x80, s0, s11, $0xb8;
	[tilespmem:$0x1ED00] =	vst v63  }
0x1b0: {  	_ =	swait.ge [sflag:s13], $0x4000  }
0x1b1: {  	[sflag:s13] =	ssyncset.done $0x0  }
0x1b2: {  	[sflag:s13] =	ssyncadd.s32 $0xFFFFC000  }
0x1b3: {  	[spmem:s2] =	stream.indirect.scatter.add.f32 [tilespmem:s12], [sflag:$0x9], $0x80, s1, s11, $0xb8;
	[tilespmem:$0x1ED00] =	vst v63  }
0x1b4: {  	_ =	swait.ge [sflag:s31], $0x4000  }
0x1b5: {  	s25 =	sld [smem:$0x7DF]  }
0x1b6: {  	[sflag:s31] =	ssyncset.done $0x0  }
0x1b7: {  	s24 =	simm.s32 $0x1C400;
	[sflag:s31] =	ssyncadd.s32 $0xFFFFC000  }
0x1b8: {  	[tilespmem:s24], [sflag:$0x9] =	stream.linear.gather [hbm4b:s25+s3], $0x10, $0x38;
	[tilespmem:$0x1ED00] =	vst v63  }
0x1b9: {  	_ =	swait.ge [sflag:s31], $0x10  }
0x1ba: {  	[sflag:s31] =	ssyncset.done $0x0  }
0x1bb: {  	s25 =	simm.s32 $0x1C480;
	s29 =	rddreg [dreg:$0x1f];
	[sflag:s31] =	ssyncadd.s32 $0xFFFFFFF0  }
0x1bc: {  	[tilespmem:s25], [sflag:$0x9] =	stream.linear.gather [hbm4b:s29+s3], $0x10, $0x38;
	[tilespmem:$0x1ED00] =	vst v63  }
0x1bd: {  	_ =	swait.ge [sflag:s31], $0x10  }
0x1be: {  	[sflag:s31] =	ssyncset.done $0x0  }
0x1bf: {  	s29 =	simm.s32 $0x10;
	[sflag:s31] =	ssyncadd.s32 $0xFFFFFFF0  }
0x1c0: {  	[tilespmem:s26], [sflag:$0x5] =	stream.indirect.gather [hbm4b:s7+s29], $0x80, s24, s29, $0xb8;
	[tilespmem:$0x1ED00] =	vst v63  }
0x1c1: {  	_ =	swait.ge [sflag:s13], $0x800  }
0x1c2: {  	[sflag:s13] =	ssyncset.done $0x0  }
0x1c3: {  	[sflag:s13] =	ssyncadd.s32 $0xFFFFF800  }
0x1c4: {  	[spmem:s2] =	stream.indirect.scatter.add.f32 [tilespmem:s26], [sflag:$0x9], $0x80, s25, s29, $0xb8;
	[tilespmem:$0x1ED00] =	vst v63  }
0x1c5: {  	_ =	swait.ge [sflag:s31], $0x800  }
0x1c6: {  	[sflag:s31] =	ssyncset.done $0x0  }
0x1c7: {  	[sflag:s31] =	ssyncadd.s32 $0xFFFFF800  }
0x1c8: {  	[bflag:$0x0] =	sbarrier.arrive $0xFFFF  }
0x1c9: {  	[tilespmem:s30], [sflag:$0x9] =	stream.linear.gather [spmem:s9], $0x2000, $0x38;
	[tilespmem:$0x1ED00] =	vst v63  }
0x1ca: {  	_ =	swait.ge [sflag:s31], $0x2000  }
0x1cb: {  	s25 =	sld [smem:$0x7E0]  }
0x1cc: {  	[sflag:s31] =	ssyncset.done $0x0  }
0x1cd: {  	[sflag:s31] =	ssyncadd.s32 $0xFFFFE000  }
0x1ce: {  	[hbm4b:s25+s3] =	stream.linear.scatter [tilespmem:s30], [sflag:$0x9], $0x2000, $0x38;
	[tilespmem:$0x1ED00] =	vst v63  }
0x1cf: {  	_ =	swait.ge [sflag:s31], $0x2000  }
0x1d0: {  	s29 =	sld [smem:$0x7EC]  }
0x1d1: {  	[sflag:s31] =	ssyncset.done $0x0  }
0x1d2: {  	[sflag:s31] =	ssyncadd.s32 $0xFFFFE000  }
0x1d3: {  	[tilespmem:s30], [sflag:$0x9] =	stream.linear.gather [spmem:s29], $0x2000, $0x38;
	[tilespmem:$0x1ED00] =	vst v63  }
0x1d4: {  	_ =	swait.ge [sflag:s31], $0x2000  }
0x1d5: {  	s24 =	sld [smem:$0x7E1]  }
0x1d6: {  	[sflag:s31] =	ssyncset.done $0x0  }
0x1d7: {  	[sflag:s31] =	ssyncadd.s32 $0xFFFFE000  }
0x1d8: {  	[hbm4b:s24+s3] =	stream.linear.scatter [tilespmem:s30], [sflag:$0x9], $0x2000, $0x38;
	[tilespmem:$0x1ED00] =	vst v63  }
0x1d9: {  	_ =	swait.ge [sflag:s31], $0x2000  }
0x1da: {  	s25 =	sld [smem:$0x7ED]  }
0x1db: {  	[sflag:s31] =	ssyncset.done $0x0  }
0x1dc: {  	[sflag:s31] =	ssyncadd.s32 $0xFFFFE000  }
0x1dd: {  	[tilespmem:s30], [sflag:$0x9] =	stream.linear.gather [spmem:s25], $0x2000, $0x38;
	[tilespmem:$0x1ED00] =	vst v63  }
0x1de: {  	_ =	swait.ge [sflag:s31], $0x2000  }
0x1df: {  	s29 =	sld [smem:$0x7E2]  }
0x1e0: {  	[sflag:s31] =	ssyncset.done $0x0  }
0x1e1: {  	[sflag:s31] =	ssyncadd.s32 $0xFFFFE000  }
0x1e2: {  	[hbm4b:s29+s3] =	stream.linear.scatter [tilespmem:s30], [sflag:$0x9], $0x2000, $0x38;
	[tilespmem:$0x1ED00] =	vst v63  }
0x1e3: {  	_ =	swait.ge [sflag:s31], $0x2000  }
0x1e4: {  	s24 =	sld [smem:$0x7EE]  }
0x1e5: {  	[sflag:s31] =	ssyncset.done $0x0  }
0x1e6: {  	[sflag:s31] =	ssyncadd.s32 $0xFFFFE000  }
0x1e7: {  	[tilespmem:s30], [sflag:$0x9] =	stream.linear.gather [spmem:s24], $0x2000, $0x38;
	[tilespmem:$0x1ED00] =	vst v63  }
0x1e8: {  	_ =	swait.ge [sflag:s31], $0x2000  }
0x1e9: {  	s25 =	sld [smem:$0x7E3]  }
0x1ea: {  	[sflag:s31] =	ssyncset.done $0x0  }
0x1eb: {  	[sflag:s31] =	ssyncadd.s32 $0xFFFFE000  }
0x1ec: {  	[hbm4b:s25+s3] =	stream.linear.scatter [tilespmem:s30], [sflag:$0x9], $0x2000, $0x38;
	[tilespmem:$0x1ED00] =	vst v63  }
0x1ed: {  	_ =	swait.ge [sflag:s31], $0x2000  }
0x1ee: {  	s29 =	sld [smem:$0x7EF]  }
0x1ef: {  	[sflag:s31] =	ssyncset.done $0x0  }
0x1f0: {  	[sflag:s31] =	ssyncadd.s32 $0xFFFFE000  }
0x1f1: {  	[tilespmem:s30], [sflag:$0x9] =	stream.linear.gather [spmem:s29], $0x2000, $0x38;
	[tilespmem:$0x1ED00] =	vst v63  }
0x1f2: {  	_ =	swait.ge [sflag:s31], $0x2000  }
0x1f3: {  	s24 =	sld [smem:$0x7E4]  }
0x1f4: {  	[sflag:s31] =	ssyncset.done $0x0  }
0x1f5: {  	[sflag:s31] =	ssyncadd.s32 $0xFFFFE000  }
0x1f6: {  	[hbm4b:s24+s3] =	stream.linear.scatter [tilespmem:s30], [sflag:$0x9], $0x2000, $0x38;
	[tilespmem:$0x1ED00] =	vst v63  }
0x1f7: {  	_ =	swait.ge [sflag:s31], $0x2000  }
0x1f8: {  	s25 =	sld [smem:$0x7F0]  }
0x1f9: {  	[sflag:s31] =	ssyncset.done $0x0  }
0x1fa: {  	[sflag:s31] =	ssyncadd.s32 $0xFFFFE000  }
0x1fb: {  	[tilespmem:s30], [sflag:$0x9] =	stream.linear.gather [spmem:s25], $0x2000, $0x38;
	[tilespmem:$0x1ED00] =	vst v63  }
0x1fc: {  	_ =	swait.ge [sflag:s31], $0x2000  }
0x1fd: {  	s29 =	sld [smem:$0x7E5]  }
0x1fe: {  	[sflag:s31] =	ssyncset.done $0x0  }
0x1ff: {  	[sflag:s31] =	ssyncadd.s32 $0xFFFFE000  }
0x200: {  	[hbm4b:s29+s3] =	stream.linear.scatter [tilespmem:s30], [sflag:$0x9], $0x2000, $0x38;
	[tilespmem:$0x1ED00] =	vst v63  }
0x201: {  	_ =	swait.ge [sflag:s31], $0x2000  }
0x202: {  	s24 =	sld [smem:$0x7F1]  }
0x203: {  	[sflag:s31] =	ssyncset.done $0x0  }
0x204: {  	[sflag:s31] =	ssyncadd.s32 $0xFFFFE000  }
0x205: {  	[tilespmem:s30], [sflag:$0x9] =	stream.linear.gather [spmem:s24], $0x2000, $0x38;
	[tilespmem:$0x1ED00] =	vst v63  }
0x206: {  	_ =	swait.ge [sflag:s31], $0x2000  }
0x207: {  	s25 =	sld [smem:$0x7E6]  }
0x208: {  	[sflag:s31] =	ssyncset.done $0x0  }
0x209: {  	[sflag:s31] =	ssyncadd.s32 $0xFFFFE000  }
0x20a: {  	[hbm4b:s25+s3] =	stream.linear.scatter [tilespmem:s30], [sflag:$0x9], $0x2000, $0x38;
	[tilespmem:$0x1ED00] =	vst v63  }
0x20b: {  	_ =	swait.ge [sflag:s31], $0x2000  }
0x20c: {  	s29 =	sld [smem:$0x7F2]  }
0x20d: {  	[sflag:s31] =	ssyncset.done $0x0  }
0x20e: {  	[sflag:s31] =	ssyncadd.s32 $0xFFFFE000  }
0x20f: {  	[tilespmem:s30], [sflag:$0x9] =	stream.linear.gather [spmem:s29], $0x2000, $0x38;
	[tilespmem:$0x1ED00] =	vst v63  }
0x210: {  	_ =	swait.ge [sflag:s31], $0x2000  }
0x211: {  	s24 =	sld [smem:$0x7E7]  }
0x212: {  	[sflag:s31] =	ssyncset.done $0x0  }
0x213: {  	[sflag:s31] =	ssyncadd.s32 $0xFFFFE000  }
0x214: {  	[hbm4b:s24+s3] =	stream.linear.scatter [tilespmem:s30], [sflag:$0x9], $0x2000, $0x38;
	[tilespmem:$0x1ED00] =	vst v63  }
0x215: {  	_ =	swait.ge [sflag:s31], $0x2000  }
0x216: {  	s25 =	sld [smem:$0x7F3]  }
0x217: {  	[sflag:s31] =	ssyncset.done $0x0  }
0x218: {  	[sflag:s31] =	ssyncadd.s32 $0xFFFFE000  }
0x219: {  	[tilespmem:s30], [sflag:$0x9] =	stream.linear.gather [spmem:s25], $0x2000, $0x38;
	[tilespmem:$0x1ED00] =	vst v63  }
0x21a: {  	_ =	swait.ge [sflag:s31], $0x2000  }
0x21b: {  	s29 =	sld [smem:$0x7E8]  }
0x21c: {  	[sflag:s31] =	ssyncset.done $0x0  }
0x21d: {  	[sflag:s31] =	ssyncadd.s32 $0xFFFFE000  }
0x21e: {  	[hbm4b:s29+s3] =	stream.linear.scatter [tilespmem:s30], [sflag:$0x9], $0x2000, $0x38;
	[tilespmem:$0x1ED00] =	vst v63  }
0x21f: {  	_ =	swait.ge [sflag:s31], $0x2000  }
0x220: {  	s24 =	sld [smem:$0x7F4]  }
0x221: {  	[sflag:s31] =	ssyncset.done $0x0  }
0x222: {  	[sflag:s31] =	ssyncadd.s32 $0xFFFFE000  }
0x223: {  	[tilespmem:s30], [sflag:$0x9] =	stream.linear.gather [spmem:s24], $0x2000, $0x38;
	[tilespmem:$0x1ED00] =	vst v63  }
0x224: {  	_ =	swait.ge [sflag:s31], $0x2000  }
0x225: {  	s25 =	sld [smem:$0x7E9]  }
0x226: {  	[sflag:s31] =	ssyncset.done $0x0  }
0x227: {  	[sflag:s31] =	ssyncadd.s32 $0xFFFFE000  }
0x228: {  	[hbm4b:s25+s3] =	stream.linear.scatter [tilespmem:s30], [sflag:$0x9], $0x2000, $0x38;
	[tilespmem:$0x1ED00] =	vst v63  }
0x229: {  	_ =	swait.ge [sflag:s31], $0x2000  }
0x22a: {  	s29 =	sld [smem:$0x7EB];
	_ =	sdelay $0x1  }
0x22b: {  	s28 =	sadd.s32 $0x1, s28  }
0x22c: {  	p0 =	sne.s32 s28, s29  }
.Ltmp1:
0x22d: {  	_ = 	snop;
	(pc) =	sbr.rel @p0 .LBB2_1-.Ltmp1, $3  }
0x22e: {  	_ =	sdelay $0x1  }
0x22f: {  	[sflag:s31] =	ssyncset.done $0x0  }
0x230: {  	[sflag:s31] =	ssyncadd.s32 $0xFFFFE000  }
0x231: {  	_ =	sfence.sel $0x180000  }
0x232: {  	[bflag:$0x0] =	sbarrier.arrive $0xFFFF  }
0x233: {  	_ =	strace $0x90000047  }
0x234: {  	s0 =	stileid.u32;
	[bflag:$0x2] =	sbarrier.arrive $0xFFFF  }
0x235: {  	p0 =	sne.s32 s0, $0x0;
	s0 =	rddreg [dreg:$0x2]  }
0x236: {  	s0 =	sadd.s32 @!p0 $0x100000, s0  }
0x237: {  	[sflag:s0] =	ssyncadd.tile.s32 @!p0 $0x1;
	_ =	shalt  }
.Lfunc_end2:
_tile_overlayer_lowered:
.L_overlay_start_2:
0x238: {  	(tag) =	ssettag $0x2  }
0x239: {  	s0 =	rddreg [dreg:$0x0];
	s2 =	stileid.u32  }
0x23a: {  	s1 =	rddreg [dreg:$0x1];
	p0 =	sne.s32 s2, $0x0  }
0x23b: {  	s3 =	rddreg [dreg:$0x2];
	[bflag:$0x3] =	sbarrier.arrive $0xFFFF;
	s2 =	simm.s32 @!p0 $0x1C09  }
0x23c: {  	[timem:s3], [sflag:s2] =	dma.local @!p0 [hbm:s0], s1  }
0x23d: {  	s0 =	simm.s32 @!p0 $0x9  }
0x23e: {  	_ =	swait.ge @!p0 [sflag:s0], s1  }
0x23f: {  	s1 =	ssub.s32 @!p0 $0x0, s1;
	[sflag:s0] =	ssyncset.done @!p0 $0x0  }
0x240: {  	[sflag:s0] =	ssyncadd.s32 @!p0 s1  }
0x241: {  	[bflag:$0x3] =	sbarrier.arrive $0xFFFF  }
0x242: {  	_ =	shalt  }

</sc_bundles>
